<compile_context>
chip_gen: v7x
topology: tpu7x:2x2x1
jax: 0.10.2.dev20260603
libtpu: 0.0.44.dev20260713+nightly
codegen_flags: <defaults>
</compile_context>

<pallas_src>
import functools

import jax
import jax.numpy as jnp
from jax import lax
from jax.experimental import pallas as pl
from jax.experimental.pallas import tpu as pltpu
from jax.experimental.pallas import tpu_sc as plsc

BATCH = 1024
SENT_LEN = 200
WORD_DIM = 64
FEAT_DIM = 32
LABEL_VOCAB = 50
LABEL_DIM = 128
OUT_DIM = WORD_DIM + 2 * FEAT_DIM

NUM_WORKERS = 32

TOKENS = BATCH * SENT_LEN
TOK_PER_W = TOKENS // NUM_WORKERS
TOK_CHUNK = 128
TOK_NCHUNK = TOK_PER_W // TOK_CHUNK

LABELS = BATCH * LABEL_VOCAB
LAB_PER_W = LABELS // NUM_WORKERS
LAB_CHUNK = 32
LAB_NCHUNK = LAB_PER_W // LAB_CHUNK

NBUF = 5
LOOKAHEAD = 3

_mesh = plsc.VectorSubcoreMesh(core_axis_name="c", subcore_axis_name="s")


@functools.partial(
    pl.kernel,
    out_type=(
        jax.ShapeDtypeStruct((TOKENS, OUT_DIM), jnp.float32),
        jax.ShapeDtypeStruct((LABELS, LABEL_DIM), jnp.float32),
    ),
    mesh=_mesh,
    compiler_params=pltpu.CompilerParams(use_tc_tiling_on_sc=False),
    scratch_types=[
        pltpu.VMEM((TOK_PER_W,), jnp.int32),
        pltpu.VMEM((TOK_PER_W,), jnp.int32),
        pltpu.VMEM((TOK_PER_W,), jnp.int32),
        pltpu.VMEM((LAB_PER_W,), jnp.int32),
        pltpu.VMEM((NBUF, TOK_CHUNK, WORD_DIM), jnp.float32),
        pltpu.VMEM((NBUF, TOK_CHUNK, FEAT_DIM), jnp.float32),
        pltpu.VMEM((NBUF, TOK_CHUNK, FEAT_DIM), jnp.float32),
        pltpu.VMEM((NBUF, LAB_CHUNK, LABEL_DIM), jnp.float32),
        [pltpu.SemaphoreType.DMA] * NBUF,
        [pltpu.SemaphoreType.DMA] * NBUF,
        [pltpu.SemaphoreType.DMA] * NBUF,
        [pltpu.SemaphoreType.DMA] * NBUF,
    ],
)
def _wordrep_sc(widx_hbm, f0idx_hbm, f1idx_hbm, lidx_hbm,
                wtab_hbm, f0tab_hbm, f1tab_hbm, ltab_hbm,
                out_word, out_label,
                widx_v, f0idx_v, f1idx_v, lidx_v,
                rows_w, rows_f0, rows_f1, lrows, sem_g, sem_w,
                lsem_g, lsem_w):
    wid = lax.axis_index("s") * 2 + lax.axis_index("c")

    pltpu.sync_copy(widx_hbm.at[pl.ds(wid * TOK_PER_W, TOK_PER_W)], widx_v)
    pltpu.sync_copy(f0idx_hbm.at[pl.ds(wid * TOK_PER_W, TOK_PER_W)], f0idx_v)
    pltpu.sync_copy(f1idx_hbm.at[pl.ds(wid * TOK_PER_W, TOK_PER_W)], f1idx_v)
    pltpu.sync_copy(lidx_hbm.at[pl.ds(wid * LAB_PER_W, LAB_PER_W)], lidx_v)

    tok_base = wid * TOK_PER_W
    lab_base = wid * LAB_PER_W

    def tok_gather(c, b):
        sl = pl.ds(c * TOK_CHUNK, TOK_CHUNK)
        pltpu.async_copy(wtab_hbm.at[widx_v.at[sl]], rows_w.at[b], sem_g[b])
        pltpu.async_copy(f0tab_hbm.at[f0idx_v.at[sl]], rows_f0.at[b],
                         sem_g[b])
        pltpu.async_copy(f1tab_hbm.at[f1idx_v.at[sl]], rows_f1.at[b],
                         sem_g[b])

    def tok_wait_gather(b):
        pltpu.make_async_copy(out_word.at[pl.ds(0, TOK_CHUNK)],
                              rows_w.at[b], sem_g[b]).wait()
        pltpu.make_async_copy(out_word.at[pl.ds(0, TOK_CHUNK)],
                              rows_f0.at[b], sem_g[b]).wait()
        pltpu.make_async_copy(out_word.at[pl.ds(0, TOK_CHUNK)],
                              rows_f1.at[b], sem_g[b]).wait()

    def tok_write(c, b):
        dst = tok_base + c * TOK_CHUNK
        pltpu.async_copy(rows_w.at[b],
                         out_word.at[pl.ds(dst, TOK_CHUNK),
                                     pl.ds(0, WORD_DIM)], sem_w[b])
        pltpu.async_copy(rows_f0.at[b],
                         out_word.at[pl.ds(dst, TOK_CHUNK),
                                     pl.ds(WORD_DIM, FEAT_DIM)], sem_w[b])
        pltpu.async_copy(rows_f1.at[b],
                         out_word.at[pl.ds(dst, TOK_CHUNK),
                                     pl.ds(WORD_DIM + FEAT_DIM, FEAT_DIM)],
                         sem_w[b])

    def tok_wait_write(b):
        pltpu.make_async_copy(rows_w.at[b],
                              out_word.at[pl.ds(0, TOK_CHUNK),
                                          pl.ds(0, WORD_DIM)],
                              sem_w[b]).wait()
        pltpu.make_async_copy(rows_f0.at[b],
                              out_word.at[pl.ds(0, TOK_CHUNK),
                                          pl.ds(WORD_DIM, FEAT_DIM)],
                              sem_w[b]).wait()
        pltpu.make_async_copy(rows_f1.at[b],
                              out_word.at[pl.ds(0, TOK_CHUNK),
                                          pl.ds(WORD_DIM + FEAT_DIM,
                                                FEAT_DIM)],
                              sem_w[b]).wait()

    def lab_gather(c, b):
        sl = pl.ds(c * LAB_CHUNK, LAB_CHUNK)
        pltpu.async_copy(ltab_hbm.at[lidx_v.at[sl]], lrows.at[b], lsem_g[b])

    def lab_wait_gather(b):
        pltpu.make_async_copy(out_label.at[pl.ds(0, LAB_CHUNK)], lrows.at[b],
                              lsem_g[b]).wait()

    def lab_write(c, b):
        pltpu.async_copy(lrows.at[b],
                         out_label.at[pl.ds(lab_base + c * LAB_CHUNK,
                                            LAB_CHUNK)], lsem_w[b])

    def lab_wait_write(b):
        pltpu.make_async_copy(lrows.at[b], out_label.at[pl.ds(0, LAB_CHUNK)],
                              lsem_w[b]).wait()

    def pipeline(nchunk, gather, wait_gather, write, wait_write):
        for b in range(LOOKAHEAD):
            gather(b, b)

        def body(c0, carry):
            for b in range(NBUF):
                c = c0 + b
                wait_gather(b)
                write(c, b)
                g = c + LOOKAHEAD
                gb = (b + LOOKAHEAD) % NBUF

                @pl.when(g < nchunk)
                def _():
                    @pl.when(g >= NBUF)
                    def _():
                        wait_write(gb)
                    gather(g, gb)
            return carry

        lax.fori_loop(0, nchunk // NBUF, lambda i, cr: body(i * NBUF, cr), 0)

        for k in range(nchunk - NBUF, nchunk):
            wait_write(k % NBUF)

    pipeline(TOK_NCHUNK, tok_gather, tok_wait_gather, tok_write,
             tok_wait_write)
    pipeline(LAB_NCHUNK, lab_gather, lab_wait_gather, lab_write,
             lab_wait_write)


def kernel(word_inputs, feature_inputs, word_seq_lengths, char_inputs,
           char_seq_lengths, char_seq_recover, input_label_seq_tensor,
           word_table, feat_tables, label_table):
    widx = word_inputs.astype(jnp.int32).reshape(TOKENS)
    f0idx = feature_inputs[0].astype(jnp.int32).reshape(TOKENS)
    f1idx = feature_inputs[1].astype(jnp.int32).reshape(TOKENS)
    lidx = input_label_seq_tensor.astype(jnp.int32).reshape(LABELS)

    out_word, out_label = _wordrep_sc(
        widx, f0idx, f1idx, lidx,
        word_table, feat_tables[0], feat_tables[1], label_table)

    word_represent = out_word.reshape(BATCH, SENT_LEN, OUT_DIM)
    label_embs = out_label.reshape(BATCH, LABEL_VOCAB, LABEL_DIM)
    return (word_represent, label_embs)

# --- scband reference (transcript-rebuilt; emitter-appended) ---
"""Pipeline reference for scband-word-rep-40338332844158 (READ-ONLY COPY).

The authoritative reference and input builder live on the scoring server;
editing this copy changes nothing except your own understanding.
"""

import jax, jax.numpy as jnp
import numpy as np

WORD_VOCAB = 1000000
WORD_DIM = 64
FEAT_VOCAB = 1000
FEAT_DIM = 32
FEAT_NUM = 2
LABEL_VOCAB = 50
LABEL_DIM = 128
BATCH = 1024
SENT_LEN = 200


def setup_inputs(seed: int = 0) -> dict:
    key = jax.random.key(seed)
    ks = jax.random.split(key, 8)
    word_inputs = jax.random.randint(ks[0], (BATCH, SENT_LEN), 0, WORD_VOCAB)
    feature_inputs = jax.random.randint(ks[1], (FEAT_NUM, BATCH, SENT_LEN), 0, FEAT_VOCAB)
    word_seq_lengths = jax.random.randint(ks[2], (BATCH,), 1, SENT_LEN)
    char_inputs = jnp.zeros((1, 1), dtype=jnp.int64)
    char_seq_lengths = jnp.ones((1, 1), dtype=jnp.int64)
    char_seq_recover = jnp.zeros((1,), dtype=jnp.int64)
    input_label_seq_tensor = jax.random.randint(ks[3], (BATCH, LABEL_VOCAB), 0, LABEL_VOCAB)
    scale_w = np.sqrt(3.0 / WORD_DIM)
    scale_f = np.sqrt(3.0 / FEAT_DIM)
    word_table = jax.random.uniform(ks[4], (WORD_VOCAB, WORD_DIM), jnp.float32, -scale_w, scale_w)
    feat_tables = jax.random.uniform(ks[5], (FEAT_NUM, FEAT_VOCAB, FEAT_DIM), jnp.float32, -scale_f, scale_f)
    label_table = jax.random.uniform(ks[6], (LABEL_VOCAB, LABEL_DIM), jnp.float32, -0.0025, 0.0025)
    return {
        "word_inputs": word_inputs,
        "feature_inputs": feature_inputs,
        "word_seq_lengths": word_seq_lengths,
        "char_inputs": char_inputs,
        "char_seq_lengths": char_seq_lengths,
        "char_seq_recover": char_seq_recover,
        "input_label_seq_tensor": input_label_seq_tensor,
        "word_table": word_table,
        "feat_tables": feat_tables,
        "label_table": label_table,
    }


def reference(word_inputs, feature_inputs, word_seq_lengths, char_inputs,
              char_seq_lengths, char_seq_recover, input_label_seq_tensor,
              word_table, feat_tables, label_table):
    # word embedding lookup: (B, S, word_dim)
    word_embs = jnp.take(word_table, word_inputs, axis=0)
    word_list = [word_embs]
    # feature embedding lookups
    for idx in range(FEAT_NUM):
        word_list.append(jnp.take(feat_tables[idx], feature_inputs[idx], axis=0))
    # label embedding lookup: (B, n_label, label_dim)
    label_embs = jnp.take(label_table, input_label_seq_tensor, axis=0)
    # use_char is False -> no char features
    word_represent = jnp.concatenate(word_list, axis=2)
    # dropout is identity in eval mode
    return (word_represent, label_embs)

if __name__ == "__main__":
    import jax
    _d = setup_inputs()
    print(jax.jit(kernel)(*tuple(_d.values())))

</pallas_src>

<mosaic_0001>
#map = affine_map<(d0, d1) -> (0)>
#map1 = affine_map<(d0, d1) -> (0, 0)>
module attributes {stable_mosaic.version = 14 : i64} {
  func.func @_wordrep_sc(%arg0: i32, %arg1: i32, %arg2: memref<204800xi32, #tpu.memory_space<hbm>>, %arg3: memref<204800xi32, #tpu.memory_space<hbm>>, %arg4: memref<204800xi32, #tpu.memory_space<hbm>>, %arg5: memref<51200xi32, #tpu.memory_space<hbm>>, %arg6: memref<1000000x64xf32, #tpu.memory_space<hbm>>, %arg7: memref<1000x32xf32, #tpu.memory_space<hbm>>, %arg8: memref<1000x32xf32, #tpu.memory_space<hbm>>, %arg9: memref<50x128xf32, #tpu.memory_space<hbm>>, %arg10: memref<204800x128xf32, #tpu.memory_space<hbm>>, %arg11: memref<51200x128xf32, #tpu.memory_space<hbm>>, %arg12: memref<6400xi32, #tpu.memory_space<vmem>>, %arg13: memref<6400xi32, #tpu.memory_space<vmem>>, %arg14: memref<6400xi32, #tpu.memory_space<vmem>>, %arg15: memref<1600xi32, #tpu.memory_space<vmem>>, %arg16: memref<5x128x64xf32, #tpu.memory_space<vmem>>, %arg17: memref<5x128x32xf32, #tpu.memory_space<vmem>>, %arg18: memref<5x128x32xf32, #tpu.memory_space<vmem>>, %arg19: memref<5x32x128xf32, #tpu.memory_space<vmem>>, %arg20: memref<!tpu.dma_semaphore, #tpu.memory_space<semaphore_mem>>, %arg21: memref<!tpu.dma_semaphore, #tpu.memory_space<semaphore_mem>>, %arg22: memref<!tpu.dma_semaphore, #tpu.memory_space<semaphore_mem>>, %arg23: memref<!tpu.dma_semaphore, #tpu.memory_space<semaphore_mem>>, %arg24: memref<!tpu.dma_semaphore, #tpu.memory_space<semaphore_mem>>, %arg25: memref<!tpu.dma_semaphore, #tpu.memory_space<semaphore_mem>>, %arg26: memref<!tpu.dma_semaphore, #tpu.memory_space<semaphore_mem>>, %arg27: memref<!tpu.dma_semaphore, #tpu.memory_space<semaphore_mem>>, %arg28: memref<!tpu.dma_semaphore, #tpu.memory_space<semaphore_mem>>, %arg29: memref<!tpu.dma_semaphore, #tpu.memory_space<semaphore_mem>>, %arg30: memref<!tpu.dma_semaphore, #tpu.memory_space<semaphore_mem>>, %arg31: memref<!tpu.dma_semaphore, #tpu.memory_space<semaphore_mem>>, %arg32: memref<!tpu.dma_semaphore, #tpu.memory_space<semaphore_mem>>, %arg33: memref<!tpu.dma_semaphore, #tpu.memory_space<semaphore_mem>>, %arg34: memref<!tpu.dma_semaphore, #tpu.memory_space<semaphore_mem>>, %arg35: memref<!tpu.dma_semaphore, #tpu.memory_space<semaphore_mem>>, %arg36: memref<!tpu.dma_semaphore, #tpu.memory_space<semaphore_mem>>, %arg37: memref<!tpu.dma_semaphore, #tpu.memory_space<semaphore_mem>>, %arg38: memref<!tpu.dma_semaphore, #tpu.memory_space<semaphore_mem>>, %arg39: memref<!tpu.dma_semaphore, #tpu.memory_space<semaphore_mem>>) attributes {dimension_semantics = [#tpu.dimension_semantics<core_parallel>, #tpu.dimension_semantics<subcore_parallel>], iteration_bounds = array<i64: 2, 16>, scalar_prefetch = 0 : i64, scratch_operands = 28 : i64, tpu.core_type = #tpu.core_type<sc_vector_subcore>, window_params = [{transform_indices = #map}, {transform_indices = #map}, {transform_indices = #map}, {transform_indices = #map}, {transform_indices = #map1}, {transform_indices = #map1}, {transform_indices = #map1}, {transform_indices = #map1}, {transform_indices = #map1}, {transform_indices = #map1}]} {
    %mul3A = arith.constant 2 : i32
    %mul3A_0 = arith.muli %arg1, %mul3A : i32
    %add3A = arith.addi %mul3A_0, %arg0 : i32
    %mul3A_1 = arith.constant 6400 : i32
    %mul3A_2 = arith.muli %add3A, %mul3A_1 : i32
    "tpu.region"() ({
      %run_scoped3A = tpu.sem_alloc : memref<!tpu.dma_semaphore, #tpu.memory_space<semaphore_mem>>
      %dma_start3A_442 = tpu.memref_slice %arg2[%mul3A_2] : memref<204800xi32, #tpu.memory_space<hbm>> -> memref<6400xi32, #tpu.memory_space<hbm>>
      %dma_start3A_443 = tpu.memref_slice %arg2[%mul3A_2] : memref<204800xi32, #tpu.memory_space<hbm>> -> memref<6400xi32, #tpu.memory_space<hbm>>
      tpu.enqueue_dma source(%dma_start3A_443 : memref<6400xi32, #tpu.memory_space<hbm>>) target(%arg12 : memref<6400xi32, #tpu.memory_space<vmem>>) target_semaphore(%run_scoped3A : memref<!tpu.dma_semaphore, #tpu.memory_space<semaphore_mem>>)
      %dma_wait3A_444 = tpu.memref_slice %arg2[%mul3A_2] : memref<204800xi32, #tpu.memory_space<hbm>> -> memref<6400xi32, #tpu.memory_space<hbm>>
      %dma_wait3A_445 = tpu.memref_slice %arg2[%mul3A_2] : memref<204800xi32, #tpu.memory_space<hbm>> -> memref<6400xi32, #tpu.memory_space<hbm>>
      tpu.wait_dma2 semaphore(%run_scoped3A : memref<!tpu.dma_semaphore, #tpu.memory_space<semaphore_mem>>) src(%dma_wait3A_445 : memref<6400xi32, #tpu.memory_space<hbm>>) dst(%arg12 : memref<6400xi32, #tpu.memory_space<vmem>>)
      tpu.yield
    }) : () -> ()
    %mul3A_3 = arith.constant 6400 : i32
    %mul3A_4 = arith.muli %add3A, %mul3A_3 : i32
    "tpu.region"() ({
      %run_scoped3A = tpu.sem_alloc : memref<!tpu.dma_semaphore, #tpu.memory_space<semaphore_mem>>
      %dma_start3A_442 = tpu.memref_slice %arg3[%mul3A_4] : memref<204800xi32, #tpu.memory_space<hbm>> -> memref<6400xi32, #tpu.memory_space<hbm>>
      %dma_start3A_443 = tpu.memref_slice %arg3[%mul3A_4] : memref<204800xi32, #tpu.memory_space<hbm>> -> memref<6400xi32, #tpu.memory_space<hbm>>
      tpu.enqueue_dma source(%dma_start3A_443 : memref<6400xi32, #tpu.memory_space<hbm>>) target(%arg13 : memref<6400xi32, #tpu.memory_space<vmem>>) target_semaphore(%run_scoped3A : memref<!tpu.dma_semaphore, #tpu.memory_space<semaphore_mem>>)
      %dma_wait3A_444 = tpu.memref_slice %arg3[%mul3A_4] : memref<204800xi32, #tpu.memory_space<hbm>> -> memref<6400xi32, #tpu.memory_space<hbm>>
      %dma_wait3A_445 = tpu.memref_slice %arg3[%mul3A_4] : memref<204800xi32, #tpu.memory_space<hbm>> -> memref<6400xi32, #tpu.memory_space<hbm>>
      tpu.wait_dma2 semaphore(%run_scoped3A : memref<!tpu.dma_semaphore, #tpu.memory_space<semaphore_mem>>) src(%dma_wait3A_445 : memref<6400xi32, #tpu.memory_space<hbm>>) dst(%arg13 : memref<6400xi32, #tpu.memory_space<vmem>>)
      tpu.yield
    }) : () -> ()
    %mul3A_5 = arith.constant 6400 : i32
    %mul3A_6 = arith.muli %add3A, %mul3A_5 : i32
    "tpu.region"() ({
      %run_scoped3A = tpu.sem_alloc : memref<!tpu.dma_semaphore, #tpu.memory_space<semaphore_mem>>
      %dma_start3A_442 = tpu.memref_slice %arg4[%mul3A_6] : memref<204800xi32, #tpu.memory_space<hbm>> -> memref<6400xi32, #tpu.memory_space<hbm>>
      %dma_start3A_443 = tpu.memref_slice %arg4[%mul3A_6] : memref<204800xi32, #tpu.memory_space<hbm>> -> memref<6400xi32, #tpu.memory_space<hbm>>
      tpu.enqueue_dma source(%dma_start3A_443 : memref<6400xi32, #tpu.memory_space<hbm>>) target(%arg14 : memref<6400xi32, #tpu.memory_space<vmem>>) target_semaphore(%run_scoped3A : memref<!tpu.dma_semaphore, #tpu.memory_space<semaphore_mem>>)
      %dma_wait3A_444 = tpu.memref_slice %arg4[%mul3A_6] : memref<204800xi32, #tpu.memory_space<hbm>> -> memref<6400xi32, #tpu.memory_space<hbm>>
      %dma_wait3A_445 = tpu.memref_slice %arg4[%mul3A_6] : memref<204800xi32, #tpu.memory_space<hbm>> -> memref<6400xi32, #tpu.memory_space<hbm>>
      tpu.wait_dma2 semaphore(%run_scoped3A : memref<!tpu.dma_semaphore, #tpu.memory_space<semaphore_mem>>) src(%dma_wait3A_445 : memref<6400xi32, #tpu.memory_space<hbm>>) dst(%arg14 : memref<6400xi32, #tpu.memory_space<vmem>>)
      tpu.yield
    }) : () -> ()
    %mul3A_7 = arith.constant 1600 : i32
    %mul3A_8 = arith.muli %add3A, %mul3A_7 : i32
    "tpu.region"() ({
      %run_scoped3A = tpu.sem_alloc : memref<!tpu.dma_semaphore, #tpu.memory_space<semaphore_mem>>
      %dma_start3A_442 = tpu.memref_slice %arg5[%mul3A_8] : memref<51200xi32, #tpu.memory_space<hbm>> -> memref<1600xi32, #tpu.memory_space<hbm>>
      %dma_start3A_443 = tpu.memref_slice %arg5[%mul3A_8] : memref<51200xi32, #tpu.memory_space<hbm>> -> memref<1600xi32, #tpu.memory_space<hbm>>
      tpu.enqueue_dma source(%dma_start3A_443 : memref<1600xi32, #tpu.memory_space<hbm>>) target(%arg15 : memref<1600xi32, #tpu.memory_space<vmem>>) target_semaphore(%run_scoped3A : memref<!tpu.dma_semaphore, #tpu.memory_space<semaphore_mem>>)
      %dma_wait3A_444 = tpu.memref_slice %arg5[%mul3A_8] : memref<51200xi32, #tpu.memory_space<hbm>> -> memref<1600xi32, #tpu.memory_space<hbm>>
      %dma_wait3A_445 = tpu.memref_slice %arg5[%mul3A_8] : memref<51200xi32, #tpu.memory_space<hbm>> -> memref<1600xi32, #tpu.memory_space<hbm>>
      tpu.wait_dma2 semaphore(%run_scoped3A : memref<!tpu.dma_semaphore, #tpu.memory_space<semaphore_mem>>) src(%dma_wait3A_445 : memref<1600xi32, #tpu.memory_space<hbm>>) dst(%arg15 : memref<1600xi32, #tpu.memory_space<vmem>>)
      tpu.yield
    }) : () -> ()
    %mul3A_9 = arith.constant 6400 : i32
    %mul3A_10 = arith.muli %add3A, %mul3A_9 : i32
    %mul3A_11 = arith.constant 1600 : i32
    %mul3A_12 = arith.muli %add3A, %mul3A_11 : i32
    %dma_start3A = arith.constant 0 : i32
    %dma_start3A_13 = arith.constant 0 : i32
    %dma_start3A_14 = arith.constant 0 : i32
    %dma_start3A_15 = tpu.memref_slice %arg16[%dma_start3A, %dma_start3A_13, %dma_start3A_14] : memref<5x128x64xf32, #tpu.memory_space<vmem>> -> memref<1x128x64xf32, #tpu.memory_space<vmem>>
    %dma_start3A_16 = tpu.memref_squeeze %dma_start3A_15 : memref<1x128x64xf32, #tpu.memory_space<vmem>> -> memref<128x64xf32, #tpu.memory_space<vmem>>
    %dma_start3A_17 = arith.constant 0 : i32
    %dma_start3A_18 = tpu.memref_slice %arg12[%dma_start3A_17] : memref<6400xi32, #tpu.memory_space<vmem>> -> memref<128xi32, #tpu.memory_space<vmem>>
    %dma_start3A_19 = arith.constant 0 : i32
    %dma_start3A_20 = arith.constant 0 : i32
    %dma_start3A_21 = tpu.memref_slice %arg6[%dma_start3A_19, %dma_start3A_20] : memref<1000000x64xf32, #tpu.memory_space<hbm>> -> memref<1000000x64xf32, #tpu.memory_space<hbm>>
    tpu.enqueue_indirect_dma source(%dma_start3A_21 : memref<1000000x64xf32, #tpu.memory_space<hbm>>) target(%dma_start3A_16 : memref<128x64xf32, #tpu.memory_space<vmem>>) offsets(%dma_start3A_18 : memref<128xi32, #tpu.memory_space<vmem>>) semaphore(%arg20 : memref<!tpu.dma_semaphore, #tpu.memory_space<semaphore_mem>>)
    %dma_start3A_22 = arith.constant 0 : i32
    %dma_start3A_23 = arith.constant 0 : i32
    %dma_start3A_24 = arith.constant 0 : i32
    %dma_start3A_25 = tpu.memref_slice %arg17[%dma_start3A_22, %dma_start3A_23, %dma_start3A_24] : memref<5x128x32xf32, #tpu.memory_space<vmem>> -> memref<1x128x32xf32, #tpu.memory_space<vmem>>
    %dma_start3A_26 = tpu.memref_squeeze %dma_start3A_25 : memref<1x128x32xf32, #tpu.memory_space<vmem>> -> memref<128x32xf32, #tpu.memory_space<vmem>>
    %dma_start3A_27 = arith.constant 0 : i32
    %dma_start3A_28 = tpu.memref_slice %arg13[%dma_start3A_27] : memref<6400xi32, #tpu.memory_space<vmem>> -> memref<128xi32, #tpu.memory_space<vmem>>
    %dma_start3A_29 = arith.constant 0 : i32
    %dma_start3A_30 = arith.constant 0 : i32
    %dma_start3A_31 = tpu.memref_slice %arg7[%dma_start3A_29, %dma_start3A_30] : memref<1000x32xf32, #tpu.memory_space<hbm>> -> memref<1000x32xf32, #tpu.memory_space<hbm>>
    tpu.enqueue_indirect_dma source(%dma_start3A_31 : memref<1000x32xf32, #tpu.memory_space<hbm>>) target(%dma_start3A_26 : memref<128x32xf32, #tpu.memory_space<vmem>>) offsets(%dma_start3A_28 : memref<128xi32, #tpu.memory_space<vmem>>) semaphore(%arg20 : memref<!tpu.dma_semaphore, #tpu.memory_space<semaphore_mem>>)
    %dma_start3A_32 = arith.constant 0 : i32
    %dma_start3A_33 = arith.constant 0 : i32
    %dma_start3A_34 = arith.constant 0 : i32
    %dma_start3A_35 = tpu.memref_slice %arg18[%dma_start3A_32, %dma_start3A_33, %dma_start3A_34] : memref<5x128x32xf32, #tpu.memory_space<vmem>> -> memref<1x128x32xf32, #tpu.memory_space<vmem>>
    %dma_start3A_36 = tpu.memref_squeeze %dma_start3A_35 : memref<1x128x32xf32, #tpu.memory_space<vmem>> -> memref<128x32xf32, #tpu.memory_space<vmem>>
    %dma_start3A_37 = arith.constant 0 : i32
    %dma_start3A_38 = tpu.memref_slice %arg14[%dma_start3A_37] : memref<6400xi32, #tpu.memory_space<vmem>> -> memref<128xi32, #tpu.memory_space<vmem>>
    %dma_start3A_39 = arith.constant 0 : i32
    %dma_start3A_40 = arith.constant 0 : i32
    %dma_start3A_41 = tpu.memref_slice %arg8[%dma_start3A_39, %dma_start3A_40] : memref<1000x32xf32, #tpu.memory_space<hbm>> -> memref<1000x32xf32, #tpu.memory_space<hbm>>
    tpu.enqueue_indirect_dma source(%dma_start3A_41 : memref<1000x32xf32, #tpu.memory_space<hbm>>) target(%dma_start3A_36 : memref<128x32xf32, #tpu.memory_space<vmem>>) offsets(%dma_start3A_38 : memref<128xi32, #tpu.memory_space<vmem>>) semaphore(%arg20 : memref<!tpu.dma_semaphore, #tpu.memory_space<semaphore_mem>>)
    %dma_start3A_42 = arith.constant 1 : i32
    %dma_start3A_43 = arith.constant 0 : i32
    %dma_start3A_44 = arith.constant 0 : i32
    %dma_start3A_45 = tpu.memref_slice %arg16[%dma_start3A_42, %dma_start3A_43, %dma_start3A_44] : memref<5x128x64xf32, #tpu.memory_space<vmem>> -> memref<1x128x64xf32, #tpu.memory_space<vmem>>
    %dma_start3A_46 = tpu.memref_squeeze %dma_start3A_45 : memref<1x128x64xf32, #tpu.memory_space<vmem>> -> memref<128x64xf32, #tpu.memory_space<vmem>>
    %dma_start3A_47 = arith.constant 128 : i32
    %dma_start3A_48 = tpu.memref_slice %arg12[%dma_start3A_47] : memref<6400xi32, #tpu.memory_space<vmem>> -> memref<128xi32, #tpu.memory_space<vmem>>
    %dma_start3A_49 = arith.constant 0 : i32
    %dma_start3A_50 = arith.constant 0 : i32
    %dma_start3A_51 = tpu.memref_slice %arg6[%dma_start3A_49, %dma_start3A_50] : memref<1000000x64xf32, #tpu.memory_space<hbm>> -> memref<1000000x64xf32, #tpu.memory_space<hbm>>
    tpu.enqueue_indirect_dma source(%dma_start3A_51 : memref<1000000x64xf32, #tpu.memory_space<hbm>>) target(%dma_start3A_46 : memref<128x64xf32, #tpu.memory_space<vmem>>) offsets(%dma_start3A_48 : memref<128xi32, #tpu.memory_space<vmem>>) semaphore(%arg21 : memref<!tpu.dma_semaphore, #tpu.memory_space<semaphore_mem>>)
    %dma_start3A_52 = arith.constant 1 : i32
    %dma_start3A_53 = arith.constant 0 : i32
    %dma_start3A_54 = arith.constant 0 : i32
    %dma_start3A_55 = tpu.memref_slice %arg17[%dma_start3A_52, %dma_start3A_53, %dma_start3A_54] : memref<5x128x32xf32, #tpu.memory_space<vmem>> -> memref<1x128x32xf32, #tpu.memory_space<vmem>>
    %dma_start3A_56 = tpu.memref_squeeze %dma_start3A_55 : memref<1x128x32xf32, #tpu.memory_space<vmem>> -> memref<128x32xf32, #tpu.memory_space<vmem>>
    %dma_start3A_57 = arith.constant 128 : i32
    %dma_start3A_58 = tpu.memref_slice %arg13[%dma_start3A_57] : memref<6400xi32, #tpu.memory_space<vmem>> -> memref<128xi32, #tpu.memory_space<vmem>>
    %dma_start3A_59 = arith.constant 0 : i32
    %dma_start3A_60 = arith.constant 0 : i32
    %dma_start3A_61 = tpu.memref_slice %arg7[%dma_start3A_59, %dma_start3A_60] : memref<1000x32xf32, #tpu.memory_space<hbm>> -> memref<1000x32xf32, #tpu.memory_space<hbm>>
    tpu.enqueue_indirect_dma source(%dma_start3A_61 : memref<1000x32xf32, #tpu.memory_space<hbm>>) target(%dma_start3A_56 : memref<128x32xf32, #tpu.memory_space<vmem>>) offsets(%dma_start3A_58 : memref<128xi32, #tpu.memory_space<vmem>>) semaphore(%arg21 : memref<!tpu.dma_semaphore, #tpu.memory_space<semaphore_mem>>)
    %dma_start3A_62 = arith.constant 1 : i32
    %dma_start3A_63 = arith.constant 0 : i32
    %dma_start3A_64 = arith.constant 0 : i32
    %dma_start3A_65 = tpu.memref_slice %arg18[%dma_start3A_62, %dma_start3A_63, %dma_start3A_64] : memref<5x128x32xf32, #tpu.memory_space<vmem>> -> memref<1x128x32xf32, #tpu.memory_space<vmem>>
    %dma_start3A_66 = tpu.memref_squeeze %dma_start3A_65 : memref<1x128x32xf32, #tpu.memory_space<vmem>> -> memref<128x32xf32, #tpu.memory_space<vmem>>
    %dma_start3A_67 = arith.constant 128 : i32
    %dma_start3A_68 = tpu.memref_slice %arg14[%dma_start3A_67] : memref<6400xi32, #tpu.memory_space<vmem>> -> memref<128xi32, #tpu.memory_space<vmem>>
    %dma_start3A_69 = arith.constant 0 : i32
    %dma_start3A_70 = arith.constant 0 : i32
    %dma_start3A_71 = tpu.memref_slice %arg8[%dma_start3A_69, %dma_start3A_70] : memref<1000x32xf32, #tpu.memory_space<hbm>> -> memref<1000x32xf32, #tpu.memory_space<hbm>>
    tpu.enqueue_indirect_dma source(%dma_start3A_71 : memref<1000x32xf32, #tpu.memory_space<hbm>>) target(%dma_start3A_66 : memref<128x32xf32, #tpu.memory_space<vmem>>) offsets(%dma_start3A_68 : memref<128xi32, #tpu.memory_space<vmem>>) semaphore(%arg21 : memref<!tpu.dma_semaphore, #tpu.memory_space<semaphore_mem>>)
    %dma_start3A_72 = arith.constant 2 : i32
    %dma_start3A_73 = arith.constant 0 : i32
    %dma_start3A_74 = arith.constant 0 : i32
    %dma_start3A_75 = tpu.memref_slice %arg16[%dma_start3A_72, %dma_start3A_73, %dma_start3A_74] : memref<5x128x64xf32, #tpu.memory_space<vmem>> -> memref<1x128x64xf32, #tpu.memory_space<vmem>>
    %dma_start3A_76 = tpu.memref_squeeze %dma_start3A_75 : memref<1x128x64xf32, #tpu.memory_space<vmem>> -> memref<128x64xf32, #tpu.memory_space<vmem>>
    %dma_start3A_77 = arith.constant 256 : i32
    %dma_start3A_78 = tpu.memref_slice %arg12[%dma_start3A_77] : memref<6400xi32, #tpu.memory_space<vmem>> -> memref<128xi32, #tpu.memory_space<vmem>>
    %dma_start3A_79 = arith.constant 0 : i32
    %dma_start3A_80 = arith.constant 0 : i32
    %dma_start3A_81 = tpu.memref_slice %arg6[%dma_start3A_79, %dma_start3A_80] : memref<1000000x64xf32, #tpu.memory_space<hbm>> -> memref<1000000x64xf32, #tpu.memory_space<hbm>>
    tpu.enqueue_indirect_dma source(%dma_start3A_81 : memref<1000000x64xf32, #tpu.memory_space<hbm>>) target(%dma_start3A_76 : memref<128x64xf32, #tpu.memory_space<vmem>>) offsets(%dma_start3A_78 : memref<128xi32, #tpu.memory_space<vmem>>) semaphore(%arg22 : memref<!tpu.dma_semaphore, #tpu.memory_space<semaphore_mem>>)
    %dma_start3A_82 = arith.constant 2 : i32
    %dma_start3A_83 = arith.constant 0 : i32
    %dma_start3A_84 = arith.constant 0 : i32
    %dma_start3A_85 = tpu.memref_slice %arg17[%dma_start3A_82, %dma_start3A_83, %dma_start3A_84] : memref<5x128x32xf32, #tpu.memory_space<vmem>> -> memref<1x128x32xf32, #tpu.memory_space<vmem>>
    %dma_start3A_86 = tpu.memref_squeeze %dma_start3A_85 : memref<1x128x32xf32, #tpu.memory_space<vmem>> -> memref<128x32xf32, #tpu.memory_space<vmem>>
    %dma_start3A_87 = arith.constant 256 : i32
    %dma_start3A_88 = tpu.memref_slice %arg13[%dma_start3A_87] : memref<6400xi32, #tpu.memory_space<vmem>> -> memref<128xi32, #tpu.memory_space<vmem>>
    %dma_start3A_89 = arith.constant 0 : i32
    %dma_start3A_90 = arith.constant 0 : i32
    %dma_start3A_91 = tpu.memref_slice %arg7[%dma_start3A_89, %dma_start3A_90] : memref<1000x32xf32, #tpu.memory_space<hbm>> -> memref<1000x32xf32, #tpu.memory_space<hbm>>
    tpu.enqueue_indirect_dma source(%dma_start3A_91 : memref<1000x32xf32, #tpu.memory_space<hbm>>) target(%dma_start3A_86 : memref<128x32xf32, #tpu.memory_space<vmem>>) offsets(%dma_start3A_88 : memref<128xi32, #tpu.memory_space<vmem>>) semaphore(%arg22 : memref<!tpu.dma_semaphore, #tpu.memory_space<semaphore_mem>>)
    %dma_start3A_92 = arith.constant 2 : i32
    %dma_start3A_93 = arith.constant 0 : i32
    %dma_start3A_94 = arith.constant 0 : i32
    %dma_start3A_95 = tpu.memref_slice %arg18[%dma_start3A_92, %dma_start3A_93, %dma_start3A_94] : memref<5x128x32xf32, #tpu.memory_space<vmem>> -> memref<1x128x32xf32, #tpu.memory_space<vmem>>
    %dma_start3A_96 = tpu.memref_squeeze %dma_start3A_95 : memref<1x128x32xf32, #tpu.memory_space<vmem>> -> memref<128x32xf32, #tpu.memory_space<vmem>>
    %dma_start3A_97 = arith.constant 256 : i32
    %dma_start3A_98 = tpu.memref_slice %arg14[%dma_start3A_97] : memref<6400xi32, #tpu.memory_space<vmem>> -> memref<128xi32, #tpu.memory_space<vmem>>
    %dma_start3A_99 = arith.constant 0 : i32
    %dma_start3A_100 = arith.constant 0 : i32
    %dma_start3A_101 = tpu.memref_slice %arg8[%dma_start3A_99, %dma_start3A_100] : memref<1000x32xf32, #tpu.memory_space<hbm>> -> memref<1000x32xf32, #tpu.memory_space<hbm>>
    tpu.enqueue_indirect_dma source(%dma_start3A_101 : memref<1000x32xf32, #tpu.memory_space<hbm>>) target(%dma_start3A_96 : memref<128x32xf32, #tpu.memory_space<vmem>>) offsets(%dma_start3A_98 : memref<128xi32, #tpu.memory_space<vmem>>) semaphore(%arg22 : memref<!tpu.dma_semaphore, #tpu.memory_space<semaphore_mem>>)
    %scan3A = arith.constant 0 : i32
    %scan3A_102 = arith.constant 0 : i32
    %scan3A_103 = arith.constant 10 : i32
    %scan3A_104 = arith.addi %scan3A_102, %scan3A_103 : i32
    %scan3A_105 = arith.constant 1 : i32
    scf.for %scan3A_442 = %scan3A_102 to %scan3A_104 step %scan3A_105  : i32 {
      %mul3A_443 = arith.constant 5 : i32
      %mul3A_444 = arith.muli %scan3A_442, %mul3A_443 : i32
      %add3A_445 = arith.constant 0 : i32
      %add3A_446 = arith.addi %mul3A_444, %add3A_445 : i32
      %dma_wait3A_447 = arith.constant 0 : i32
      %dma_wait3A_448 = arith.constant 0 : i32
      %dma_wait3A_449 = arith.constant 0 : i32
      %dma_wait3A_450 = tpu.memref_slice %arg16[%dma_wait3A_447, %dma_wait3A_448, %dma_wait3A_449] : memref<5x128x64xf32, #tpu.memory_space<vmem>> -> memref<1x128x64xf32, #tpu.memory_space<vmem>>
      %dma_wait3A_451 = tpu.memref_squeeze %dma_wait3A_450 : memref<1x128x64xf32, #tpu.memory_space<vmem>> -> memref<128x64xf32, #tpu.memory_space<vmem>>
      %dma_wait3A_452 = arith.constant 0 : i32
      %dma_wait3A_453 = arith.constant 0 : i32
      %dma_wait3A_454 = tpu.memref_slice %arg10[%dma_wait3A_452, %dma_wait3A_453] : memref<204800x128xf32, #tpu.memory_space<hbm>> -> memref<128x128xf32, #tpu.memory_space<hbm>>
      %dma_wait3A_455 = arith.constant 0 : i32
      %dma_wait3A_456 = arith.constant 0 : i32
      %dma_wait3A_457 = tpu.memref_slice %arg16[%dma_wait3A_447, %dma_wait3A_455, %dma_wait3A_456] : memref<5x128x64xf32, #tpu.memory_space<vmem>> -> memref<1x128x64xf32, #tpu.memory_space<vmem>>
      %dma_wait3A_458 = tpu.memref_squeeze %dma_wait3A_457 : memref<1x128x64xf32, #tpu.memory_space<vmem>> -> memref<128x64xf32, #tpu.memory_space<vmem>>
      %dma_wait3A_459 = arith.constant 0 : i32
      %dma_wait3A_460 = arith.constant 0 : i32
      %dma_wait3A_461 = tpu.memref_slice %arg10[%dma_wait3A_459, %dma_wait3A_460] : memref<204800x128xf32, #tpu.memory_space<hbm>> -> memref<128x128xf32, #tpu.memory_space<hbm>>
      tpu.wait_dma2 semaphore(%arg20 : memref<!tpu.dma_semaphore, #tpu.memory_space<semaphore_mem>>) src(%dma_wait3A_461 : memref<128x128xf32, #tpu.memory_space<hbm>>) dst(%dma_wait3A_458 : memref<128x64xf32, #tpu.memory_space<vmem>>)
      %dma_wait3A_462 = arith.constant 0 : i32
      %dma_wait3A_463 = arith.constant 0 : i32
      %dma_wait3A_464 = arith.constant 0 : i32
      %dma_wait3A_465 = tpu.memref_slice %arg17[%dma_wait3A_462, %dma_wait3A_463, %dma_wait3A_464] : memref<5x128x32xf32, #tpu.memory_space<vmem>> -> memref<1x128x32xf32, #tpu.memory_space<vmem>>
      %dma_wait3A_466 = tpu.memref_squeeze %dma_wait3A_465 : memref<1x128x32xf32, #tpu.memory_space<vmem>> -> memref<128x32xf32, #tpu.memory_space<vmem>>
      %dma_wait3A_467 = arith.constant 0 : i32
      %dma_wait3A_468 = arith.constant 0 : i32
      %dma_wait3A_469 = tpu.memref_slice %arg10[%dma_wait3A_467, %dma_wait3A_468] : memref<204800x128xf32, #tpu.memory_space<hbm>> -> memref<128x128xf32, #tpu.memory_space<hbm>>
      %dma_wait3A_470 = arith.constant 0 : i32
      %dma_wait3A_471 = arith.constant 0 : i32
      %dma_wait3A_472 = tpu.memref_slice %arg17[%dma_wait3A_462, %dma_wait3A_470, %dma_wait3A_471] : memref<5x128x32xf32, #tpu.memory_space<vmem>> -> memref<1x128x32xf32, #tpu.memory_space<vmem>>
      %dma_wait3A_473 = tpu.memref_squeeze %dma_wait3A_472 : memref<1x128x32xf32, #tpu.memory_space<vmem>> -> memref<128x32xf32, #tpu.memory_space<vmem>>
      %dma_wait3A_474 = arith.constant 0 : i32
      %dma_wait3A_475 = arith.constant 0 : i32
      %dma_wait3A_476 = tpu.memref_slice %arg10[%dma_wait3A_474, %dma_wait3A_475] : memref<204800x128xf32, #tpu.memory_space<hbm>> -> memref<128x128xf32, #tpu.memory_space<hbm>>
      tpu.wait_dma2 semaphore(%arg20 : memref<!tpu.dma_semaphore, #tpu.memory_space<semaphore_mem>>) src(%dma_wait3A_476 : memref<128x128xf32, #tpu.memory_space<hbm>>) dst(%dma_wait3A_473 : memref<128x32xf32, #tpu.memory_space<vmem>>)
      %dma_wait3A_477 = arith.constant 0 : i32
      %dma_wait3A_478 = arith.constant 0 : i32
      %dma_wait3A_479 = arith.constant 0 : i32
      %dma_wait3A_480 = tpu.memref_slice %arg18[%dma_wait3A_477, %dma_wait3A_478, %dma_wait3A_479] : memref<5x128x32xf32, #tpu.memory_space<vmem>> -> memref<1x128x32xf32, #tpu.memory_space<vmem>>
      %dma_wait3A_481 = tpu.memref_squeeze %dma_wait3A_480 : memref<1x128x32xf32, #tpu.memory_space<vmem>> -> memref<128x32xf32, #tpu.memory_space<vmem>>
      %dma_wait3A_482 = arith.constant 0 : i32
      %dma_wait3A_483 = arith.constant 0 : i32
      %dma_wait3A_484 = tpu.memref_slice %arg10[%dma_wait3A_482, %dma_wait3A_483] : memref<204800x128xf32, #tpu.memory_space<hbm>> -> memref<128x128xf32, #tpu.memory_space<hbm>>
      %dma_wait3A_485 = arith.constant 0 : i32
      %dma_wait3A_486 = arith.constant 0 : i32
      %dma_wait3A_487 = tpu.memref_slice %arg18[%dma_wait3A_477, %dma_wait3A_485, %dma_wait3A_486] : memref<5x128x32xf32, #tpu.memory_space<vmem>> -> memref<1x128x32xf32, #tpu.memory_space<vmem>>
      %dma_wait3A_488 = tpu.memref_squeeze %dma_wait3A_487 : memref<1x128x32xf32, #tpu.memory_space<vmem>> -> memref<128x32xf32, #tpu.memory_space<vmem>>
      %dma_wait3A_489 = arith.constant 0 : i32
      %dma_wait3A_490 = arith.constant 0 : i32
      %dma_wait3A_491 = tpu.memref_slice %arg10[%dma_wait3A_489, %dma_wait3A_490] : memref<204800x128xf32, #tpu.memory_space<hbm>> -> memref<128x128xf32, #tpu.memory_space<hbm>>
      tpu.wait_dma2 semaphore(%arg20 : memref<!tpu.dma_semaphore, #tpu.memory_space<semaphore_mem>>) src(%dma_wait3A_491 : memref<128x128xf32, #tpu.memory_space<hbm>>) dst(%dma_wait3A_488 : memref<128x32xf32, #tpu.memory_space<vmem>>)
      %mul3A_492 = arith.constant 128 : i32
      %mul3A_493 = arith.muli %add3A_446, %mul3A_492 : i32
      %add3A_494 = arith.addi %mul3A_10, %mul3A_493 : i32
      %dma_start3A_495 = arith.constant 0 : i32
      %dma_start3A_496 = arith.constant 0 : i32
      %dma_start3A_497 = arith.constant 0 : i32
      %dma_start3A_498 = tpu.memref_slice %arg16[%dma_start3A_495, %dma_start3A_496, %dma_start3A_497] : memref<5x128x64xf32, #tpu.memory_space<vmem>> -> memref<1x128x64xf32, #tpu.memory_space<vmem>>
      %dma_start3A_499 = tpu.memref_squeeze %dma_start3A_498 : memref<1x128x64xf32, #tpu.memory_space<vmem>> -> memref<128x64xf32, #tpu.memory_space<vmem>>
      %dma_start3A_500 = arith.constant 0 : i32
      %dma_start3A_501 = tpu.memref_slice %arg10[%add3A_494, %dma_start3A_500] : memref<204800x128xf32, #tpu.memory_space<hbm>> -> memref<128x64xf32, #tpu.memory_space<hbm>>
      %dma_start3A_502 = arith.constant 0 : i32
      %dma_start3A_503 = tpu.memref_slice %arg10[%add3A_494, %dma_start3A_502] : memref<204800x128xf32, #tpu.memory_space<hbm>> -> memref<128x64xf32, #tpu.memory_space<hbm>>
      %dma_start3A_504 = arith.constant 0 : i32
      %dma_start3A_505 = arith.constant 0 : i32
      %dma_start3A_506 = tpu.memref_slice %arg16[%dma_start3A_495, %dma_start3A_504, %dma_start3A_505] : memref<5x128x64xf32, #tpu.memory_space<vmem>> -> memref<1x128x64xf32, #tpu.memory_space<vmem>>
      %dma_start3A_507 = tpu.memref_squeeze %dma_start3A_506 : memref<1x128x64xf32, #tpu.memory_space<vmem>> -> memref<128x64xf32, #tpu.memory_space<vmem>>
      tpu.enqueue_dma source(%dma_start3A_507 : memref<128x64xf32, #tpu.memory_space<vmem>>) target(%dma_start3A_503 : memref<128x64xf32, #tpu.memory_space<hbm>>) target_semaphore(%arg25 : memref<!tpu.dma_semaphore, #tpu.memory_space<semaphore_mem>>)
      %dma_start3A_508 = arith.constant 0 : i32
      %dma_start3A_509 = arith.constant 0 : i32
      %dma_start3A_510 = arith.constant 0 : i32
      %dma_start3A_511 = tpu.memref_slice %arg17[%dma_start3A_508, %dma_start3A_509, %dma_start3A_510] : memref<5x128x32xf32, #tpu.memory_space<vmem>> -> memref<1x128x32xf32, #tpu.memory_space<vmem>>
      %dma_start3A_512 = tpu.memref_squeeze %dma_start3A_511 : memref<1x128x32xf32, #tpu.memory_space<vmem>> -> memref<128x32xf32, #tpu.memory_space<vmem>>
      %dma_start3A_513 = arith.constant 64 : i32
      %dma_start3A_514 = tpu.memref_slice %arg10[%add3A_494, %dma_start3A_513] : memref<204800x128xf32, #tpu.memory_space<hbm>> -> memref<128x32xf32, #tpu.memory_space<hbm>>
      %dma_start3A_515 = arith.constant 64 : i32
      %dma_start3A_516 = tpu.memref_slice %arg10[%add3A_494, %dma_start3A_515] : memref<204800x128xf32, #tpu.memory_space<hbm>> -> memref<128x32xf32, #tpu.memory_space<hbm>>
      %dma_start3A_517 = arith.constant 0 : i32
      %dma_start3A_518 = arith.constant 0 : i32
      %dma_start3A_519 = tpu.memref_slice %arg17[%dma_start3A_508, %dma_start3A_517, %dma_start3A_518] : memref<5x128x32xf32, #tpu.memory_space<vmem>> -> memref<1x128x32xf32, #tpu.memory_space<vmem>>
      %dma_start3A_520 = tpu.memref_squeeze %dma_start3A_519 : memref<1x128x32xf32, #tpu.memory_space<vmem>> -> memref<128x32xf32, #tpu.memory_space<vmem>>
      tpu.enqueue_dma source(%dma_start3A_520 : memref<128x32xf32, #tpu.memory_space<vmem>>) target(%dma_start3A_516 : memref<128x32xf32, #tpu.memory_space<hbm>>) target_semaphore(%arg25 : memref<!tpu.dma_semaphore, #tpu.memory_space<semaphore_mem>>)
      %dma_start3A_521 = arith.constant 0 : i32
      %dma_start3A_522 = arith.constant 0 : i32
      %dma_start3A_523 = arith.constant 0 : i32
      %dma_start3A_524 = tpu.memref_slice %arg18[%dma_start3A_521, %dma_start3A_522, %dma_start3A_523] : memref<5x128x32xf32, #tpu.memory_space<vmem>> -> memref<1x128x32xf32, #tpu.memory_space<vmem>>
      %dma_start3A_525 = tpu.memref_squeeze %dma_start3A_524 : memref<1x128x32xf32, #tpu.memory_space<vmem>> -> memref<128x32xf32, #tpu.memory_space<vmem>>
      %dma_start3A_526 = arith.constant 96 : i32
      %dma_start3A_527 = tpu.memref_slice %arg10[%add3A_494, %dma_start3A_526] : memref<204800x128xf32, #tpu.memory_space<hbm>> -> memref<128x32xf32, #tpu.memory_space<hbm>>
      %dma_start3A_528 = arith.constant 96 : i32
      %dma_start3A_529 = tpu.memref_slice %arg10[%add3A_494, %dma_start3A_528] : memref<204800x128xf32, #tpu.memory_space<hbm>> -> memref<128x32xf32, #tpu.memory_space<hbm>>
      %dma_start3A_530 = arith.constant 0 : i32
      %dma_start3A_531 = arith.constant 0 : i32
      %dma_start3A_532 = tpu.memref_slice %arg18[%dma_start3A_521, %dma_start3A_530, %dma_start3A_531] : memref<5x128x32xf32, #tpu.memory_space<vmem>> -> memref<1x128x32xf32, #tpu.memory_space<vmem>>
      %dma_start3A_533 = tpu.memref_squeeze %dma_start3A_532 : memref<1x128x32xf32, #tpu.memory_space<vmem>> -> memref<128x32xf32, #tpu.memory_space<vmem>>
      tpu.enqueue_dma source(%dma_start3A_533 : memref<128x32xf32, #tpu.memory_space<vmem>>) target(%dma_start3A_529 : memref<128x32xf32, #tpu.memory_space<hbm>>) target_semaphore(%arg25 : memref<!tpu.dma_semaphore, #tpu.memory_space<semaphore_mem>>)
      %add3A_534 = arith.constant 3 : i32
      %add3A_535 = arith.addi %add3A_446, %add3A_534 : i32
      %lt3A = arith.constant 50 : i32
      %lt3A_536 = arith.cmpi slt, %add3A_535, %lt3A : i32
      %convert_element_type3A = arith.extui %lt3A_536 : i1 to i32
      %cond3A = arith.constant 0 : i32
      %cond3A_537 = arith.cmpi ne, %convert_element_type3A, %cond3A : i32
      scf.if %cond3A_537 {
        %ge3A = arith.constant 5 : i32
        %ge3A_922 = arith.cmpi sge, %add3A_535, %ge3A : i32
        %convert_element_type3A_923 = arith.extui %ge3A_922 : i1 to i32
        %cond3A_924 = arith.constant 0 : i32
        %cond3A_925 = arith.cmpi ne, %convert_element_type3A_923, %cond3A_924 : i32
        scf.if %cond3A_925 {
          %dma_wait3A_955 = arith.constant 3 : i32
          %dma_wait3A_956 = arith.constant 0 : i32
          %dma_wait3A_957 = arith.constant 0 : i32
          %dma_wait3A_958 = tpu.memref_slice %arg16[%dma_wait3A_955, %dma_wait3A_956, %dma_wait3A_957] : memref<5x128x64xf32, #tpu.memory_space<vmem>> -> memref<1x128x64xf32, #tpu.memory_space<vmem>>
          %dma_wait3A_959 = tpu.memref_squeeze %dma_wait3A_958 : memref<1x128x64xf32, #tpu.memory_space<vmem>> -> memref<128x64xf32, #tpu.memory_space<vmem>>
          %dma_wait3A_960 = arith.constant 0 : i32
          %dma_wait3A_961 = arith.constant 0 : i32
          %dma_wait3A_962 = tpu.memref_slice %arg10[%dma_wait3A_960, %dma_wait3A_961] : memref<204800x128xf32, #tpu.memory_space<hbm>> -> memref<128x64xf32, #tpu.memory_space<hbm>>
          %dma_wait3A_963 = arith.constant 0 : i32
          %dma_wait3A_964 = arith.constant 0 : i32
          %dma_wait3A_965 = tpu.memref_slice %arg10[%dma_wait3A_963, %dma_wait3A_964] : memref<204800x128xf32, #tpu.memory_space<hbm>> -> memref<128x64xf32, #tpu.memory_space<hbm>>
          %dma_wait3A_966 = arith.constant 0 : i32
          %dma_wait3A_967 = arith.constant 0 : i32
          %dma_wait3A_968 = tpu.memref_slice %arg16[%dma_wait3A_955, %dma_wait3A_966, %dma_wait3A_967] : memref<5x128x64xf32, #tpu.memory_space<vmem>> -> memref<1x128x64xf32, #tpu.memory_space<vmem>>
          %dma_wait3A_969 = tpu.memref_squeeze %dma_wait3A_968 : memref<1x128x64xf32, #tpu.memory_space<vmem>> -> memref<128x64xf32, #tpu.memory_space<vmem>>
          tpu.wait_dma2 semaphore(%arg28 : memref<!tpu.dma_semaphore, #tpu.memory_space<semaphore_mem>>) src(%dma_wait3A_969 : memref<128x64xf32, #tpu.memory_space<vmem>>) dst(%dma_wait3A_965 : memref<128x64xf32, #tpu.memory_space<hbm>>)
          %dma_wait3A_970 = arith.constant 3 : i32
          %dma_wait3A_971 = arith.constant 0 : i32
          %dma_wait3A_972 = arith.constant 0 : i32
          %dma_wait3A_973 = tpu.memref_slice %arg17[%dma_wait3A_970, %dma_wait3A_971, %dma_wait3A_972] : memref<5x128x32xf32, #tpu.memory_space<vmem>> -> memref<1x128x32xf32, #tpu.memory_space<vmem>>
          %dma_wait3A_974 = tpu.memref_squeeze %dma_wait3A_973 : memref<1x128x32xf32, #tpu.memory_space<vmem>> -> memref<128x32xf32, #tpu.memory_space<vmem>>
          %dma_wait3A_975 = arith.constant 0 : i32
          %dma_wait3A_976 = arith.constant 64 : i32
          %dma_wait3A_977 = tpu.memref_slice %arg10[%dma_wait3A_975, %dma_wait3A_976] : memref<204800x128xf32, #tpu.memory_space<hbm>> -> memref<128x32xf32, #tpu.memory_space<hbm>>
          %dma_wait3A_978 = arith.constant 0 : i32
          %dma_wait3A_979 = arith.constant 64 : i32
          %dma_wait3A_980 = tpu.memref_slice %arg10[%dma_wait3A_978, %dma_wait3A_979] : memref<204800x128xf32, #tpu.memory_space<hbm>> -> memref<128x32xf32, #tpu.memory_space<hbm>>
          %dma_wait3A_981 = arith.constant 0 : i32
          %dma_wait3A_982 = arith.constant 0 : i32
          %dma_wait3A_983 = tpu.memref_slice %arg17[%dma_wait3A_970, %dma_wait3A_981, %dma_wait3A_982] : memref<5x128x32xf32, #tpu.memory_space<vmem>> -> memref<1x128x32xf32, #tpu.memory_space<vmem>>
          %dma_wait3A_984 = tpu.memref_squeeze %dma_wait3A_983 : memref<1x128x32xf32, #tpu.memory_space<vmem>> -> memref<128x32xf32, #tpu.memory_space<vmem>>
          tpu.wait_dma2 semaphore(%arg28 : memref<!tpu.dma_semaphore, #tpu.memory_space<semaphore_mem>>) src(%dma_wait3A_984 : memref<128x32xf32, #tpu.memory_space<vmem>>) dst(%dma_wait3A_980 : memref<128x32xf32, #tpu.memory_space<hbm>>)
          %dma_wait3A_985 = arith.constant 3 : i32
          %dma_wait3A_986 = arith.constant 0 : i32
          %dma_wait3A_987 = arith.constant 0 : i32
          %dma_wait3A_988 = tpu.memref_slice %arg18[%dma_wait3A_985, %dma_wait3A_986, %dma_wait3A_987] : memref<5x128x32xf32, #tpu.memory_space<vmem>> -> memref<1x128x32xf32, #tpu.memory_space<vmem>>
          %dma_wait3A_989 = tpu.memref_squeeze %dma_wait3A_988 : memref<1x128x32xf32, #tpu.memory_space<vmem>> -> memref<128x32xf32, #tpu.memory_space<vmem>>
          %dma_wait3A_990 = arith.constant 0 : i32
          %dma_wait3A_991 = arith.constant 96 : i32
          %dma_wait3A_992 = tpu.memref_slice %arg10[%dma_wait3A_990, %dma_wait3A_991] : memref<204800x128xf32, #tpu.memory_space<hbm>> -> memref<128x32xf32, #tpu.memory_space<hbm>>
          %dma_wait3A_993 = arith.constant 0 : i32
          %dma_wait3A_994 = arith.constant 96 : i32
          %dma_wait3A_995 = tpu.memref_slice %arg10[%dma_wait3A_993, %dma_wait3A_994] : memref<204800x128xf32, #tpu.memory_space<hbm>> -> memref<128x32xf32, #tpu.memory_space<hbm>>
          %dma_wait3A_996 = arith.constant 0 : i32
          %dma_wait3A_997 = arith.constant 0 : i32
          %dma_wait3A_998 = tpu.memref_slice %arg18[%dma_wait3A_985, %dma_wait3A_996, %dma_wait3A_997] : memref<5x128x32xf32, #tpu.memory_space<vmem>> -> memref<1x128x32xf32, #tpu.memory_space<vmem>>
          %dma_wait3A_999 = tpu.memref_squeeze %dma_wait3A_998 : memref<1x128x32xf32, #tpu.memory_space<vmem>> -> memref<128x32xf32, #tpu.memory_space<vmem>>
          tpu.wait_dma2 semaphore(%arg28 : memref<!tpu.dma_semaphore, #tpu.memory_space<semaphore_mem>>) src(%dma_wait3A_999 : memref<128x32xf32, #tpu.memory_space<vmem>>) dst(%dma_wait3A_995 : memref<128x32xf32, #tpu.memory_space<hbm>>)
        } else {
        }
        %mul3A_926 = arith.constant 128 : i32
        %mul3A_927 = arith.muli %add3A_535, %mul3A_926 : i32
        %dma_start3A_928 = arith.constant 3 : i32
        %dma_start3A_929 = arith.constant 0 : i32
        %dma_start3A_930 = arith.constant 0 : i32
        %dma_start3A_931 = tpu.memref_slice %arg16[%dma_start3A_928, %dma_start3A_929, %dma_start3A_930] : memref<5x128x64xf32, #tpu.memory_space<vmem>> -> memref<1x128x64xf32, #tpu.memory_space<vmem>>
        %dma_start3A_932 = tpu.memref_squeeze %dma_start3A_931 : memref<1x128x64xf32, #tpu.memory_space<vmem>> -> memref<128x64xf32, #tpu.memory_space<vmem>>
        %dma_start3A_933 = tpu.memref_slice %arg12[%mul3A_927] : memref<6400xi32, #tpu.memory_space<vmem>> -> memref<128xi32, #tpu.memory_space<vmem>>
        %dma_start3A_934 = arith.constant 0 : i32
        %dma_start3A_935 = arith.constant 0 : i32
        %dma_start3A_936 = tpu.memref_slice %arg6[%dma_start3A_934, %dma_start3A_935] : memref<1000000x64xf32, #tpu.memory_space<hbm>> -> memref<1000000x64xf32, #tpu.memory_space<hbm>>
        tpu.enqueue_indirect_dma source(%dma_start3A_936 : memref<1000000x64xf32, #tpu.memory_space<hbm>>) target(%dma_start3A_932 : memref<128x64xf32, #tpu.memory_space<vmem>>) offsets(%dma_start3A_933 : memref<128xi32, #tpu.memory_space<vmem>>) semaphore(%arg23 : memref<!tpu.dma_semaphore, #tpu.memory_space<semaphore_mem>>)
        %dma_start3A_937 = arith.constant 3 : i32
        %dma_start3A_938 = arith.constant 0 : i32
        %dma_start3A_939 = arith.constant 0 : i32
        %dma_start3A_940 = tpu.memref_slice %arg17[%dma_start3A_937, %dma_start3A_938, %dma_start3A_939] : memref<5x128x32xf32, #tpu.memory_space<vmem>> -> memref<1x128x32xf32, #tpu.memory_space<vmem>>
        %dma_start3A_941 = tpu.memref_squeeze %dma_start3A_940 : memref<1x128x32xf32, #tpu.memory_space<vmem>> -> memref<128x32xf32, #tpu.memory_space<vmem>>
        %dma_start3A_942 = tpu.memref_slice %arg13[%mul3A_927] : memref<6400xi32, #tpu.memory_space<vmem>> -> memref<128xi32, #tpu.memory_space<vmem>>
        %dma_start3A_943 = arith.constant 0 : i32
        %dma_start3A_944 = arith.constant 0 : i32
        %dma_start3A_945 = tpu.memref_slice %arg7[%dma_start3A_943, %dma_start3A_944] : memref<1000x32xf32, #tpu.memory_space<hbm>> -> memref<1000x32xf32, #tpu.memory_space<hbm>>
        tpu.enqueue_indirect_dma source(%dma_start3A_945 : memref<1000x32xf32, #tpu.memory_space<hbm>>) target(%dma_start3A_941 : memref<128x32xf32, #tpu.memory_space<vmem>>) offsets(%dma_start3A_942 : memref<128xi32, #tpu.memory_space<vmem>>) semaphore(%arg23 : memref<!tpu.dma_semaphore, #tpu.memory_space<semaphore_mem>>)
        %dma_start3A_946 = arith.constant 3 : i32
        %dma_start3A_947 = arith.constant 0 : i32
        %dma_start3A_948 = arith.constant 0 : i32
        %dma_start3A_949 = tpu.memref_slice %arg18[%dma_start3A_946, %dma_start3A_947, %dma_start3A_948] : memref<5x128x32xf32, #tpu.memory_space<vmem>> -> memref<1x128x32xf32, #tpu.memory_space<vmem>>
        %dma_start3A_950 = tpu.memref_squeeze %dma_start3A_949 : memref<1x128x32xf32, #tpu.memory_space<vmem>> -> memref<128x32xf32, #tpu.memory_space<vmem>>
        %dma_start3A_951 = tpu.memref_slice %arg14[%mul3A_927] : memref<6400xi32, #tpu.memory_space<vmem>> -> memref<128xi32, #tpu.memory_space<vmem>>
        %dma_start3A_952 = arith.constant 0 : i32
        %dma_start3A_953 = arith.constant 0 : i32
        %dma_start3A_954 = tpu.memref_slice %arg8[%dma_start3A_952, %dma_start3A_953] : memref<1000x32xf32, #tpu.memory_space<hbm>> -> memref<1000x32xf32, #tpu.memory_space<hbm>>
        tpu.enqueue_indirect_dma source(%dma_start3A_954 : memref<1000x32xf32, #tpu.memory_space<hbm>>) target(%dma_start3A_950 : memref<128x32xf32, #tpu.memory_space<vmem>>) offsets(%dma_start3A_951 : memref<128xi32, #tpu.memory_space<vmem>>) semaphore(%arg23 : memref<!tpu.dma_semaphore, #tpu.memory_space<semaphore_mem>>)
      } else {
      }
      %add3A_538 = arith.constant 1 : i32
      %add3A_539 = arith.addi %mul3A_444, %add3A_538 : i32
      %dma_wait3A_540 = arith.constant 1 : i32
      %dma_wait3A_541 = arith.constant 0 : i32
      %dma_wait3A_542 = arith.constant 0 : i32
      %dma_wait3A_543 = tpu.memref_slice %arg16[%dma_wait3A_540, %dma_wait3A_541, %dma_wait3A_542] : memref<5x128x64xf32, #tpu.memory_space<vmem>> -> memref<1x128x64xf32, #tpu.memory_space<vmem>>
      %dma_wait3A_544 = tpu.memref_squeeze %dma_wait3A_543 : memref<1x128x64xf32, #tpu.memory_space<vmem>> -> memref<128x64xf32, #tpu.memory_space<vmem>>
      %dma_wait3A_545 = arith.constant 0 : i32
      %dma_wait3A_546 = arith.constant 0 : i32
      %dma_wait3A_547 = tpu.memref_slice %arg10[%dma_wait3A_545, %dma_wait3A_546] : memref<204800x128xf32, #tpu.memory_space<hbm>> -> memref<128x128xf32, #tpu.memory_space<hbm>>
      %dma_wait3A_548 = arith.constant 0 : i32
      %dma_wait3A_549 = arith.constant 0 : i32
      %dma_wait3A_550 = tpu.memref_slice %arg16[%dma_wait3A_540, %dma_wait3A_548, %dma_wait3A_549] : memref<5x128x64xf32, #tpu.memory_space<vmem>> -> memref<1x128x64xf32, #tpu.memory_space<vmem>>
      %dma_wait3A_551 = tpu.memref_squeeze %dma_wait3A_550 : memref<1x128x64xf32, #tpu.memory_space<vmem>> -> memref<128x64xf32, #tpu.memory_space<vmem>>
      %dma_wait3A_552 = arith.constant 0 : i32
      %dma_wait3A_553 = arith.constant 0 : i32
      %dma_wait3A_554 = tpu.memref_slice %arg10[%dma_wait3A_552, %dma_wait3A_553] : memref<204800x128xf32, #tpu.memory_space<hbm>> -> memref<128x128xf32, #tpu.memory_space<hbm>>
      tpu.wait_dma2 semaphore(%arg21 : memref<!tpu.dma_semaphore, #tpu.memory_space<semaphore_mem>>) src(%dma_wait3A_554 : memref<128x128xf32, #tpu.memory_space<hbm>>) dst(%dma_wait3A_551 : memref<128x64xf32, #tpu.memory_space<vmem>>)
      %dma_wait3A_555 = arith.constant 1 : i32
      %dma_wait3A_556 = arith.constant 0 : i32
      %dma_wait3A_557 = arith.constant 0 : i32
      %dma_wait3A_558 = tpu.memref_slice %arg17[%dma_wait3A_555, %dma_wait3A_556, %dma_wait3A_557] : memref<5x128x32xf32, #tpu.memory_space<vmem>> -> memref<1x128x32xf32, #tpu.memory_space<vmem>>
      %dma_wait3A_559 = tpu.memref_squeeze %dma_wait3A_558 : memref<1x128x32xf32, #tpu.memory_space<vmem>> -> memref<128x32xf32, #tpu.memory_space<vmem>>
      %dma_wait3A_560 = arith.constant 0 : i32
      %dma_wait3A_561 = arith.constant 0 : i32
      %dma_wait3A_562 = tpu.memref_slice %arg10[%dma_wait3A_560, %dma_wait3A_561] : memref<204800x128xf32, #tpu.memory_space<hbm>> -> memref<128x128xf32, #tpu.memory_space<hbm>>
      %dma_wait3A_563 = arith.constant 0 : i32
      %dma_wait3A_564 = arith.constant 0 : i32
      %dma_wait3A_565 = tpu.memref_slice %arg17[%dma_wait3A_555, %dma_wait3A_563, %dma_wait3A_564] : memref<5x128x32xf32, #tpu.memory_space<vmem>> -> memref<1x128x32xf32, #tpu.memory_space<vmem>>
      %dma_wait3A_566 = tpu.memref_squeeze %dma_wait3A_565 : memref<1x128x32xf32, #tpu.memory_space<vmem>> -> memref<128x32xf32, #tpu.memory_space<vmem>>
      %dma_wait3A_567 = arith.constant 0 : i32
      %dma_wait3A_568 = arith.constant 0 : i32
      %dma_wait3A_569 = tpu.memref_slice %arg10[%dma_wait3A_567, %dma_wait3A_568] : memref<204800x128xf32, #tpu.memory_space<hbm>> -> memref<128x128xf32, #tpu.memory_space<hbm>>
      tpu.wait_dma2 semaphore(%arg21 : memref<!tpu.dma_semaphore, #tpu.memory_space<semaphore_mem>>) src(%dma_wait3A_569 : memref<128x128xf32, #tpu.memory_space<hbm>>) dst(%dma_wait3A_566 : memref<128x32xf32, #tpu.memory_space<vmem>>)
      %dma_wait3A_570 = arith.constant 1 : i32
      %dma_wait3A_571 = arith.constant 0 : i32
      %dma_wait3A_572 = arith.constant 0 : i32
      %dma_wait3A_573 = tpu.memref_slice %arg18[%dma_wait3A_570, %dma_wait3A_571, %dma_wait3A_572] : memref<5x128x32xf32, #tpu.memory_space<vmem>> -> memref<1x128x32xf32, #tpu.memory_space<vmem>>
      %dma_wait3A_574 = tpu.memref_squeeze %dma_wait3A_573 : memref<1x128x32xf32, #tpu.memory_space<vmem>> -> memref<128x32xf32, #tpu.memory_space<vmem>>
      %dma_wait3A_575 = arith.constant 0 : i32
      %dma_wait3A_576 = arith.constant 0 : i32
      %dma_wait3A_577 = tpu.memref_slice %arg10[%dma_wait3A_575, %dma_wait3A_576] : memref<204800x128xf32, #tpu.memory_space<hbm>> -> memref<128x128xf32, #tpu.memory_space<hbm>>
      %dma_wait3A_578 = arith.constant 0 : i32
      %dma_wait3A_579 = arith.constant 0 : i32
      %dma_wait3A_580 = tpu.memref_slice %arg18[%dma_wait3A_570, %dma_wait3A_578, %dma_wait3A_579] : memref<5x128x32xf32, #tpu.memory_space<vmem>> -> memref<1x128x32xf32, #tpu.memory_space<vmem>>
      %dma_wait3A_581 = tpu.memref_squeeze %dma_wait3A_580 : memref<1x128x32xf32, #tpu.memory_space<vmem>> -> memref<128x32xf32, #tpu.memory_space<vmem>>
      %dma_wait3A_582 = arith.constant 0 : i32
      %dma_wait3A_583 = arith.constant 0 : i32
      %dma_wait3A_584 = tpu.memref_slice %arg10[%dma_wait3A_582, %dma_wait3A_583] : memref<204800x128xf32, #tpu.memory_space<hbm>> -> memref<128x128xf32, #tpu.memory_space<hbm>>
      tpu.wait_dma2 semaphore(%arg21 : memref<!tpu.dma_semaphore, #tpu.memory_space<semaphore_mem>>) src(%dma_wait3A_584 : memref<128x128xf32, #tpu.memory_space<hbm>>) dst(%dma_wait3A_581 : memref<128x32xf32, #tpu.memory_space<vmem>>)
      %mul3A_585 = arith.constant 128 : i32
      %mul3A_586 = arith.muli %add3A_539, %mul3A_585 : i32
      %add3A_587 = arith.addi %mul3A_10, %mul3A_586 : i32
      %dma_start3A_588 = arith.constant 1 : i32
      %dma_start3A_589 = arith.constant 0 : i32
      %dma_start3A_590 = arith.constant 0 : i32
      %dma_start3A_591 = tpu.memref_slice %arg16[%dma_start3A_588, %dma_start3A_589, %dma_start3A_590] : memref<5x128x64xf32, #tpu.memory_space<vmem>> -> memref<1x128x64xf32, #tpu.memory_space<vmem>>
      %dma_start3A_592 = tpu.memref_squeeze %dma_start3A_591 : memref<1x128x64xf32, #tpu.memory_space<vmem>> -> memref<128x64xf32, #tpu.memory_space<vmem>>
      %dma_start3A_593 = arith.constant 0 : i32
      %dma_start3A_594 = tpu.memref_slice %arg10[%add3A_587, %dma_start3A_593] : memref<204800x128xf32, #tpu.memory_space<hbm>> -> memref<128x64xf32, #tpu.memory_space<hbm>>
      %dma_start3A_595 = arith.constant 0 : i32
      %dma_start3A_596 = tpu.memref_slice %arg10[%add3A_587, %dma_start3A_595] : memref<204800x128xf32, #tpu.memory_space<hbm>> -> memref<128x64xf32, #tpu.memory_space<hbm>>
      %dma_start3A_597 = arith.constant 0 : i32
      %dma_start3A_598 = arith.constant 0 : i32
      %dma_start3A_599 = tpu.memref_slice %arg16[%dma_start3A_588, %dma_start3A_597, %dma_start3A_598] : memref<5x128x64xf32, #tpu.memory_space<vmem>> -> memref<1x128x64xf32, #tpu.memory_space<vmem>>
      %dma_start3A_600 = tpu.memref_squeeze %dma_start3A_599 : memref<1x128x64xf32, #tpu.memory_space<vmem>> -> memref<128x64xf32, #tpu.memory_space<vmem>>
      tpu.enqueue_dma source(%dma_start3A_600 : memref<128x64xf32, #tpu.memory_space<vmem>>) target(%dma_start3A_596 : memref<128x64xf32, #tpu.memory_space<hbm>>) target_semaphore(%arg26 : memref<!tpu.dma_semaphore, #tpu.memory_space<semaphore_mem>>)
      %dma_start3A_601 = arith.constant 1 : i32
      %dma_start3A_602 = arith.constant 0 : i32
      %dma_start3A_603 = arith.constant 0 : i32
      %dma_start3A_604 = tpu.memref_slice %arg17[%dma_start3A_601, %dma_start3A_602, %dma_start3A_603] : memref<5x128x32xf32, #tpu.memory_space<vmem>> -> memref<1x128x32xf32, #tpu.memory_space<vmem>>
      %dma_start3A_605 = tpu.memref_squeeze %dma_start3A_604 : memref<1x128x32xf32, #tpu.memory_space<vmem>> -> memref<128x32xf32, #tpu.memory_space<vmem>>
      %dma_start3A_606 = arith.constant 64 : i32
      %dma_start3A_607 = tpu.memref_slice %arg10[%add3A_587, %dma_start3A_606] : memref<204800x128xf32, #tpu.memory_space<hbm>> -> memref<128x32xf32, #tpu.memory_space<hbm>>
      %dma_start3A_608 = arith.constant 64 : i32
      %dma_start3A_609 = tpu.memref_slice %arg10[%add3A_587, %dma_start3A_608] : memref<204800x128xf32, #tpu.memory_space<hbm>> -> memref<128x32xf32, #tpu.memory_space<hbm>>
      %dma_start3A_610 = arith.constant 0 : i32
      %dma_start3A_611 = arith.constant 0 : i32
      %dma_start3A_612 = tpu.memref_slice %arg17[%dma_start3A_601, %dma_start3A_610, %dma_start3A_611] : memref<5x128x32xf32, #tpu.memory_space<vmem>> -> memref<1x128x32xf32, #tpu.memory_space<vmem>>
      %dma_start3A_613 = tpu.memref_squeeze %dma_start3A_612 : memref<1x128x32xf32, #tpu.memory_space<vmem>> -> memref<128x32xf32, #tpu.memory_space<vmem>>
      tpu.enqueue_dma source(%dma_start3A_613 : memref<128x32xf32, #tpu.memory_space<vmem>>) target(%dma_start3A_609 : memref<128x32xf32, #tpu.memory_space<hbm>>) target_semaphore(%arg26 : memref<!tpu.dma_semaphore, #tpu.memory_space<semaphore_mem>>)
      %dma_start3A_614 = arith.constant 1 : i32
      %dma_start3A_615 = arith.constant 0 : i32
      %dma_start3A_616 = arith.constant 0 : i32
      %dma_start3A_617 = tpu.memref_slice %arg18[%dma_start3A_614, %dma_start3A_615, %dma_start3A_616] : memref<5x128x32xf32, #tpu.memory_space<vmem>> -> memref<1x128x32xf32, #tpu.memory_space<vmem>>
      %dma_start3A_618 = tpu.memref_squeeze %dma_start3A_617 : memref<1x128x32xf32, #tpu.memory_space<vmem>> -> memref<128x32xf32, #tpu.memory_space<vmem>>
      %dma_start3A_619 = arith.constant 96 : i32
      %dma_start3A_620 = tpu.memref_slice %arg10[%add3A_587, %dma_start3A_619] : memref<204800x128xf32, #tpu.memory_space<hbm>> -> memref<128x32xf32, #tpu.memory_space<hbm>>
      %dma_start3A_621 = arith.constant 96 : i32
      %dma_start3A_622 = tpu.memref_slice %arg10[%add3A_587, %dma_start3A_621] : memref<204800x128xf32, #tpu.memory_space<hbm>> -> memref<128x32xf32, #tpu.memory_space<hbm>>
      %dma_start3A_623 = arith.constant 0 : i32
      %dma_start3A_624 = arith.constant 0 : i32
      %dma_start3A_625 = tpu.memref_slice %arg18[%dma_start3A_614, %dma_start3A_623, %dma_start3A_624] : memref<5x128x32xf32, #tpu.memory_space<vmem>> -> memref<1x128x32xf32, #tpu.memory_space<vmem>>
      %dma_start3A_626 = tpu.memref_squeeze %dma_start3A_625 : memref<1x128x32xf32, #tpu.memory_space<vmem>> -> memref<128x32xf32, #tpu.memory_space<vmem>>
      tpu.enqueue_dma source(%dma_start3A_626 : memref<128x32xf32, #tpu.memory_space<vmem>>) target(%dma_start3A_622 : memref<128x32xf32, #tpu.memory_space<hbm>>) target_semaphore(%arg26 : memref<!tpu.dma_semaphore, #tpu.memory_space<semaphore_mem>>)
      %add3A_627 = arith.constant 3 : i32
      %add3A_628 = arith.addi %add3A_539, %add3A_627 : i32
      %lt3A_629 = arith.constant 50 : i32
      %lt3A_630 = arith.cmpi slt, %add3A_628, %lt3A_629 : i32
      %convert_element_type3A_631 = arith.extui %lt3A_630 : i1 to i32
      %cond3A_632 = arith.constant 0 : i32
      %cond3A_633 = arith.cmpi ne, %convert_element_type3A_631, %cond3A_632 : i32
      scf.if %cond3A_633 {
        %ge3A = arith.constant 5 : i32
        %ge3A_922 = arith.cmpi sge, %add3A_628, %ge3A : i32
        %convert_element_type3A_923 = arith.extui %ge3A_922 : i1 to i32
        %cond3A_924 = arith.constant 0 : i32
        %cond3A_925 = arith.cmpi ne, %convert_element_type3A_923, %cond3A_924 : i32
        scf.if %cond3A_925 {
          %dma_wait3A_955 = arith.constant 4 : i32
          %dma_wait3A_956 = arith.constant 0 : i32
          %dma_wait3A_957 = arith.constant 0 : i32
          %dma_wait3A_958 = tpu.memref_slice %arg16[%dma_wait3A_955, %dma_wait3A_956, %dma_wait3A_957] : memref<5x128x64xf32, #tpu.memory_space<vmem>> -> memref<1x128x64xf32, #tpu.memory_space<vmem>>
          %dma_wait3A_959 = tpu.memref_squeeze %dma_wait3A_958 : memref<1x128x64xf32, #tpu.memory_space<vmem>> -> memref<128x64xf32, #tpu.memory_space<vmem>>
          %dma_wait3A_960 = arith.constant 0 : i32
          %dma_wait3A_961 = arith.constant 0 : i32
          %dma_wait3A_962 = tpu.memref_slice %arg10[%dma_wait3A_960, %dma_wait3A_961] : memref<204800x128xf32, #tpu.memory_space<hbm>> -> memref<128x64xf32, #tpu.memory_space<hbm>>
          %dma_wait3A_963 = arith.constant 0 : i32
          %dma_wait3A_964 = arith.constant 0 : i32
          %dma_wait3A_965 = tpu.memref_slice %arg10[%dma_wait3A_963, %dma_wait3A_964] : memref<204800x128xf32, #tpu.memory_space<hbm>> -> memref<128x64xf32, #tpu.memory_space<hbm>>
          %dma_wait3A_966 = arith.constant 0 : i32
          %dma_wait3A_967 = arith.constant 0 : i32
          %dma_wait3A_968 = tpu.memref_slice %arg16[%dma_wait3A_955, %dma_wait3A_966, %dma_wait3A_967] : memref<5x128x64xf32, #tpu.memory_space<vmem>> -> memref<1x128x64xf32, #tpu.memory_space<vmem>>
          %dma_wait3A_969 = tpu.memref_squeeze %dma_wait3A_968 : memref<1x128x64xf32, #tpu.memory_space<vmem>> -> memref<128x64xf32, #tpu.memory_space<vmem>>
          tpu.wait_dma2 semaphore(%arg29 : memref<!tpu.dma_semaphore, #tpu.memory_space<semaphore_mem>>) src(%dma_wait3A_969 : memref<128x64xf32, #tpu.memory_space<vmem>>) dst(%dma_wait3A_965 : memref<128x64xf32, #tpu.memory_space<hbm>>)
          %dma_wait3A_970 = arith.constant 4 : i32
          %dma_wait3A_971 = arith.constant 0 : i32
          %dma_wait3A_972 = arith.constant 0 : i32
          %dma_wait3A_973 = tpu.memref_slice %arg17[%dma_wait3A_970, %dma_wait3A_971, %dma_wait3A_972] : memref<5x128x32xf32, #tpu.memory_space<vmem>> -> memref<1x128x32xf32, #tpu.memory_space<vmem>>
          %dma_wait3A_974 = tpu.memref_squeeze %dma_wait3A_973 : memref<1x128x32xf32, #tpu.memory_space<vmem>> -> memref<128x32xf32, #tpu.memory_space<vmem>>
          %dma_wait3A_975 = arith.constant 0 : i32
          %dma_wait3A_976 = arith.constant 64 : i32
          %dma_wait3A_977 = tpu.memref_slice %arg10[%dma_wait3A_975, %dma_wait3A_976] : memref<204800x128xf32, #tpu.memory_space<hbm>> -> memref<128x32xf32, #tpu.memory_space<hbm>>
          %dma_wait3A_978 = arith.constant 0 : i32
          %dma_wait3A_979 = arith.constant 64 : i32
          %dma_wait3A_980 = tpu.memref_slice %arg10[%dma_wait3A_978, %dma_wait3A_979] : memref<204800x128xf32, #tpu.memory_space<hbm>> -> memref<128x32xf32, #tpu.memory_space<hbm>>
          %dma_wait3A_981 = arith.constant 0 : i32
          %dma_wait3A_982 = arith.constant 0 : i32
          %dma_wait3A_983 = tpu.memref_slice %arg17[%dma_wait3A_970, %dma_wait3A_981, %dma_wait3A_982] : memref<5x128x32xf32, #tpu.memory_space<vmem>> -> memref<1x128x32xf32, #tpu.memory_space<vmem>>
          %dma_wait3A_984 = tpu.memref_squeeze %dma_wait3A_983 : memref<1x128x32xf32, #tpu.memory_space<vmem>> -> memref<128x32xf32, #tpu.memory_space<vmem>>
          tpu.wait_dma2 semaphore(%arg29 : memref<!tpu.dma_semaphore, #tpu.memory_space<semaphore_mem>>) src(%dma_wait3A_984 : memref<128x32xf32, #tpu.memory_space<vmem>>) dst(%dma_wait3A_980 : memref<128x32xf32, #tpu.memory_space<hbm>>)
          %dma_wait3A_985 = arith.constant 4 : i32
          %dma_wait3A_986 = arith.constant 0 : i32
          %dma_wait3A_987 = arith.constant 0 : i32
          %dma_wait3A_988 = tpu.memref_slice %arg18[%dma_wait3A_985, %dma_wait3A_986, %dma_wait3A_987] : memref<5x128x32xf32, #tpu.memory_space<vmem>> -> memref<1x128x32xf32, #tpu.memory_space<vmem>>
          %dma_wait3A_989 = tpu.memref_squeeze %dma_wait3A_988 : memref<1x128x32xf32, #tpu.memory_space<vmem>> -> memref<128x32xf32, #tpu.memory_space<vmem>>
          %dma_wait3A_990 = arith.constant 0 : i32
          %dma_wait3A_991 = arith.constant 96 : i32
          %dma_wait3A_992 = tpu.memref_slice %arg10[%dma_wait3A_990, %dma_wait3A_991] : memref<204800x128xf32, #tpu.memory_space<hbm>> -> memref<128x32xf32, #tpu.memory_space<hbm>>
          %dma_wait3A_993 = arith.constant 0 : i32
          %dma_wait3A_994 = arith.constant 96 : i32
          %dma_wait3A_995 = tpu.memref_slice %arg10[%dma_wait3A_993, %dma_wait3A_994] : memref<204800x128xf32, #tpu.memory_space<hbm>> -> memref<128x32xf32, #tpu.memory_space<hbm>>
          %dma_wait3A_996 = arith.constant 0 : i32
          %dma_wait3A_997 = arith.constant 0 : i32
          %dma_wait3A_998 = tpu.memref_slice %arg18[%dma_wait3A_985, %dma_wait3A_996, %dma_wait3A_997] : memref<5x128x32xf32, #tpu.memory_space<vmem>> -> memref<1x128x32xf32, #tpu.memory_space<vmem>>
          %dma_wait3A_999 = tpu.memref_squeeze %dma_wait3A_998 : memref<1x128x32xf32, #tpu.memory_space<vmem>> -> memref<128x32xf32, #tpu.memory_space<vmem>>
          tpu.wait_dma2 semaphore(%arg29 : memref<!tpu.dma_semaphore, #tpu.memory_space<semaphore_mem>>) src(%dma_wait3A_999 : memref<128x32xf32, #tpu.memory_space<vmem>>) dst(%dma_wait3A_995 : memref<128x32xf32, #tpu.memory_space<hbm>>)
        } else {
        }
        %mul3A_926 = arith.constant 128 : i32
        %mul3A_927 = arith.muli %add3A_628, %mul3A_926 : i32
        %dma_start3A_928 = arith.constant 4 : i32
        %dma_start3A_929 = arith.constant 0 : i32
        %dma_start3A_930 = arith.constant 0 : i32
        %dma_start3A_931 = tpu.memref_slice %arg16[%dma_start3A_928, %dma_start3A_929, %dma_start3A_930] : memref<5x128x64xf32, #tpu.memory_space<vmem>> -> memref<1x128x64xf32, #tpu.memory_space<vmem>>
        %dma_start3A_932 = tpu.memref_squeeze %dma_start3A_931 : memref<1x128x64xf32, #tpu.memory_space<vmem>> -> memref<128x64xf32, #tpu.memory_space<vmem>>
        %dma_start3A_933 = tpu.memref_slice %arg12[%mul3A_927] : memref<6400xi32, #tpu.memory_space<vmem>> -> memref<128xi32, #tpu.memory_space<vmem>>
        %dma_start3A_934 = arith.constant 0 : i32
        %dma_start3A_935 = arith.constant 0 : i32
        %dma_start3A_936 = tpu.memref_slice %arg6[%dma_start3A_934, %dma_start3A_935] : memref<1000000x64xf32, #tpu.memory_space<hbm>> -> memref<1000000x64xf32, #tpu.memory_space<hbm>>
        tpu.enqueue_indirect_dma source(%dma_start3A_936 : memref<1000000x64xf32, #tpu.memory_space<hbm>>) target(%dma_start3A_932 : memref<128x64xf32, #tpu.memory_space<vmem>>) offsets(%dma_start3A_933 : memref<128xi32, #tpu.memory_space<vmem>>) semaphore(%arg24 : memref<!tpu.dma_semaphore, #tpu.memory_space<semaphore_mem>>)
        %dma_start3A_937 = arith.constant 4 : i32
        %dma_start3A_938 = arith.constant 0 : i32
        %dma_start3A_939 = arith.constant 0 : i32
        %dma_start3A_940 = tpu.memref_slice %arg17[%dma_start3A_937, %dma_start3A_938, %dma_start3A_939] : memref<5x128x32xf32, #tpu.memory_space<vmem>> -> memref<1x128x32xf32, #tpu.memory_space<vmem>>
        %dma_start3A_941 = tpu.memref_squeeze %dma_start3A_940 : memref<1x128x32xf32, #tpu.memory_space<vmem>> -> memref<128x32xf32, #tpu.memory_space<vmem>>
        %dma_start3A_942 = tpu.memref_slice %arg13[%mul3A_927] : memref<6400xi32, #tpu.memory_space<vmem>> -> memref<128xi32, #tpu.memory_space<vmem>>
        %dma_start3A_943 = arith.constant 0 : i32
        %dma_start3A_944 = arith.constant 0 : i32
        %dma_start3A_945 = tpu.memref_slice %arg7[%dma_start3A_943, %dma_start3A_944] : memref<1000x32xf32, #tpu.memory_space<hbm>> -> memref<1000x32xf32, #tpu.memory_space<hbm>>
        tpu.enqueue_indirect_dma source(%dma_start3A_945 : memref<1000x32xf32, #tpu.memory_space<hbm>>) target(%dma_start3A_941 : memref<128x32xf32, #tpu.memory_space<vmem>>) offsets(%dma_start3A_942 : memref<128xi32, #tpu.memory_space<vmem>>) semaphore(%arg24 : memref<!tpu.dma_semaphore, #tpu.memory_space<semaphore_mem>>)
        %dma_start3A_946 = arith.constant 4 : i32
        %dma_start3A_947 = arith.constant 0 : i32
        %dma_start3A_948 = arith.constant 0 : i32
        %dma_start3A_949 = tpu.memref_slice %arg18[%dma_start3A_946, %dma_start3A_947, %dma_start3A_948] : memref<5x128x32xf32, #tpu.memory_space<vmem>> -> memref<1x128x32xf32, #tpu.memory_space<vmem>>
        %dma_start3A_950 = tpu.memref_squeeze %dma_start3A_949 : memref<1x128x32xf32, #tpu.memory_space<vmem>> -> memref<128x32xf32, #tpu.memory_space<vmem>>
        %dma_start3A_951 = tpu.memref_slice %arg14[%mul3A_927] : memref<6400xi32, #tpu.memory_space<vmem>> -> memref<128xi32, #tpu.memory_space<vmem>>
        %dma_start3A_952 = arith.constant 0 : i32
        %dma_start3A_953 = arith.constant 0 : i32
        %dma_start3A_954 = tpu.memref_slice %arg8[%dma_start3A_952, %dma_start3A_953] : memref<1000x32xf32, #tpu.memory_space<hbm>> -> memref<1000x32xf32, #tpu.memory_space<hbm>>
        tpu.enqueue_indirect_dma source(%dma_start3A_954 : memref<1000x32xf32, #tpu.memory_space<hbm>>) target(%dma_start3A_950 : memref<128x32xf32, #tpu.memory_space<vmem>>) offsets(%dma_start3A_951 : memref<128xi32, #tpu.memory_space<vmem>>) semaphore(%arg24 : memref<!tpu.dma_semaphore, #tpu.memory_space<semaphore_mem>>)
      } else {
      }
      %add3A_634 = arith.constant 2 : i32
      %add3A_635 = arith.addi %mul3A_444, %add3A_634 : i32
      %dma_wait3A_636 = arith.constant 2 : i32
      %dma_wait3A_637 = arith.constant 0 : i32
      %dma_wait3A_638 = arith.constant 0 : i32
      %dma_wait3A_639 = tpu.memref_slice %arg16[%dma_wait3A_636, %dma_wait3A_637, %dma_wait3A_638] : memref<5x128x64xf32, #tpu.memory_space<vmem>> -> memref<1x128x64xf32, #tpu.memory_space<vmem>>
      %dma_wait3A_640 = tpu.memref_squeeze %dma_wait3A_639 : memref<1x128x64xf32, #tpu.memory_space<vmem>> -> memref<128x64xf32, #tpu.memory_space<vmem>>
      %dma_wait3A_641 = arith.constant 0 : i32
      %dma_wait3A_642 = arith.constant 0 : i32
      %dma_wait3A_643 = tpu.memref_slice %arg10[%dma_wait3A_641, %dma_wait3A_642] : memref<204800x128xf32, #tpu.memory_space<hbm>> -> memref<128x128xf32, #tpu.memory_space<hbm>>
      %dma_wait3A_644 = arith.constant 0 : i32
      %dma_wait3A_645 = arith.constant 0 : i32
      %dma_wait3A_646 = tpu.memref_slice %arg16[%dma_wait3A_636, %dma_wait3A_644, %dma_wait3A_645] : memref<5x128x64xf32, #tpu.memory_space<vmem>> -> memref<1x128x64xf32, #tpu.memory_space<vmem>>
      %dma_wait3A_647 = tpu.memref_squeeze %dma_wait3A_646 : memref<1x128x64xf32, #tpu.memory_space<vmem>> -> memref<128x64xf32, #tpu.memory_space<vmem>>
      %dma_wait3A_648 = arith.constant 0 : i32
      %dma_wait3A_649 = arith.constant 0 : i32
      %dma_wait3A_650 = tpu.memref_slice %arg10[%dma_wait3A_648, %dma_wait3A_649] : memref<204800x128xf32, #tpu.memory_space<hbm>> -> memref<128x128xf32, #tpu.memory_space<hbm>>
      tpu.wait_dma2 semaphore(%arg22 : memref<!tpu.dma_semaphore, #tpu.memory_space<semaphore_mem>>) src(%dma_wait3A_650 : memref<128x128xf32, #tpu.memory_space<hbm>>) dst(%dma_wait3A_647 : memref<128x64xf32, #tpu.memory_space<vmem>>)
      %dma_wait3A_651 = arith.constant 2 : i32
      %dma_wait3A_652 = arith.constant 0 : i32
      %dma_wait3A_653 = arith.constant 0 : i32
      %dma_wait3A_654 = tpu.memref_slice %arg17[%dma_wait3A_651, %dma_wait3A_652, %dma_wait3A_653] : memref<5x128x32xf32, #tpu.memory_space<vmem>> -> memref<1x128x32xf32, #tpu.memory_space<vmem>>
      %dma_wait3A_655 = tpu.memref_squeeze %dma_wait3A_654 : memref<1x128x32xf32, #tpu.memory_space<vmem>> -> memref<128x32xf32, #tpu.memory_space<vmem>>
      %dma_wait3A_656 = arith.constant 0 : i32
      %dma_wait3A_657 = arith.constant 0 : i32
      %dma_wait3A_658 = tpu.memref_slice %arg10[%dma_wait3A_656, %dma_wait3A_657] : memref<204800x128xf32, #tpu.memory_space<hbm>> -> memref<128x128xf32, #tpu.memory_space<hbm>>
      %dma_wait3A_659 = arith.constant 0 : i32
      %dma_wait3A_660 = arith.constant 0 : i32
      %dma_wait3A_661 = tpu.memref_slice %arg17[%dma_wait3A_651, %dma_wait3A_659, %dma_wait3A_660] : memref<5x128x32xf32, #tpu.memory_space<vmem>> -> memref<1x128x32xf32, #tpu.memory_space<vmem>>
      %dma_wait3A_662 = tpu.memref_squeeze %dma_wait3A_661 : memref<1x128x32xf32, #tpu.memory_space<vmem>> -> memref<128x32xf32, #tpu.memory_space<vmem>>
      %dma_wait3A_663 = arith.constant 0 : i32
      %dma_wait3A_664 = arith.constant 0 : i32
      %dma_wait3A_665 = tpu.memref_slice %arg10[%dma_wait3A_663, %dma_wait3A_664] : memref<204800x128xf32, #tpu.memory_space<hbm>> -> memref<128x128xf32, #tpu.memory_space<hbm>>
      tpu.wait_dma2 semaphore(%arg22 : memref<!tpu.dma_semaphore, #tpu.memory_space<semaphore_mem>>) src(%dma_wait3A_665 : memref<128x128xf32, #tpu.memory_space<hbm>>) dst(%dma_wait3A_662 : memref<128x32xf32, #tpu.memory_space<vmem>>)
      %dma_wait3A_666 = arith.constant 2 : i32
      %dma_wait3A_667 = arith.constant 0 : i32
      %dma_wait3A_668 = arith.constant 0 : i32
      %dma_wait3A_669 = tpu.memref_slice %arg18[%dma_wait3A_666, %dma_wait3A_667, %dma_wait3A_668] : memref<5x128x32xf32, #tpu.memory_space<vmem>> -> memref<1x128x32xf32, #tpu.memory_space<vmem>>
      %dma_wait3A_670 = tpu.memref_squeeze %dma_wait3A_669 : memref<1x128x32xf32, #tpu.memory_space<vmem>> -> memref<128x32xf32, #tpu.memory_space<vmem>>
      %dma_wait3A_671 = arith.constant 0 : i32
      %dma_wait3A_672 = arith.constant 0 : i32
      %dma_wait3A_673 = tpu.memref_slice %arg10[%dma_wait3A_671, %dma_wait3A_672] : memref<204800x128xf32, #tpu.memory_space<hbm>> -> memref<128x128xf32, #tpu.memory_space<hbm>>
      %dma_wait3A_674 = arith.constant 0 : i32
      %dma_wait3A_675 = arith.constant 0 : i32
      %dma_wait3A_676 = tpu.memref_slice %arg18[%dma_wait3A_666, %dma_wait3A_674, %dma_wait3A_675] : memref<5x128x32xf32, #tpu.memory_space<vmem>> -> memref<1x128x32xf32, #tpu.memory_space<vmem>>
      %dma_wait3A_677 = tpu.memref_squeeze %dma_wait3A_676 : memref<1x128x32xf32, #tpu.memory_space<vmem>> -> memref<128x32xf32, #tpu.memory_space<vmem>>
      %dma_wait3A_678 = arith.constant 0 : i32
      %dma_wait3A_679 = arith.constant 0 : i32
      %dma_wait3A_680 = tpu.memref_slice %arg10[%dma_wait3A_678, %dma_wait3A_679] : memref<204800x128xf32, #tpu.memory_space<hbm>> -> memref<128x128xf32, #tpu.memory_space<hbm>>
      tpu.wait_dma2 semaphore(%arg22 : memref<!tpu.dma_semaphore, #tpu.memory_space<semaphore_mem>>) src(%dma_wait3A_680 : memref<128x128xf32, #tpu.memory_space<hbm>>) dst(%dma_wait3A_677 : memref<128x32xf32, #tpu.memory_space<vmem>>)
      %mul3A_681 = arith.constant 128 : i32
      %mul3A_682 = arith.muli %add3A_635, %mul3A_681 : i32
      %add3A_683 = arith.addi %mul3A_10, %mul3A_682 : i32
      %dma_start3A_684 = arith.constant 2 : i32
      %dma_start3A_685 = arith.constant 0 : i32
      %dma_start3A_686 = arith.constant 0 : i32
      %dma_start3A_687 = tpu.memref_slice %arg16[%dma_start3A_684, %dma_start3A_685, %dma_start3A_686] : memref<5x128x64xf32, #tpu.memory_space<vmem>> -> memref<1x128x64xf32, #tpu.memory_space<vmem>>
      %dma_start3A_688 = tpu.memref_squeeze %dma_start3A_687 : memref<1x128x64xf32, #tpu.memory_space<vmem>> -> memref<128x64xf32, #tpu.memory_space<vmem>>
      %dma_start3A_689 = arith.constant 0 : i32
      %dma_start3A_690 = tpu.memref_slice %arg10[%add3A_683, %dma_start3A_689] : memref<204800x128xf32, #tpu.memory_space<hbm>> -> memref<128x64xf32, #tpu.memory_space<hbm>>
      %dma_start3A_691 = arith.constant 0 : i32
      %dma_start3A_692 = tpu.memref_slice %arg10[%add3A_683, %dma_start3A_691] : memref<204800x128xf32, #tpu.memory_space<hbm>> -> memref<128x64xf32, #tpu.memory_space<hbm>>
      %dma_start3A_693 = arith.constant 0 : i32
      %dma_start3A_694 = arith.constant 0 : i32
      %dma_start3A_695 = tpu.memref_slice %arg16[%dma_start3A_684, %dma_start3A_693, %dma_start3A_694] : memref<5x128x64xf32, #tpu.memory_space<vmem>> -> memref<1x128x64xf32, #tpu.memory_space<vmem>>
      %dma_start3A_696 = tpu.memref_squeeze %dma_start3A_695 : memref<1x128x64xf32, #tpu.memory_space<vmem>> -> memref<128x64xf32, #tpu.memory_space<vmem>>
      tpu.enqueue_dma source(%dma_start3A_696 : memref<128x64xf32, #tpu.memory_space<vmem>>) target(%dma_start3A_692 : memref<128x64xf32, #tpu.memory_space<hbm>>) target_semaphore(%arg27 : memref<!tpu.dma_semaphore, #tpu.memory_space<semaphore_mem>>)
      %dma_start3A_697 = arith.constant 2 : i32
      %dma_start3A_698 = arith.constant 0 : i32
      %dma_start3A_699 = arith.constant 0 : i32
      %dma_start3A_700 = tpu.memref_slice %arg17[%dma_start3A_697, %dma_start3A_698, %dma_start3A_699] : memref<5x128x32xf32, #tpu.memory_space<vmem>> -> memref<1x128x32xf32, #tpu.memory_space<vmem>>
      %dma_start3A_701 = tpu.memref_squeeze %dma_start3A_700 : memref<1x128x32xf32, #tpu.memory_space<vmem>> -> memref<128x32xf32, #tpu.memory_space<vmem>>
      %dma_start3A_702 = arith.constant 64 : i32
      %dma_start3A_703 = tpu.memref_slice %arg10[%add3A_683, %dma_start3A_702] : memref<204800x128xf32, #tpu.memory_space<hbm>> -> memref<128x32xf32, #tpu.memory_space<hbm>>
      %dma_start3A_704 = arith.constant 64 : i32
      %dma_start3A_705 = tpu.memref_slice %arg10[%add3A_683, %dma_start3A_704] : memref<204800x128xf32, #tpu.memory_space<hbm>> -> memref<128x32xf32, #tpu.memory_space<hbm>>
      %dma_start3A_706 = arith.constant 0 : i32
      %dma_start3A_707 = arith.constant 0 : i32
      %dma_start3A_708 = tpu.memref_slice %arg17[%dma_start3A_697, %dma_start3A_706, %dma_start3A_707] : memref<5x128x32xf32, #tpu.memory_space<vmem>> -> memref<1x128x32xf32, #tpu.memory_space<vmem>>
      %dma_start3A_709 = tpu.memref_squeeze %dma_start3A_708 : memref<1x128x32xf32, #tpu.memory_space<vmem>> -> memref<128x32xf32, #tpu.memory_space<vmem>>
      tpu.enqueue_dma source(%dma_start3A_709 : memref<128x32xf32, #tpu.memory_space<vmem>>) target(%dma_start3A_705 : memref<128x32xf32, #tpu.memory_space<hbm>>) target_semaphore(%arg27 : memref<!tpu.dma_semaphore, #tpu.memory_space<semaphore_mem>>)
      %dma_start3A_710 = arith.constant 2 : i32
      %dma_start3A_711 = arith.constant 0 : i32
      %dma_start3A_712 = arith.constant 0 : i32
      %dma_start3A_713 = tpu.memref_slice %arg18[%dma_start3A_710, %dma_start3A_711, %dma_start3A_712] : memref<5x128x32xf32, #tpu.memory_space<vmem>> -> memref<1x128x32xf32, #tpu.memory_space<vmem>>
      %dma_start3A_714 = tpu.memref_squeeze %dma_start3A_713 : memref<1x128x32xf32, #tpu.memory_space<vmem>> -> memref<128x32xf32, #tpu.memory_space<vmem>>
      %dma_start3A_715 = arith.constant 96 : i32
      %dma_start3A_716 = tpu.memref_slice %arg10[%add3A_683, %dma_start3A_715] : memref<204800x128xf32, #tpu.memory_space<hbm>> -> memref<128x32xf32, #tpu.memory_space<hbm>>
      %dma_start3A_717 = arith.constant 96 : i32
      %dma_start3A_718 = tpu.memref_slice %arg10[%add3A_683, %dma_start3A_717] : memref<204800x128xf32, #tpu.memory_space<hbm>> -> memref<128x32xf32, #tpu.memory_space<hbm>>
      %dma_start3A_719 = arith.constant 0 : i32
      %dma_start3A_720 = arith.constant 0 : i32
      %dma_start3A_721 = tpu.memref_slice %arg18[%dma_start3A_710, %dma_start3A_719, %dma_start3A_720] : memref<5x128x32xf32, #tpu.memory_space<vmem>> -> memref<1x128x32xf32, #tpu.memory_space<vmem>>
      %dma_start3A_722 = tpu.memref_squeeze %dma_start3A_721 : memref<1x128x32xf32, #tpu.memory_space<vmem>> -> memref<128x32xf32, #tpu.memory_space<vmem>>
      tpu.enqueue_dma source(%dma_start3A_722 : memref<128x32xf32, #tpu.memory_space<vmem>>) target(%dma_start3A_718 : memref<128x32xf32, #tpu.memory_space<hbm>>) target_semaphore(%arg27 : memref<!tpu.dma_semaphore, #tpu.memory_space<semaphore_mem>>)
      %add3A_723 = arith.constant 3 : i32
      %add3A_724 = arith.addi %add3A_635, %add3A_723 : i32
      %lt3A_725 = arith.constant 50 : i32
      %lt3A_726 = arith.cmpi slt, %add3A_724, %lt3A_725 : i32
      %convert_element_type3A_727 = arith.extui %lt3A_726 : i1 to i32
      %cond3A_728 = arith.constant 0 : i32
      %cond3A_729 = arith.cmpi ne, %convert_element_type3A_727, %cond3A_728 : i32
      scf.if %cond3A_729 {
        %ge3A = arith.constant 5 : i32
        %ge3A_922 = arith.cmpi sge, %add3A_724, %ge3A : i32
        %convert_element_type3A_923 = arith.extui %ge3A_922 : i1 to i32
        %cond3A_924 = arith.constant 0 : i32
        %cond3A_925 = arith.cmpi ne, %convert_element_type3A_923, %cond3A_924 : i32
        scf.if %cond3A_925 {
          %dma_wait3A_955 = arith.constant 0 : i32
          %dma_wait3A_956 = arith.constant 0 : i32
          %dma_wait3A_957 = arith.constant 0 : i32
          %dma_wait3A_958 = tpu.memref_slice %arg16[%dma_wait3A_955, %dma_wait3A_956, %dma_wait3A_957] : memref<5x128x64xf32, #tpu.memory_space<vmem>> -> memref<1x128x64xf32, #tpu.memory_space<vmem>>
          %dma_wait3A_959 = tpu.memref_squeeze %dma_wait3A_958 : memref<1x128x64xf32, #tpu.memory_space<vmem>> -> memref<128x64xf32, #tpu.memory_space<vmem>>
          %dma_wait3A_960 = arith.constant 0 : i32
          %dma_wait3A_961 = arith.constant 0 : i32
          %dma_wait3A_962 = tpu.memref_slice %arg10[%dma_wait3A_960, %dma_wait3A_961] : memref<204800x128xf32, #tpu.memory_space<hbm>> -> memref<128x64xf32, #tpu.memory_space<hbm>>
          %dma_wait3A_963 = arith.constant 0 : i32
          %dma_wait3A_964 = arith.constant 0 : i32
          %dma_wait3A_965 = tpu.memref_slice %arg10[%dma_wait3A_963, %dma_wait3A_964] : memref<204800x128xf32, #tpu.memory_space<hbm>> -> memref<128x64xf32, #tpu.memory_space<hbm>>
          %dma_wait3A_966 = arith.constant 0 : i32
          %dma_wait3A_967 = arith.constant 0 : i32
          %dma_wait3A_968 = tpu.memref_slice %arg16[%dma_wait3A_955, %dma_wait3A_966, %dma_wait3A_967] : memref<5x128x64xf32, #tpu.memory_space<vmem>> -> memref<1x128x64xf32, #tpu.memory_space<vmem>>
          %dma_wait3A_969 = tpu.memref_squeeze %dma_wait3A_968 : memref<1x128x64xf32, #tpu.memory_space<vmem>> -> memref<128x64xf32, #tpu.memory_space<vmem>>
          tpu.wait_dma2 semaphore(%arg25 : memref<!tpu.dma_semaphore, #tpu.memory_space<semaphore_mem>>) src(%dma_wait3A_969 : memref<128x64xf32, #tpu.memory_space<vmem>>) dst(%dma_wait3A_965 : memref<128x64xf32, #tpu.memory_space<hbm>>)
          %dma_wait3A_970 = arith.constant 0 : i32
          %dma_wait3A_971 = arith.constant 0 : i32
          %dma_wait3A_972 = arith.constant 0 : i32
          %dma_wait3A_973 = tpu.memref_slice %arg17[%dma_wait3A_970, %dma_wait3A_971, %dma_wait3A_972] : memref<5x128x32xf32, #tpu.memory_space<vmem>> -> memref<1x128x32xf32, #tpu.memory_space<vmem>>
          %dma_wait3A_974 = tpu.memref_squeeze %dma_wait3A_973 : memref<1x128x32xf32, #tpu.memory_space<vmem>> -> memref<128x32xf32, #tpu.memory_space<vmem>>
          %dma_wait3A_975 = arith.constant 0 : i32
          %dma_wait3A_976 = arith.constant 64 : i32
          %dma_wait3A_977 = tpu.memref_slice %arg10[%dma_wait3A_975, %dma_wait3A_976] : memref<204800x128xf32, #tpu.memory_space<hbm>> -> memref<128x32xf32, #tpu.memory_space<hbm>>
          %dma_wait3A_978 = arith.constant 0 : i32
          %dma_wait3A_979 = arith.constant 64 : i32
          %dma_wait3A_980 = tpu.memref_slice %arg10[%dma_wait3A_978, %dma_wait3A_979] : memref<204800x128xf32, #tpu.memory_space<hbm>> -> memref<128x32xf32, #tpu.memory_space<hbm>>
          %dma_wait3A_981 = arith.constant 0 : i32
          %dma_wait3A_982 = arith.constant 0 : i32
          %dma_wait3A_983 = tpu.memref_slice %arg17[%dma_wait3A_970, %dma_wait3A_981, %dma_wait3A_982] : memref<5x128x32xf32, #tpu.memory_space<vmem>> -> memref<1x128x32xf32, #tpu.memory_space<vmem>>
          %dma_wait3A_984 = tpu.memref_squeeze %dma_wait3A_983 : memref<1x128x32xf32, #tpu.memory_space<vmem>> -> memref<128x32xf32, #tpu.memory_space<vmem>>
          tpu.wait_dma2 semaphore(%arg25 : memref<!tpu.dma_semaphore, #tpu.memory_space<semaphore_mem>>) src(%dma_wait3A_984 : memref<128x32xf32, #tpu.memory_space<vmem>>) dst(%dma_wait3A_980 : memref<128x32xf32, #tpu.memory_space<hbm>>)
          %dma_wait3A_985 = arith.constant 0 : i32
          %dma_wait3A_986 = arith.constant 0 : i32
          %dma_wait3A_987 = arith.constant 0 : i32
          %dma_wait3A_988 = tpu.memref_slice %arg18[%dma_wait3A_985, %dma_wait3A_986, %dma_wait3A_987] : memref<5x128x32xf32, #tpu.memory_space<vmem>> -> memref<1x128x32xf32, #tpu.memory_space<vmem>>
          %dma_wait3A_989 = tpu.memref_squeeze %dma_wait3A_988 : memref<1x128x32xf32, #tpu.memory_space<vmem>> -> memref<128x32xf32, #tpu.memory_space<vmem>>
          %dma_wait3A_990 = arith.constant 0 : i32
          %dma_wait3A_991 = arith.constant 96 : i32
          %dma_wait3A_992 = tpu.memref_slice %arg10[%dma_wait3A_990, %dma_wait3A_991] : memref<204800x128xf32, #tpu.memory_space<hbm>> -> memref<128x32xf32, #tpu.memory_space<hbm>>
          %dma_wait3A_993 = arith.constant 0 : i32
          %dma_wait3A_994 = arith.constant 96 : i32
          %dma_wait3A_995 = tpu.memref_slice %arg10[%dma_wait3A_993, %dma_wait3A_994] : memref<204800x128xf32, #tpu.memory_space<hbm>> -> memref<128x32xf32, #tpu.memory_space<hbm>>
          %dma_wait3A_996 = arith.constant 0 : i32
          %dma_wait3A_997 = arith.constant 0 : i32
          %dma_wait3A_998 = tpu.memref_slice %arg18[%dma_wait3A_985, %dma_wait3A_996, %dma_wait3A_997] : memref<5x128x32xf32, #tpu.memory_space<vmem>> -> memref<1x128x32xf32, #tpu.memory_space<vmem>>
          %dma_wait3A_999 = tpu.memref_squeeze %dma_wait3A_998 : memref<1x128x32xf32, #tpu.memory_space<vmem>> -> memref<128x32xf32, #tpu.memory_space<vmem>>
          tpu.wait_dma2 semaphore(%arg25 : memref<!tpu.dma_semaphore, #tpu.memory_space<semaphore_mem>>) src(%dma_wait3A_999 : memref<128x32xf32, #tpu.memory_space<vmem>>) dst(%dma_wait3A_995 : memref<128x32xf32, #tpu.memory_space<hbm>>)
        } else {
        }
        %mul3A_926 = arith.constant 128 : i32
        %mul3A_927 = arith.muli %add3A_724, %mul3A_926 : i32
        %dma_start3A_928 = arith.constant 0 : i32
        %dma_start3A_929 = arith.constant 0 : i32
        %dma_start3A_930 = arith.constant 0 : i32
        %dma_start3A_931 = tpu.memref_slice %arg16[%dma_start3A_928, %dma_start3A_929, %dma_start3A_930] : memref<5x128x64xf32, #tpu.memory_space<vmem>> -> memref<1x128x64xf32, #tpu.memory_space<vmem>>
        %dma_start3A_932 = tpu.memref_squeeze %dma_start3A_931 : memref<1x128x64xf32, #tpu.memory_space<vmem>> -> memref<128x64xf32, #tpu.memory_space<vmem>>
        %dma_start3A_933 = tpu.memref_slice %arg12[%mul3A_927] : memref<6400xi32, #tpu.memory_space<vmem>> -> memref<128xi32, #tpu.memory_space<vmem>>
        %dma_start3A_934 = arith.constant 0 : i32
        %dma_start3A_935 = arith.constant 0 : i32
        %dma_start3A_936 = tpu.memref_slice %arg6[%dma_start3A_934, %dma_start3A_935] : memref<1000000x64xf32, #tpu.memory_space<hbm>> -> memref<1000000x64xf32, #tpu.memory_space<hbm>>
        tpu.enqueue_indirect_dma source(%dma_start3A_936 : memref<1000000x64xf32, #tpu.memory_space<hbm>>) target(%dma_start3A_932 : memref<128x64xf32, #tpu.memory_space<vmem>>) offsets(%dma_start3A_933 : memref<128xi32, #tpu.memory_space<vmem>>) semaphore(%arg20 : memref<!tpu.dma_semaphore, #tpu.memory_space<semaphore_mem>>)
        %dma_start3A_937 = arith.constant 0 : i32
        %dma_start3A_938 = arith.constant 0 : i32
        %dma_start3A_939 = arith.constant 0 : i32
        %dma_start3A_940 = tpu.memref_slice %arg17[%dma_start3A_937, %dma_start3A_938, %dma_start3A_939] : memref<5x128x32xf32, #tpu.memory_space<vmem>> -> memref<1x128x32xf32, #tpu.memory_space<vmem>>
        %dma_start3A_941 = tpu.memref_squeeze %dma_start3A_940 : memref<1x128x32xf32, #tpu.memory_space<vmem>> -> memref<128x32xf32, #tpu.memory_space<vmem>>
        %dma_start3A_942 = tpu.memref_slice %arg13[%mul3A_927] : memref<6400xi32, #tpu.memory_space<vmem>> -> memref<128xi32, #tpu.memory_space<vmem>>
        %dma_start3A_943 = arith.constant 0 : i32
        %dma_start3A_944 = arith.constant 0 : i32
        %dma_start3A_945 = tpu.memref_slice %arg7[%dma_start3A_943, %dma_start3A_944] : memref<1000x32xf32, #tpu.memory_space<hbm>> -> memref<1000x32xf32, #tpu.memory_space<hbm>>
        tpu.enqueue_indirect_dma source(%dma_start3A_945 : memref<1000x32xf32, #tpu.memory_space<hbm>>) target(%dma_start3A_941 : memref<128x32xf32, #tpu.memory_space<vmem>>) offsets(%dma_start3A_942 : memref<128xi32, #tpu.memory_space<vmem>>) semaphore(%arg20 : memref<!tpu.dma_semaphore, #tpu.memory_space<semaphore_mem>>)
        %dma_start3A_946 = arith.constant 0 : i32
        %dma_start3A_947 = arith.constant 0 : i32
        %dma_start3A_948 = arith.constant 0 : i32
        %dma_start3A_949 = tpu.memref_slice %arg18[%dma_start3A_946, %dma_start3A_947, %dma_start3A_948] : memref<5x128x32xf32, #tpu.memory_space<vmem>> -> memref<1x128x32xf32, #tpu.memory_space<vmem>>
        %dma_start3A_950 = tpu.memref_squeeze %dma_start3A_949 : memref<1x128x32xf32, #tpu.memory_space<vmem>> -> memref<128x32xf32, #tpu.memory_space<vmem>>
        %dma_start3A_951 = tpu.memref_slice %arg14[%mul3A_927] : memref<6400xi32, #tpu.memory_space<vmem>> -> memref<128xi32, #tpu.memory_space<vmem>>
        %dma_start3A_952 = arith.constant 0 : i32
        %dma_start3A_953 = arith.constant 0 : i32
        %dma_start3A_954 = tpu.memref_slice %arg8[%dma_start3A_952, %dma_start3A_953] : memref<1000x32xf32, #tpu.memory_space<hbm>> -> memref<1000x32xf32, #tpu.memory_space<hbm>>
        tpu.enqueue_indirect_dma source(%dma_start3A_954 : memref<1000x32xf32, #tpu.memory_space<hbm>>) target(%dma_start3A_950 : memref<128x32xf32, #tpu.memory_space<vmem>>) offsets(%dma_start3A_951 : memref<128xi32, #tpu.memory_space<vmem>>) semaphore(%arg20 : memref<!tpu.dma_semaphore, #tpu.memory_space<semaphore_mem>>)
      } else {
      }
      %add3A_730 = arith.constant 3 : i32
      %add3A_731 = arith.addi %mul3A_444, %add3A_730 : i32
      %dma_wait3A_732 = arith.constant 3 : i32
      %dma_wait3A_733 = arith.constant 0 : i32
      %dma_wait3A_734 = arith.constant 0 : i32
      %dma_wait3A_735 = tpu.memref_slice %arg16[%dma_wait3A_732, %dma_wait3A_733, %dma_wait3A_734] : memref<5x128x64xf32, #tpu.memory_space<vmem>> -> memref<1x128x64xf32, #tpu.memory_space<vmem>>
      %dma_wait3A_736 = tpu.memref_squeeze %dma_wait3A_735 : memref<1x128x64xf32, #tpu.memory_space<vmem>> -> memref<128x64xf32, #tpu.memory_space<vmem>>
      %dma_wait3A_737 = arith.constant 0 : i32
      %dma_wait3A_738 = arith.constant 0 : i32
      %dma_wait3A_739 = tpu.memref_slice %arg10[%dma_wait3A_737, %dma_wait3A_738] : memref<204800x128xf32, #tpu.memory_space<hbm>> -> memref<128x128xf32, #tpu.memory_space<hbm>>
      %dma_wait3A_740 = arith.constant 0 : i32
      %dma_wait3A_741 = arith.constant 0 : i32
      %dma_wait3A_742 = tpu.memref_slice %arg16[%dma_wait3A_732, %dma_wait3A_740, %dma_wait3A_741] : memref<5x128x64xf32, #tpu.memory_space<vmem>> -> memref<1x128x64xf32, #tpu.memory_space<vmem>>
      %dma_wait3A_743 = tpu.memref_squeeze %dma_wait3A_742 : memref<1x128x64xf32, #tpu.memory_space<vmem>> -> memref<128x64xf32, #tpu.memory_space<vmem>>
      %dma_wait3A_744 = arith.constant 0 : i32
      %dma_wait3A_745 = arith.constant 0 : i32
      %dma_wait3A_746 = tpu.memref_slice %arg10[%dma_wait3A_744, %dma_wait3A_745] : memref<204800x128xf32, #tpu.memory_space<hbm>> -> memref<128x128xf32, #tpu.memory_space<hbm>>
      tpu.wait_dma2 semaphore(%arg23 : memref<!tpu.dma_semaphore, #tpu.memory_space<semaphore_mem>>) src(%dma_wait3A_746 : memref<128x128xf32, #tpu.memory_space<hbm>>) dst(%dma_wait3A_743 : memref<128x64xf32, #tpu.memory_space<vmem>>)
      %dma_wait3A_747 = arith.constant 3 : i32
      %dma_wait3A_748 = arith.constant 0 : i32
      %dma_wait3A_749 = arith.constant 0 : i32
      %dma_wait3A_750 = tpu.memref_slice %arg17[%dma_wait3A_747, %dma_wait3A_748, %dma_wait3A_749] : memref<5x128x32xf32, #tpu.memory_space<vmem>> -> memref<1x128x32xf32, #tpu.memory_space<vmem>>
      %dma_wait3A_751 = tpu.memref_squeeze %dma_wait3A_750 : memref<1x128x32xf32, #tpu.memory_space<vmem>> -> memref<128x32xf32, #tpu.memory_space<vmem>>
      %dma_wait3A_752 = arith.constant 0 : i32
      %dma_wait3A_753 = arith.constant 0 : i32
      %dma_wait3A_754 = tpu.memref_slice %arg10[%dma_wait3A_752, %dma_wait3A_753] : memref<204800x128xf32, #tpu.memory_space<hbm>> -> memref<128x128xf32, #tpu.memory_space<hbm>>
      %dma_wait3A_755 = arith.constant 0 : i32
      %dma_wait3A_756 = arith.constant 0 : i32
      %dma_wait3A_757 = tpu.memref_slice %arg17[%dma_wait3A_747, %dma_wait3A_755, %dma_wait3A_756] : memref<5x128x32xf32, #tpu.memory_space<vmem>> -> memref<1x128x32xf32, #tpu.memory_space<vmem>>
      %dma_wait3A_758 = tpu.memref_squeeze %dma_wait3A_757 : memref<1x128x32xf32, #tpu.memory_space<vmem>> -> memref<128x32xf32, #tpu.memory_space<vmem>>
      %dma_wait3A_759 = arith.constant 0 : i32
      %dma_wait3A_760 = arith.constant 0 : i32
      %dma_wait3A_761 = tpu.memref_slice %arg10[%dma_wait3A_759, %dma_wait3A_760] : memref<204800x128xf32, #tpu.memory_space<hbm>> -> memref<128x128xf32, #tpu.memory_space<hbm>>
      tpu.wait_dma2 semaphore(%arg23 : memref<!tpu.dma_semaphore, #tpu.memory_space<semaphore_mem>>) src(%dma_wait3A_761 : memref<128x128xf32, #tpu.memory_space<hbm>>) dst(%dma_wait3A_758 : memref<128x32xf32, #tpu.memory_space<vmem>>)
      %dma_wait3A_762 = arith.constant 3 : i32
      %dma_wait3A_763 = arith.constant 0 : i32
      %dma_wait3A_764 = arith.constant 0 : i32
      %dma_wait3A_765 = tpu.memref_slice %arg18[%dma_wait3A_762, %dma_wait3A_763, %dma_wait3A_764] : memref<5x128x32xf32, #tpu.memory_space<vmem>> -> memref<1x128x32xf32, #tpu.memory_space<vmem>>
      %dma_wait3A_766 = tpu.memref_squeeze %dma_wait3A_765 : memref<1x128x32xf32, #tpu.memory_space<vmem>> -> memref<128x32xf32, #tpu.memory_space<vmem>>
      %dma_wait3A_767 = arith.constant 0 : i32
      %dma_wait3A_768 = arith.constant 0 : i32
      %dma_wait3A_769 = tpu.memref_slice %arg10[%dma_wait3A_767, %dma_wait3A_768] : memref<204800x128xf32, #tpu.memory_space<hbm>> -> memref<128x128xf32, #tpu.memory_space<hbm>>
      %dma_wait3A_770 = arith.constant 0 : i32
      %dma_wait3A_771 = arith.constant 0 : i32
      %dma_wait3A_772 = tpu.memref_slice %arg18[%dma_wait3A_762, %dma_wait3A_770, %dma_wait3A_771] : memref<5x128x32xf32, #tpu.memory_space<vmem>> -> memref<1x128x32xf32, #tpu.memory_space<vmem>>
      %dma_wait3A_773 = tpu.memref_squeeze %dma_wait3A_772 : memref<1x128x32xf32, #tpu.memory_space<vmem>> -> memref<128x32xf32, #tpu.memory_space<vmem>>
      %dma_wait3A_774 = arith.constant 0 : i32
      %dma_wait3A_775 = arith.constant 0 : i32
      %dma_wait3A_776 = tpu.memref_slice %arg10[%dma_wait3A_774, %dma_wait3A_775] : memref<204800x128xf32, #tpu.memory_space<hbm>> -> memref<128x128xf32, #tpu.memory_space<hbm>>
      tpu.wait_dma2 semaphore(%arg23 : memref<!tpu.dma_semaphore, #tpu.memory_space<semaphore_mem>>) src(%dma_wait3A_776 : memref<128x128xf32, #tpu.memory_space<hbm>>) dst(%dma_wait3A_773 : memref<128x32xf32, #tpu.memory_space<vmem>>)
      %mul3A_777 = arith.constant 128 : i32
      %mul3A_778 = arith.muli %add3A_731, %mul3A_777 : i32
      %add3A_779 = arith.addi %mul3A_10, %mul3A_778 : i32
      %dma_start3A_780 = arith.constant 3 : i32
      %dma_start3A_781 = arith.constant 0 : i32
      %dma_start3A_782 = arith.constant 0 : i32
      %dma_start3A_783 = tpu.memref_slice %arg16[%dma_start3A_780, %dma_start3A_781, %dma_start3A_782] : memref<5x128x64xf32, #tpu.memory_space<vmem>> -> memref<1x128x64xf32, #tpu.memory_space<vmem>>
      %dma_start3A_784 = tpu.memref_squeeze %dma_start3A_783 : memref<1x128x64xf32, #tpu.memory_space<vmem>> -> memref<128x64xf32, #tpu.memory_space<vmem>>
      %dma_start3A_785 = arith.constant 0 : i32
      %dma_start3A_786 = tpu.memref_slice %arg10[%add3A_779, %dma_start3A_785] : memref<204800x128xf32, #tpu.memory_space<hbm>> -> memref<128x64xf32, #tpu.memory_space<hbm>>
      %dma_start3A_787 = arith.constant 0 : i32
      %dma_start3A_788 = tpu.memref_slice %arg10[%add3A_779, %dma_start3A_787] : memref<204800x128xf32, #tpu.memory_space<hbm>> -> memref<128x64xf32, #tpu.memory_space<hbm>>
      %dma_start3A_789 = arith.constant 0 : i32
      %dma_start3A_790 = arith.constant 0 : i32
      %dma_start3A_791 = tpu.memref_slice %arg16[%dma_start3A_780, %dma_start3A_789, %dma_start3A_790] : memref<5x128x64xf32, #tpu.memory_space<vmem>> -> memref<1x128x64xf32, #tpu.memory_space<vmem>>
      %dma_start3A_792 = tpu.memref_squeeze %dma_start3A_791 : memref<1x128x64xf32, #tpu.memory_space<vmem>> -> memref<128x64xf32, #tpu.memory_space<vmem>>
      tpu.enqueue_dma source(%dma_start3A_792 : memref<128x64xf32, #tpu.memory_space<vmem>>) target(%dma_start3A_788 : memref<128x64xf32, #tpu.memory_space<hbm>>) target_semaphore(%arg28 : memref<!tpu.dma_semaphore, #tpu.memory_space<semaphore_mem>>)
      %dma_start3A_793 = arith.constant 3 : i32
      %dma_start3A_794 = arith.constant 0 : i32
      %dma_start3A_795 = arith.constant 0 : i32
      %dma_start3A_796 = tpu.memref_slice %arg17[%dma_start3A_793, %dma_start3A_794, %dma_start3A_795] : memref<5x128x32xf32, #tpu.memory_space<vmem>> -> memref<1x128x32xf32, #tpu.memory_space<vmem>>
      %dma_start3A_797 = tpu.memref_squeeze %dma_start3A_796 : memref<1x128x32xf32, #tpu.memory_space<vmem>> -> memref<128x32xf32, #tpu.memory_space<vmem>>
      %dma_start3A_798 = arith.constant 64 : i32
      %dma_start3A_799 = tpu.memref_slice %arg10[%add3A_779, %dma_start3A_798] : memref<204800x128xf32, #tpu.memory_space<hbm>> -> memref<128x32xf32, #tpu.memory_space<hbm>>
      %dma_start3A_800 = arith.constant 64 : i32
      %dma_start3A_801 = tpu.memref_slice %arg10[%add3A_779, %dma_start3A_800] : memref<204800x128xf32, #tpu.memory_space<hbm>> -> memref<128x32xf32, #tpu.memory_space<hbm>>
      %dma_start3A_802 = arith.constant 0 : i32
      %dma_start3A_803 = arith.constant 0 : i32
      %dma_start3A_804 = tpu.memref_slice %arg17[%dma_start3A_793, %dma_start3A_802, %dma_start3A_803] : memref<5x128x32xf32, #tpu.memory_space<vmem>> -> memref<1x128x32xf32, #tpu.memory_space<vmem>>
      %dma_start3A_805 = tpu.memref_squeeze %dma_start3A_804 : memref<1x128x32xf32, #tpu.memory_space<vmem>> -> memref<128x32xf32, #tpu.memory_space<vmem>>
      tpu.enqueue_dma source(%dma_start3A_805 : memref<128x32xf32, #tpu.memory_space<vmem>>) target(%dma_start3A_801 : memref<128x32xf32, #tpu.memory_space<hbm>>) target_semaphore(%arg28 : memref<!tpu.dma_semaphore, #tpu.memory_space<semaphore_mem>>)
      %dma_start3A_806 = arith.constant 3 : i32
      %dma_start3A_807 = arith.constant 0 : i32
      %dma_start3A_808 = arith.constant 0 : i32
      %dma_start3A_809 = tpu.memref_slice %arg18[%dma_start3A_806, %dma_start3A_807, %dma_start3A_808] : memref<5x128x32xf32, #tpu.memory_space<vmem>> -> memref<1x128x32xf32, #tpu.memory_space<vmem>>
      %dma_start3A_810 = tpu.memref_squeeze %dma_start3A_809 : memref<1x128x32xf32, #tpu.memory_space<vmem>> -> memref<128x32xf32, #tpu.memory_space<vmem>>
      %dma_start3A_811 = arith.constant 96 : i32
      %dma_start3A_812 = tpu.memref_slice %arg10[%add3A_779, %dma_start3A_811] : memref<204800x128xf32, #tpu.memory_space<hbm>> -> memref<128x32xf32, #tpu.memory_space<hbm>>
      %dma_start3A_813 = arith.constant 96 : i32
      %dma_start3A_814 = tpu.memref_slice %arg10[%add3A_779, %dma_start3A_813] : memref<204800x128xf32, #tpu.memory_space<hbm>> -> memref<128x32xf32, #tpu.memory_space<hbm>>
      %dma_start3A_815 = arith.constant 0 : i32
      %dma_start3A_816 = arith.constant 0 : i32
      %dma_start3A_817 = tpu.memref_slice %arg18[%dma_start3A_806, %dma_start3A_815, %dma_start3A_816] : memref<5x128x32xf32, #tpu.memory_space<vmem>> -> memref<1x128x32xf32, #tpu.memory_space<vmem>>
      %dma_start3A_818 = tpu.memref_squeeze %dma_start3A_817 : memref<1x128x32xf32, #tpu.memory_space<vmem>> -> memref<128x32xf32, #tpu.memory_space<vmem>>
      tpu.enqueue_dma source(%dma_start3A_818 : memref<128x32xf32, #tpu.memory_space<vmem>>) target(%dma_start3A_814 : memref<128x32xf32, #tpu.memory_space<hbm>>) target_semaphore(%arg28 : memref<!tpu.dma_semaphore, #tpu.memory_space<semaphore_mem>>)
      %add3A_819 = arith.constant 3 : i32
      %add3A_820 = arith.addi %add3A_731, %add3A_819 : i32
      %lt3A_821 = arith.constant 50 : i32
      %lt3A_822 = arith.cmpi slt, %add3A_820, %lt3A_821 : i32
      %convert_element_type3A_823 = arith.extui %lt3A_822 : i1 to i32
      %cond3A_824 = arith.constant 0 : i32
      %cond3A_825 = arith.cmpi ne, %convert_element_type3A_823, %cond3A_824 : i32
      scf.if %cond3A_825 {
        %ge3A = arith.constant 5 : i32
        %ge3A_922 = arith.cmpi sge, %add3A_820, %ge3A : i32
        %convert_element_type3A_923 = arith.extui %ge3A_922 : i1 to i32
        %cond3A_924 = arith.constant 0 : i32
        %cond3A_925 = arith.cmpi ne, %convert_element_type3A_923, %cond3A_924 : i32
        scf.if %cond3A_925 {
          %dma_wait3A_955 = arith.constant 1 : i32
          %dma_wait3A_956 = arith.constant 0 : i32
          %dma_wait3A_957 = arith.constant 0 : i32
          %dma_wait3A_958 = tpu.memref_slice %arg16[%dma_wait3A_955, %dma_wait3A_956, %dma_wait3A_957] : memref<5x128x64xf32, #tpu.memory_space<vmem>> -> memref<1x128x64xf32, #tpu.memory_space<vmem>>
          %dma_wait3A_959 = tpu.memref_squeeze %dma_wait3A_958 : memref<1x128x64xf32, #tpu.memory_space<vmem>> -> memref<128x64xf32, #tpu.memory_space<vmem>>
          %dma_wait3A_960 = arith.constant 0 : i32
          %dma_wait3A_961 = arith.constant 0 : i32
          %dma_wait3A_962 = tpu.memref_slice %arg10[%dma_wait3A_960, %dma_wait3A_961] : memref<204800x128xf32, #tpu.memory_space<hbm>> -> memref<128x64xf32, #tpu.memory_space<hbm>>
          %dma_wait3A_963 = arith.constant 0 : i32
          %dma_wait3A_964 = arith.constant 0 : i32
          %dma_wait3A_965 = tpu.memref_slice %arg10[%dma_wait3A_963, %dma_wait3A_964] : memref<204800x128xf32, #tpu.memory_space<hbm>> -> memref<128x64xf32, #tpu.memory_space<hbm>>
          %dma_wait3A_966 = arith.constant 0 : i32
          %dma_wait3A_967 = arith.constant 0 : i32
          %dma_wait3A_968 = tpu.memref_slice %arg16[%dma_wait3A_955, %dma_wait3A_966, %dma_wait3A_967] : memref<5x128x64xf32, #tpu.memory_space<vmem>> -> memref<1x128x64xf32, #tpu.memory_space<vmem>>
          %dma_wait3A_969 = tpu.memref_squeeze %dma_wait3A_968 : memref<1x128x64xf32, #tpu.memory_space<vmem>> -> memref<128x64xf32, #tpu.memory_space<vmem>>
          tpu.wait_dma2 semaphore(%arg26 : memref<!tpu.dma_semaphore, #tpu.memory_space<semaphore_mem>>) src(%dma_wait3A_969 : memref<128x64xf32, #tpu.memory_space<vmem>>) dst(%dma_wait3A_965 : memref<128x64xf32, #tpu.memory_space<hbm>>)
          %dma_wait3A_970 = arith.constant 1 : i32
          %dma_wait3A_971 = arith.constant 0 : i32
          %dma_wait3A_972 = arith.constant 0 : i32
          %dma_wait3A_973 = tpu.memref_slice %arg17[%dma_wait3A_970, %dma_wait3A_971, %dma_wait3A_972] : memref<5x128x32xf32, #tpu.memory_space<vmem>> -> memref<1x128x32xf32, #tpu.memory_space<vmem>>
          %dma_wait3A_974 = tpu.memref_squeeze %dma_wait3A_973 : memref<1x128x32xf32, #tpu.memory_space<vmem>> -> memref<128x32xf32, #tpu.memory_space<vmem>>
          %dma_wait3A_975 = arith.constant 0 : i32
          %dma_wait3A_976 = arith.constant 64 : i32
          %dma_wait3A_977 = tpu.memref_slice %arg10[%dma_wait3A_975, %dma_wait3A_976] : memref<204800x128xf32, #tpu.memory_space<hbm>> -> memref<128x32xf32, #tpu.memory_space<hbm>>
          %dma_wait3A_978 = arith.constant 0 : i32
          %dma_wait3A_979 = arith.constant 64 : i32
          %dma_wait3A_980 = tpu.memref_slice %arg10[%dma_wait3A_978, %dma_wait3A_979] : memref<204800x128xf32, #tpu.memory_space<hbm>> -> memref<128x32xf32, #tpu.memory_space<hbm>>
          %dma_wait3A_981 = arith.constant 0 : i32
          %dma_wait3A_982 = arith.constant 0 : i32
          %dma_wait3A_983 = tpu.memref_slice %arg17[%dma_wait3A_970, %dma_wait3A_981, %dma_wait3A_982] : memref<5x128x32xf32, #tpu.memory_space<vmem>> -> memref<1x128x32xf32, #tpu.memory_space<vmem>>
          %dma_wait3A_984 = tpu.memref_squeeze %dma_wait3A_983 : memref<1x128x32xf32, #tpu.memory_space<vmem>> -> memref<128x32xf32, #tpu.memory_space<vmem>>
          tpu.wait_dma2 semaphore(%arg26 : memref<!tpu.dma_semaphore, #tpu.memory_space<semaphore_mem>>) src(%dma_wait3A_984 : memref<128x32xf32, #tpu.memory_space<vmem>>) dst(%dma_wait3A_980 : memref<128x32xf32, #tpu.memory_space<hbm>>)
          %dma_wait3A_985 = arith.constant 1 : i32
          %dma_wait3A_986 = arith.constant 0 : i32
          %dma_wait3A_987 = arith.constant 0 : i32
          %dma_wait3A_988 = tpu.memref_slice %arg18[%dma_wait3A_985, %dma_wait3A_986, %dma_wait3A_987] : memref<5x128x32xf32, #tpu.memory_space<vmem>> -> memref<1x128x32xf32, #tpu.memory_space<vmem>>
          %dma_wait3A_989 = tpu.memref_squeeze %dma_wait3A_988 : memref<1x128x32xf32, #tpu.memory_space<vmem>> -> memref<128x32xf32, #tpu.memory_space<vmem>>
          %dma_wait3A_990 = arith.constant 0 : i32
          %dma_wait3A_991 = arith.constant 96 : i32
          %dma_wait3A_992 = tpu.memref_slice %arg10[%dma_wait3A_990, %dma_wait3A_991] : memref<204800x128xf32, #tpu.memory_space<hbm>> -> memref<128x32xf32, #tpu.memory_space<hbm>>
          %dma_wait3A_993 = arith.constant 0 : i32
          %dma_wait3A_994 = arith.constant 96 : i32
          %dma_wait3A_995 = tpu.memref_slice %arg10[%dma_wait3A_993, %dma_wait3A_994] : memref<204800x128xf32, #tpu.memory_space<hbm>> -> memref<128x32xf32, #tpu.memory_space<hbm>>
          %dma_wait3A_996 = arith.constant 0 : i32
          %dma_wait3A_997 = arith.constant 0 : i32
          %dma_wait3A_998 = tpu.memref_slice %arg18[%dma_wait3A_985, %dma_wait3A_996, %dma_wait3A_997] : memref<5x128x32xf32, #tpu.memory_space<vmem>> -> memref<1x128x32xf32, #tpu.memory_space<vmem>>
          %dma_wait3A_999 = tpu.memref_squeeze %dma_wait3A_998 : memref<1x128x32xf32, #tpu.memory_space<vmem>> -> memref<128x32xf32, #tpu.memory_space<vmem>>
          tpu.wait_dma2 semaphore(%arg26 : memref<!tpu.dma_semaphore, #tpu.memory_space<semaphore_mem>>) src(%dma_wait3A_999 : memref<128x32xf32, #tpu.memory_space<vmem>>) dst(%dma_wait3A_995 : memref<128x32xf32, #tpu.memory_space<hbm>>)
        } else {
        }
        %mul3A_926 = arith.constant 128 : i32
        %mul3A_927 = arith.muli %add3A_820, %mul3A_926 : i32
        %dma_start3A_928 = arith.constant 1 : i32
        %dma_start3A_929 = arith.constant 0 : i32
        %dma_start3A_930 = arith.constant 0 : i32
        %dma_start3A_931 = tpu.memref_slice %arg16[%dma_start3A_928, %dma_start3A_929, %dma_start3A_930] : memref<5x128x64xf32, #tpu.memory_space<vmem>> -> memref<1x128x64xf32, #tpu.memory_space<vmem>>
        %dma_start3A_932 = tpu.memref_squeeze %dma_start3A_931 : memref<1x128x64xf32, #tpu.memory_space<vmem>> -> memref<128x64xf32, #tpu.memory_space<vmem>>
        %dma_start3A_933 = tpu.memref_slice %arg12[%mul3A_927] : memref<6400xi32, #tpu.memory_space<vmem>> -> memref<128xi32, #tpu.memory_space<vmem>>
        %dma_start3A_934 = arith.constant 0 : i32
        %dma_start3A_935 = arith.constant 0 : i32
        %dma_start3A_936 = tpu.memref_slice %arg6[%dma_start3A_934, %dma_start3A_935] : memref<1000000x64xf32, #tpu.memory_space<hbm>> -> memref<1000000x64xf32, #tpu.memory_space<hbm>>
        tpu.enqueue_indirect_dma source(%dma_start3A_936 : memref<1000000x64xf32, #tpu.memory_space<hbm>>) target(%dma_start3A_932 : memref<128x64xf32, #tpu.memory_space<vmem>>) offsets(%dma_start3A_933 : memref<128xi32, #tpu.memory_space<vmem>>) semaphore(%arg21 : memref<!tpu.dma_semaphore, #tpu.memory_space<semaphore_mem>>)
        %dma_start3A_937 = arith.constant 1 : i32
        %dma_start3A_938 = arith.constant 0 : i32
        %dma_start3A_939 = arith.constant 0 : i32
        %dma_start3A_940 = tpu.memref_slice %arg17[%dma_start3A_937, %dma_start3A_938, %dma_start3A_939] : memref<5x128x32xf32, #tpu.memory_space<vmem>> -> memref<1x128x32xf32, #tpu.memory_space<vmem>>
        %dma_start3A_941 = tpu.memref_squeeze %dma_start3A_940 : memref<1x128x32xf32, #tpu.memory_space<vmem>> -> memref<128x32xf32, #tpu.memory_space<vmem>>
        %dma_start3A_942 = tpu.memref_slice %arg13[%mul3A_927] : memref<6400xi32, #tpu.memory_space<vmem>> -> memref<128xi32, #tpu.memory_space<vmem>>
        %dma_start3A_943 = arith.constant 0 : i32
        %dma_start3A_944 = arith.constant 0 : i32
        %dma_start3A_945 = tpu.memref_slice %arg7[%dma_start3A_943, %dma_start3A_944] : memref<1000x32xf32, #tpu.memory_space<hbm>> -> memref<1000x32xf32, #tpu.memory_space<hbm>>
        tpu.enqueue_indirect_dma source(%dma_start3A_945 : memref<1000x32xf32, #tpu.memory_space<hbm>>) target(%dma_start3A_941 : memref<128x32xf32, #tpu.memory_space<vmem>>) offsets(%dma_start3A_942 : memref<128xi32, #tpu.memory_space<vmem>>) semaphore(%arg21 : memref<!tpu.dma_semaphore, #tpu.memory_space<semaphore_mem>>)
        %dma_start3A_946 = arith.constant 1 : i32
        %dma_start3A_947 = arith.constant 0 : i32
        %dma_start3A_948 = arith.constant 0 : i32
        %dma_start3A_949 = tpu.memref_slice %arg18[%dma_start3A_946, %dma_start3A_947, %dma_start3A_948] : memref<5x128x32xf32, #tpu.memory_space<vmem>> -> memref<1x128x32xf32, #tpu.memory_space<vmem>>
        %dma_start3A_950 = tpu.memref_squeeze %dma_start3A_949 : memref<1x128x32xf32, #tpu.memory_space<vmem>> -> memref<128x32xf32, #tpu.memory_space<vmem>>
        %dma_start3A_951 = tpu.memref_slice %arg14[%mul3A_927] : memref<6400xi32, #tpu.memory_space<vmem>> -> memref<128xi32, #tpu.memory_space<vmem>>
        %dma_start3A_952 = arith.constant 0 : i32
        %dma_start3A_953 = arith.constant 0 : i32
        %dma_start3A_954 = tpu.memref_slice %arg8[%dma_start3A_952, %dma_start3A_953] : memref<1000x32xf32, #tpu.memory_space<hbm>> -> memref<1000x32xf32, #tpu.memory_space<hbm>>
        tpu.enqueue_indirect_dma source(%dma_start3A_954 : memref<1000x32xf32, #tpu.memory_space<hbm>>) target(%dma_start3A_950 : memref<128x32xf32, #tpu.memory_space<vmem>>) offsets(%dma_start3A_951 : memref<128xi32, #tpu.memory_space<vmem>>) semaphore(%arg21 : memref<!tpu.dma_semaphore, #tpu.memory_space<semaphore_mem>>)
      } else {
      }
      %add3A_826 = arith.constant 4 : i32
      %add3A_827 = arith.addi %mul3A_444, %add3A_826 : i32
      %dma_wait3A_828 = arith.constant 4 : i32
      %dma_wait3A_829 = arith.constant 0 : i32
      %dma_wait3A_830 = arith.constant 0 : i32
      %dma_wait3A_831 = tpu.memref_slice %arg16[%dma_wait3A_828, %dma_wait3A_829, %dma_wait3A_830] : memref<5x128x64xf32, #tpu.memory_space<vmem>> -> memref<1x128x64xf32, #tpu.memory_space<vmem>>
      %dma_wait3A_832 = tpu.memref_squeeze %dma_wait3A_831 : memref<1x128x64xf32, #tpu.memory_space<vmem>> -> memref<128x64xf32, #tpu.memory_space<vmem>>
      %dma_wait3A_833 = arith.constant 0 : i32
      %dma_wait3A_834 = arith.constant 0 : i32
      %dma_wait3A_835 = tpu.memref_slice %arg10[%dma_wait3A_833, %dma_wait3A_834] : memref<204800x128xf32, #tpu.memory_space<hbm>> -> memref<128x128xf32, #tpu.memory_space<hbm>>
      %dma_wait3A_836 = arith.constant 0 : i32
      %dma_wait3A_837 = arith.constant 0 : i32
      %dma_wait3A_838 = tpu.memref_slice %arg16[%dma_wait3A_828, %dma_wait3A_836, %dma_wait3A_837] : memref<5x128x64xf32, #tpu.memory_space<vmem>> -> memref<1x128x64xf32, #tpu.memory_space<vmem>>
      %dma_wait3A_839 = tpu.memref_squeeze %dma_wait3A_838 : memref<1x128x64xf32, #tpu.memory_space<vmem>> -> memref<128x64xf32, #tpu.memory_space<vmem>>
      %dma_wait3A_840 = arith.constant 0 : i32
      %dma_wait3A_841 = arith.constant 0 : i32
      %dma_wait3A_842 = tpu.memref_slice %arg10[%dma_wait3A_840, %dma_wait3A_841] : memref<204800x128xf32, #tpu.memory_space<hbm>> -> memref<128x128xf32, #tpu.memory_space<hbm>>
      tpu.wait_dma2 semaphore(%arg24 : memref<!tpu.dma_semaphore, #tpu.memory_space<semaphore_mem>>) src(%dma_wait3A_842 : memref<128x128xf32, #tpu.memory_space<hbm>>) dst(%dma_wait3A_839 : memref<128x64xf32, #tpu.memory_space<vmem>>)
      %dma_wait3A_843 = arith.constant 4 : i32
      %dma_wait3A_844 = arith.constant 0 : i32
      %dma_wait3A_845 = arith.constant 0 : i32
      %dma_wait3A_846 = tpu.memref_slice %arg17[%dma_wait3A_843, %dma_wait3A_844, %dma_wait3A_845] : memref<5x128x32xf32, #tpu.memory_space<vmem>> -> memref<1x128x32xf32, #tpu.memory_space<vmem>>
      %dma_wait3A_847 = tpu.memref_squeeze %dma_wait3A_846 : memref<1x128x32xf32, #tpu.memory_space<vmem>> -> memref<128x32xf32, #tpu.memory_space<vmem>>
      %dma_wait3A_848 = arith.constant 0 : i32
      %dma_wait3A_849 = arith.constant 0 : i32
      %dma_wait3A_850 = tpu.memref_slice %arg10[%dma_wait3A_848, %dma_wait3A_849] : memref<204800x128xf32, #tpu.memory_space<hbm>> -> memref<128x128xf32, #tpu.memory_space<hbm>>
      %dma_wait3A_851 = arith.constant 0 : i32
      %dma_wait3A_852 = arith.constant 0 : i32
      %dma_wait3A_853 = tpu.memref_slice %arg17[%dma_wait3A_843, %dma_wait3A_851, %dma_wait3A_852] : memref<5x128x32xf32, #tpu.memory_space<vmem>> -> memref<1x128x32xf32, #tpu.memory_space<vmem>>
      %dma_wait3A_854 = tpu.memref_squeeze %dma_wait3A_853 : memref<1x128x32xf32, #tpu.memory_space<vmem>> -> memref<128x32xf32, #tpu.memory_space<vmem>>
      %dma_wait3A_855 = arith.constant 0 : i32
      %dma_wait3A_856 = arith.constant 0 : i32
      %dma_wait3A_857 = tpu.memref_slice %arg10[%dma_wait3A_855, %dma_wait3A_856] : memref<204800x128xf32, #tpu.memory_space<hbm>> -> memref<128x128xf32, #tpu.memory_space<hbm>>
      tpu.wait_dma2 semaphore(%arg24 : memref<!tpu.dma_semaphore, #tpu.memory_space<semaphore_mem>>) src(%dma_wait3A_857 : memref<128x128xf32, #tpu.memory_space<hbm>>) dst(%dma_wait3A_854 : memref<128x32xf32, #tpu.memory_space<vmem>>)
      %dma_wait3A_858 = arith.constant 4 : i32
      %dma_wait3A_859 = arith.constant 0 : i32
      %dma_wait3A_860 = arith.constant 0 : i32
      %dma_wait3A_861 = tpu.memref_slice %arg18[%dma_wait3A_858, %dma_wait3A_859, %dma_wait3A_860] : memref<5x128x32xf32, #tpu.memory_space<vmem>> -> memref<1x128x32xf32, #tpu.memory_space<vmem>>
      %dma_wait3A_862 = tpu.memref_squeeze %dma_wait3A_861 : memref<1x128x32xf32, #tpu.memory_space<vmem>> -> memref<128x32xf32, #tpu.memory_space<vmem>>
      %dma_wait3A_863 = arith.constant 0 : i32
      %dma_wait3A_864 = arith.constant 0 : i32
      %dma_wait3A_865 = tpu.memref_slice %arg10[%dma_wait3A_863, %dma_wait3A_864] : memref<204800x128xf32, #tpu.memory_space<hbm>> -> memref<128x128xf32, #tpu.memory_space<hbm>>
      %dma_wait3A_866 = arith.constant 0 : i32
      %dma_wait3A_867 = arith.constant 0 : i32
      %dma_wait3A_868 = tpu.memref_slice %arg18[%dma_wait3A_858, %dma_wait3A_866, %dma_wait3A_867] : memref<5x128x32xf32, #tpu.memory_space<vmem>> -> memref<1x128x32xf32, #tpu.memory_space<vmem>>
      %dma_wait3A_869 = tpu.memref_squeeze %dma_wait3A_868 : memref<1x128x32xf32, #tpu.memory_space<vmem>> -> memref<128x32xf32, #tpu.memory_space<vmem>>
      %dma_wait3A_870 = arith.constant 0 : i32
      %dma_wait3A_871 = arith.constant 0 : i32
      %dma_wait3A_872 = tpu.memref_slice %arg10[%dma_wait3A_870, %dma_wait3A_871] : memref<204800x128xf32, #tpu.memory_space<hbm>> -> memref<128x128xf32, #tpu.memory_space<hbm>>
      tpu.wait_dma2 semaphore(%arg24 : memref<!tpu.dma_semaphore, #tpu.memory_space<semaphore_mem>>) src(%dma_wait3A_872 : memref<128x128xf32, #tpu.memory_space<hbm>>) dst(%dma_wait3A_869 : memref<128x32xf32, #tpu.memory_space<vmem>>)
      %mul3A_873 = arith.constant 128 : i32
      %mul3A_874 = arith.muli %add3A_827, %mul3A_873 : i32
      %add3A_875 = arith.addi %mul3A_10, %mul3A_874 : i32
      %dma_start3A_876 = arith.constant 4 : i32
      %dma_start3A_877 = arith.constant 0 : i32
      %dma_start3A_878 = arith.constant 0 : i32
      %dma_start3A_879 = tpu.memref_slice %arg16[%dma_start3A_876, %dma_start3A_877, %dma_start3A_878] : memref<5x128x64xf32, #tpu.memory_space<vmem>> -> memref<1x128x64xf32, #tpu.memory_space<vmem>>
      %dma_start3A_880 = tpu.memref_squeeze %dma_start3A_879 : memref<1x128x64xf32, #tpu.memory_space<vmem>> -> memref<128x64xf32, #tpu.memory_space<vmem>>
      %dma_start3A_881 = arith.constant 0 : i32
      %dma_start3A_882 = tpu.memref_slice %arg10[%add3A_875, %dma_start3A_881] : memref<204800x128xf32, #tpu.memory_space<hbm>> -> memref<128x64xf32, #tpu.memory_space<hbm>>
      %dma_start3A_883 = arith.constant 0 : i32
      %dma_start3A_884 = tpu.memref_slice %arg10[%add3A_875, %dma_start3A_883] : memref<204800x128xf32, #tpu.memory_space<hbm>> -> memref<128x64xf32, #tpu.memory_space<hbm>>
      %dma_start3A_885 = arith.constant 0 : i32
      %dma_start3A_886 = arith.constant 0 : i32
      %dma_start3A_887 = tpu.memref_slice %arg16[%dma_start3A_876, %dma_start3A_885, %dma_start3A_886] : memref<5x128x64xf32, #tpu.memory_space<vmem>> -> memref<1x128x64xf32, #tpu.memory_space<vmem>>
      %dma_start3A_888 = tpu.memref_squeeze %dma_start3A_887 : memref<1x128x64xf32, #tpu.memory_space<vmem>> -> memref<128x64xf32, #tpu.memory_space<vmem>>
      tpu.enqueue_dma source(%dma_start3A_888 : memref<128x64xf32, #tpu.memory_space<vmem>>) target(%dma_start3A_884 : memref<128x64xf32, #tpu.memory_space<hbm>>) target_semaphore(%arg29 : memref<!tpu.dma_semaphore, #tpu.memory_space<semaphore_mem>>)
      %dma_start3A_889 = arith.constant 4 : i32
      %dma_start3A_890 = arith.constant 0 : i32
      %dma_start3A_891 = arith.constant 0 : i32
      %dma_start3A_892 = tpu.memref_slice %arg17[%dma_start3A_889, %dma_start3A_890, %dma_start3A_891] : memref<5x128x32xf32, #tpu.memory_space<vmem>> -> memref<1x128x32xf32, #tpu.memory_space<vmem>>
      %dma_start3A_893 = tpu.memref_squeeze %dma_start3A_892 : memref<1x128x32xf32, #tpu.memory_space<vmem>> -> memref<128x32xf32, #tpu.memory_space<vmem>>
      %dma_start3A_894 = arith.constant 64 : i32
      %dma_start3A_895 = tpu.memref_slice %arg10[%add3A_875, %dma_start3A_894] : memref<204800x128xf32, #tpu.memory_space<hbm>> -> memref<128x32xf32, #tpu.memory_space<hbm>>
      %dma_start3A_896 = arith.constant 64 : i32
      %dma_start3A_897 = tpu.memref_slice %arg10[%add3A_875, %dma_start3A_896] : memref<204800x128xf32, #tpu.memory_space<hbm>> -> memref<128x32xf32, #tpu.memory_space<hbm>>
      %dma_start3A_898 = arith.constant 0 : i32
      %dma_start3A_899 = arith.constant 0 : i32
      %dma_start3A_900 = tpu.memref_slice %arg17[%dma_start3A_889, %dma_start3A_898, %dma_start3A_899] : memref<5x128x32xf32, #tpu.memory_space<vmem>> -> memref<1x128x32xf32, #tpu.memory_space<vmem>>
      %dma_start3A_901 = tpu.memref_squeeze %dma_start3A_900 : memref<1x128x32xf32, #tpu.memory_space<vmem>> -> memref<128x32xf32, #tpu.memory_space<vmem>>
      tpu.enqueue_dma source(%dma_start3A_901 : memref<128x32xf32, #tpu.memory_space<vmem>>) target(%dma_start3A_897 : memref<128x32xf32, #tpu.memory_space<hbm>>) target_semaphore(%arg29 : memref<!tpu.dma_semaphore, #tpu.memory_space<semaphore_mem>>)
      %dma_start3A_902 = arith.constant 4 : i32
      %dma_start3A_903 = arith.constant 0 : i32
      %dma_start3A_904 = arith.constant 0 : i32
      %dma_start3A_905 = tpu.memref_slice %arg18[%dma_start3A_902, %dma_start3A_903, %dma_start3A_904] : memref<5x128x32xf32, #tpu.memory_space<vmem>> -> memref<1x128x32xf32, #tpu.memory_space<vmem>>
      %dma_start3A_906 = tpu.memref_squeeze %dma_start3A_905 : memref<1x128x32xf32, #tpu.memory_space<vmem>> -> memref<128x32xf32, #tpu.memory_space<vmem>>
      %dma_start3A_907 = arith.constant 96 : i32
      %dma_start3A_908 = tpu.memref_slice %arg10[%add3A_875, %dma_start3A_907] : memref<204800x128xf32, #tpu.memory_space<hbm>> -> memref<128x32xf32, #tpu.memory_space<hbm>>
      %dma_start3A_909 = arith.constant 96 : i32
      %dma_start3A_910 = tpu.memref_slice %arg10[%add3A_875, %dma_start3A_909] : memref<204800x128xf32, #tpu.memory_space<hbm>> -> memref<128x32xf32, #tpu.memory_space<hbm>>
      %dma_start3A_911 = arith.constant 0 : i32
      %dma_start3A_912 = arith.constant 0 : i32
      %dma_start3A_913 = tpu.memref_slice %arg18[%dma_start3A_902, %dma_start3A_911, %dma_start3A_912] : memref<5x128x32xf32, #tpu.memory_space<vmem>> -> memref<1x128x32xf32, #tpu.memory_space<vmem>>
      %dma_start3A_914 = tpu.memref_squeeze %dma_start3A_913 : memref<1x128x32xf32, #tpu.memory_space<vmem>> -> memref<128x32xf32, #tpu.memory_space<vmem>>
      tpu.enqueue_dma source(%dma_start3A_914 : memref<128x32xf32, #tpu.memory_space<vmem>>) target(%dma_start3A_910 : memref<128x32xf32, #tpu.memory_space<hbm>>) target_semaphore(%arg29 : memref<!tpu.dma_semaphore, #tpu.memory_space<semaphore_mem>>)
      %add3A_915 = arith.constant 3 : i32
      %add3A_916 = arith.addi %add3A_827, %add3A_915 : i32
      %lt3A_917 = arith.constant 50 : i32
      %lt3A_918 = arith.cmpi slt, %add3A_916, %lt3A_917 : i32
      %convert_element_type3A_919 = arith.extui %lt3A_918 : i1 to i32
      %cond3A_920 = arith.constant 0 : i32
      %cond3A_921 = arith.cmpi ne, %convert_element_type3A_919, %cond3A_920 : i32
      scf.if %cond3A_921 {
        %ge3A = arith.constant 5 : i32
        %ge3A_922 = arith.cmpi sge, %add3A_916, %ge3A : i32
        %convert_element_type3A_923 = arith.extui %ge3A_922 : i1 to i32
        %cond3A_924 = arith.constant 0 : i32
        %cond3A_925 = arith.cmpi ne, %convert_element_type3A_923, %cond3A_924 : i32
        scf.if %cond3A_925 {
          %dma_wait3A_955 = arith.constant 2 : i32
          %dma_wait3A_956 = arith.constant 0 : i32
          %dma_wait3A_957 = arith.constant 0 : i32
          %dma_wait3A_958 = tpu.memref_slice %arg16[%dma_wait3A_955, %dma_wait3A_956, %dma_wait3A_957] : memref<5x128x64xf32, #tpu.memory_space<vmem>> -> memref<1x128x64xf32, #tpu.memory_space<vmem>>
          %dma_wait3A_959 = tpu.memref_squeeze %dma_wait3A_958 : memref<1x128x64xf32, #tpu.memory_space<vmem>> -> memref<128x64xf32, #tpu.memory_space<vmem>>
          %dma_wait3A_960 = arith.constant 0 : i32
          %dma_wait3A_961 = arith.constant 0 : i32
          %dma_wait3A_962 = tpu.memref_slice %arg10[%dma_wait3A_960, %dma_wait3A_961] : memref<204800x128xf32, #tpu.memory_space<hbm>> -> memref<128x64xf32, #tpu.memory_space<hbm>>
          %dma_wait3A_963 = arith.constant 0 : i32
          %dma_wait3A_964 = arith.constant 0 : i32
          %dma_wait3A_965 = tpu.memref_slice %arg10[%dma_wait3A_963, %dma_wait3A_964] : memref<204800x128xf32, #tpu.memory_space<hbm>> -> memref<128x64xf32, #tpu.memory_space<hbm>>
          %dma_wait3A_966 = arith.constant 0 : i32
          %dma_wait3A_967 = arith.constant 0 : i32
          %dma_wait3A_968 = tpu.memref_slice %arg16[%dma_wait3A_955, %dma_wait3A_966, %dma_wait3A_967] : memref<5x128x64xf32, #tpu.memory_space<vmem>> -> memref<1x128x64xf32, #tpu.memory_space<vmem>>
          %dma_wait3A_969 = tpu.memref_squeeze %dma_wait3A_968 : memref<1x128x64xf32, #tpu.memory_space<vmem>> -> memref<128x64xf32, #tpu.memory_space<vmem>>
          tpu.wait_dma2 semaphore(%arg27 : memref<!tpu.dma_semaphore, #tpu.memory_space<semaphore_mem>>) src(%dma_wait3A_969 : memref<128x64xf32, #tpu.memory_space<vmem>>) dst(%dma_wait3A_965 : memref<128x64xf32, #tpu.memory_space<hbm>>)
          %dma_wait3A_970 = arith.constant 2 : i32
          %dma_wait3A_971 = arith.constant 0 : i32
          %dma_wait3A_972 = arith.constant 0 : i32
          %dma_wait3A_973 = tpu.memref_slice %arg17[%dma_wait3A_970, %dma_wait3A_971, %dma_wait3A_972] : memref<5x128x32xf32, #tpu.memory_space<vmem>> -> memref<1x128x32xf32, #tpu.memory_space<vmem>>
          %dma_wait3A_974 = tpu.memref_squeeze %dma_wait3A_973 : memref<1x128x32xf32, #tpu.memory_space<vmem>> -> memref<128x32xf32, #tpu.memory_space<vmem>>
          %dma_wait3A_975 = arith.constant 0 : i32
          %dma_wait3A_976 = arith.constant 64 : i32
          %dma_wait3A_977 = tpu.memref_slice %arg10[%dma_wait3A_975, %dma_wait3A_976] : memref<204800x128xf32, #tpu.memory_space<hbm>> -> memref<128x32xf32, #tpu.memory_space<hbm>>
          %dma_wait3A_978 = arith.constant 0 : i32
          %dma_wait3A_979 = arith.constant 64 : i32
          %dma_wait3A_980 = tpu.memref_slice %arg10[%dma_wait3A_978, %dma_wait3A_979] : memref<204800x128xf32, #tpu.memory_space<hbm>> -> memref<128x32xf32, #tpu.memory_space<hbm>>
          %dma_wait3A_981 = arith.constant 0 : i32
          %dma_wait3A_982 = arith.constant 0 : i32
          %dma_wait3A_983 = tpu.memref_slice %arg17[%dma_wait3A_970, %dma_wait3A_981, %dma_wait3A_982] : memref<5x128x32xf32, #tpu.memory_space<vmem>> -> memref<1x128x32xf32, #tpu.memory_space<vmem>>
          %dma_wait3A_984 = tpu.memref_squeeze %dma_wait3A_983 : memref<1x128x32xf32, #tpu.memory_space<vmem>> -> memref<128x32xf32, #tpu.memory_space<vmem>>
          tpu.wait_dma2 semaphore(%arg27 : memref<!tpu.dma_semaphore, #tpu.memory_space<semaphore_mem>>) src(%dma_wait3A_984 : memref<128x32xf32, #tpu.memory_space<vmem>>) dst(%dma_wait3A_980 : memref<128x32xf32, #tpu.memory_space<hbm>>)
          %dma_wait3A_985 = arith.constant 2 : i32
          %dma_wait3A_986 = arith.constant 0 : i32
          %dma_wait3A_987 = arith.constant 0 : i32
          %dma_wait3A_988 = tpu.memref_slice %arg18[%dma_wait3A_985, %dma_wait3A_986, %dma_wait3A_987] : memref<5x128x32xf32, #tpu.memory_space<vmem>> -> memref<1x128x32xf32, #tpu.memory_space<vmem>>
          %dma_wait3A_989 = tpu.memref_squeeze %dma_wait3A_988 : memref<1x128x32xf32, #tpu.memory_space<vmem>> -> memref<128x32xf32, #tpu.memory_space<vmem>>
          %dma_wait3A_990 = arith.constant 0 : i32
          %dma_wait3A_991 = arith.constant 96 : i32
          %dma_wait3A_992 = tpu.memref_slice %arg10[%dma_wait3A_990, %dma_wait3A_991] : memref<204800x128xf32, #tpu.memory_space<hbm>> -> memref<128x32xf32, #tpu.memory_space<hbm>>
          %dma_wait3A_993 = arith.constant 0 : i32
          %dma_wait3A_994 = arith.constant 96 : i32
          %dma_wait3A_995 = tpu.memref_slice %arg10[%dma_wait3A_993, %dma_wait3A_994] : memref<204800x128xf32, #tpu.memory_space<hbm>> -> memref<128x32xf32, #tpu.memory_space<hbm>>
          %dma_wait3A_996 = arith.constant 0 : i32
          %dma_wait3A_997 = arith.constant 0 : i32
          %dma_wait3A_998 = tpu.memref_slice %arg18[%dma_wait3A_985, %dma_wait3A_996, %dma_wait3A_997] : memref<5x128x32xf32, #tpu.memory_space<vmem>> -> memref<1x128x32xf32, #tpu.memory_space<vmem>>
          %dma_wait3A_999 = tpu.memref_squeeze %dma_wait3A_998 : memref<1x128x32xf32, #tpu.memory_space<vmem>> -> memref<128x32xf32, #tpu.memory_space<vmem>>
          tpu.wait_dma2 semaphore(%arg27 : memref<!tpu.dma_semaphore, #tpu.memory_space<semaphore_mem>>) src(%dma_wait3A_999 : memref<128x32xf32, #tpu.memory_space<vmem>>) dst(%dma_wait3A_995 : memref<128x32xf32, #tpu.memory_space<hbm>>)
        } else {
        }
        %mul3A_926 = arith.constant 128 : i32
        %mul3A_927 = arith.muli %add3A_916, %mul3A_926 : i32
        %dma_start3A_928 = arith.constant 2 : i32
        %dma_start3A_929 = arith.constant 0 : i32
        %dma_start3A_930 = arith.constant 0 : i32
        %dma_start3A_931 = tpu.memref_slice %arg16[%dma_start3A_928, %dma_start3A_929, %dma_start3A_930] : memref<5x128x64xf32, #tpu.memory_space<vmem>> -> memref<1x128x64xf32, #tpu.memory_space<vmem>>
        %dma_start3A_932 = tpu.memref_squeeze %dma_start3A_931 : memref<1x128x64xf32, #tpu.memory_space<vmem>> -> memref<128x64xf32, #tpu.memory_space<vmem>>
        %dma_start3A_933 = tpu.memref_slice %arg12[%mul3A_927] : memref<6400xi32, #tpu.memory_space<vmem>> -> memref<128xi32, #tpu.memory_space<vmem>>
        %dma_start3A_934 = arith.constant 0 : i32
        %dma_start3A_935 = arith.constant 0 : i32
        %dma_start3A_936 = tpu.memref_slice %arg6[%dma_start3A_934, %dma_start3A_935] : memref<1000000x64xf32, #tpu.memory_space<hbm>> -> memref<1000000x64xf32, #tpu.memory_space<hbm>>
        tpu.enqueue_indirect_dma source(%dma_start3A_936 : memref<1000000x64xf32, #tpu.memory_space<hbm>>) target(%dma_start3A_932 : memref<128x64xf32, #tpu.memory_space<vmem>>) offsets(%dma_start3A_933 : memref<128xi32, #tpu.memory_space<vmem>>) semaphore(%arg22 : memref<!tpu.dma_semaphore, #tpu.memory_space<semaphore_mem>>)
        %dma_start3A_937 = arith.constant 2 : i32
        %dma_start3A_938 = arith.constant 0 : i32
        %dma_start3A_939 = arith.constant 0 : i32
        %dma_start3A_940 = tpu.memref_slice %arg17[%dma_start3A_937, %dma_start3A_938, %dma_start3A_939] : memref<5x128x32xf32, #tpu.memory_space<vmem>> -> memref<1x128x32xf32, #tpu.memory_space<vmem>>
        %dma_start3A_941 = tpu.memref_squeeze %dma_start3A_940 : memref<1x128x32xf32, #tpu.memory_space<vmem>> -> memref<128x32xf32, #tpu.memory_space<vmem>>
        %dma_start3A_942 = tpu.memref_slice %arg13[%mul3A_927] : memref<6400xi32, #tpu.memory_space<vmem>> -> memref<128xi32, #tpu.memory_space<vmem>>
        %dma_start3A_943 = arith.constant 0 : i32
        %dma_start3A_944 = arith.constant 0 : i32
        %dma_start3A_945 = tpu.memref_slice %arg7[%dma_start3A_943, %dma_start3A_944] : memref<1000x32xf32, #tpu.memory_space<hbm>> -> memref<1000x32xf32, #tpu.memory_space<hbm>>
        tpu.enqueue_indirect_dma source(%dma_start3A_945 : memref<1000x32xf32, #tpu.memory_space<hbm>>) target(%dma_start3A_941 : memref<128x32xf32, #tpu.memory_space<vmem>>) offsets(%dma_start3A_942 : memref<128xi32, #tpu.memory_space<vmem>>) semaphore(%arg22 : memref<!tpu.dma_semaphore, #tpu.memory_space<semaphore_mem>>)
        %dma_start3A_946 = arith.constant 2 : i32
        %dma_start3A_947 = arith.constant 0 : i32
        %dma_start3A_948 = arith.constant 0 : i32
        %dma_start3A_949 = tpu.memref_slice %arg18[%dma_start3A_946, %dma_start3A_947, %dma_start3A_948] : memref<5x128x32xf32, #tpu.memory_space<vmem>> -> memref<1x128x32xf32, #tpu.memory_space<vmem>>
        %dma_start3A_950 = tpu.memref_squeeze %dma_start3A_949 : memref<1x128x32xf32, #tpu.memory_space<vmem>> -> memref<128x32xf32, #tpu.memory_space<vmem>>
        %dma_start3A_951 = tpu.memref_slice %arg14[%mul3A_927] : memref<6400xi32, #tpu.memory_space<vmem>> -> memref<128xi32, #tpu.memory_space<vmem>>
        %dma_start3A_952 = arith.constant 0 : i32
        %dma_start3A_953 = arith.constant 0 : i32
        %dma_start3A_954 = tpu.memref_slice %arg8[%dma_start3A_952, %dma_start3A_953] : memref<1000x32xf32, #tpu.memory_space<hbm>> -> memref<1000x32xf32, #tpu.memory_space<hbm>>
        tpu.enqueue_indirect_dma source(%dma_start3A_954 : memref<1000x32xf32, #tpu.memory_space<hbm>>) target(%dma_start3A_950 : memref<128x32xf32, #tpu.memory_space<vmem>>) offsets(%dma_start3A_951 : memref<128xi32, #tpu.memory_space<vmem>>) semaphore(%arg22 : memref<!tpu.dma_semaphore, #tpu.memory_space<semaphore_mem>>)
      } else {
      }
    }
    %scan3A_106 = arith.constant 10 : i32
    %dma_wait3A = arith.constant 0 : i32
    %dma_wait3A_107 = arith.constant 0 : i32
    %dma_wait3A_108 = arith.constant 0 : i32
    %dma_wait3A_109 = tpu.memref_slice %arg16[%dma_wait3A, %dma_wait3A_107, %dma_wait3A_108] : memref<5x128x64xf32, #tpu.memory_space<vmem>> -> memref<1x128x64xf32, #tpu.memory_space<vmem>>
    %dma_wait3A_110 = tpu.memref_squeeze %dma_wait3A_109 : memref<1x128x64xf32, #tpu.memory_space<vmem>> -> memref<128x64xf32, #tpu.memory_space<vmem>>
    %dma_wait3A_111 = arith.constant 0 : i32
    %dma_wait3A_112 = arith.constant 0 : i32
    %dma_wait3A_113 = tpu.memref_slice %arg10[%dma_wait3A_111, %dma_wait3A_112] : memref<204800x128xf32, #tpu.memory_space<hbm>> -> memref<128x64xf32, #tpu.memory_space<hbm>>
    %dma_wait3A_114 = arith.constant 0 : i32
    %dma_wait3A_115 = arith.constant 0 : i32
    %dma_wait3A_116 = tpu.memref_slice %arg10[%dma_wait3A_114, %dma_wait3A_115] : memref<204800x128xf32, #tpu.memory_space<hbm>> -> memref<128x64xf32, #tpu.memory_space<hbm>>
    %dma_wait3A_117 = arith.constant 0 : i32
    %dma_wait3A_118 = arith.constant 0 : i32
    %dma_wait3A_119 = tpu.memref_slice %arg16[%dma_wait3A, %dma_wait3A_117, %dma_wait3A_118] : memref<5x128x64xf32, #tpu.memory_space<vmem>> -> memref<1x128x64xf32, #tpu.memory_space<vmem>>
    %dma_wait3A_120 = tpu.memref_squeeze %dma_wait3A_119 : memref<1x128x64xf32, #tpu.memory_space<vmem>> -> memref<128x64xf32, #tpu.memory_space<vmem>>
    tpu.wait_dma2 semaphore(%arg25 : memref<!tpu.dma_semaphore, #tpu.memory_space<semaphore_mem>>) src(%dma_wait3A_120 : memref<128x64xf32, #tpu.memory_space<vmem>>) dst(%dma_wait3A_116 : memref<128x64xf32, #tpu.memory_space<hbm>>)
    %dma_wait3A_121 = arith.constant 0 : i32
    %dma_wait3A_122 = arith.constant 0 : i32
    %dma_wait3A_123 = arith.constant 0 : i32
    %dma_wait3A_124 = tpu.memref_slice %arg17[%dma_wait3A_121, %dma_wait3A_122, %dma_wait3A_123] : memref<5x128x32xf32, #tpu.memory_space<vmem>> -> memref<1x128x32xf32, #tpu.memory_space<vmem>>
    %dma_wait3A_125 = tpu.memref_squeeze %dma_wait3A_124 : memref<1x128x32xf32, #tpu.memory_space<vmem>> -> memref<128x32xf32, #tpu.memory_space<vmem>>
    %dma_wait3A_126 = arith.constant 0 : i32
    %dma_wait3A_127 = arith.constant 64 : i32
    %dma_wait3A_128 = tpu.memref_slice %arg10[%dma_wait3A_126, %dma_wait3A_127] : memref<204800x128xf32, #tpu.memory_space<hbm>> -> memref<128x32xf32, #tpu.memory_space<hbm>>
    %dma_wait3A_129 = arith.constant 0 : i32
    %dma_wait3A_130 = arith.constant 64 : i32
    %dma_wait3A_131 = tpu.memref_slice %arg10[%dma_wait3A_129, %dma_wait3A_130] : memref<204800x128xf32, #tpu.memory_space<hbm>> -> memref<128x32xf32, #tpu.memory_space<hbm>>
    %dma_wait3A_132 = arith.constant 0 : i32
    %dma_wait3A_133 = arith.constant 0 : i32
    %dma_wait3A_134 = tpu.memref_slice %arg17[%dma_wait3A_121, %dma_wait3A_132, %dma_wait3A_133] : memref<5x128x32xf32, #tpu.memory_space<vmem>> -> memref<1x128x32xf32, #tpu.memory_space<vmem>>
    %dma_wait3A_135 = tpu.memref_squeeze %dma_wait3A_134 : memref<1x128x32xf32, #tpu.memory_space<vmem>> -> memref<128x32xf32, #tpu.memory_space<vmem>>
    tpu.wait_dma2 semaphore(%arg25 : memref<!tpu.dma_semaphore, #tpu.memory_space<semaphore_mem>>) src(%dma_wait3A_135 : memref<128x32xf32, #tpu.memory_space<vmem>>) dst(%dma_wait3A_131 : memref<128x32xf32, #tpu.memory_space<hbm>>)
    %dma_wait3A_136 = arith.constant 0 : i32
    %dma_wait3A_137 = arith.constant 0 : i32
    %dma_wait3A_138 = arith.constant 0 : i32
    %dma_wait3A_139 = tpu.memref_slice %arg18[%dma_wait3A_136, %dma_wait3A_137, %dma_wait3A_138] : memref<5x128x32xf32, #tpu.memory_space<vmem>> -> memref<1x128x32xf32, #tpu.memory_space<vmem>>
    %dma_wait3A_140 = tpu.memref_squeeze %dma_wait3A_139 : memref<1x128x32xf32, #tpu.memory_space<vmem>> -> memref<128x32xf32, #tpu.memory_space<vmem>>
    %dma_wait3A_141 = arith.constant 0 : i32
    %dma_wait3A_142 = arith.constant 96 : i32
    %dma_wait3A_143 = tpu.memref_slice %arg10[%dma_wait3A_141, %dma_wait3A_142] : memref<204800x128xf32, #tpu.memory_space<hbm>> -> memref<128x32xf32, #tpu.memory_space<hbm>>
    %dma_wait3A_144 = arith.constant 0 : i32
    %dma_wait3A_145 = arith.constant 96 : i32
    %dma_wait3A_146 = tpu.memref_slice %arg10[%dma_wait3A_144, %dma_wait3A_145] : memref<204800x128xf32, #tpu.memory_space<hbm>> -> memref<128x32xf32, #tpu.memory_space<hbm>>
    %dma_wait3A_147 = arith.constant 0 : i32
    %dma_wait3A_148 = arith.constant 0 : i32
    %dma_wait3A_149 = tpu.memref_slice %arg18[%dma_wait3A_136, %dma_wait3A_147, %dma_wait3A_148] : memref<5x128x32xf32, #tpu.memory_space<vmem>> -> memref<1x128x32xf32, #tpu.memory_space<vmem>>
    %dma_wait3A_150 = tpu.memref_squeeze %dma_wait3A_149 : memref<1x128x32xf32, #tpu.memory_space<vmem>> -> memref<128x32xf32, #tpu.memory_space<vmem>>
    tpu.wait_dma2 semaphore(%arg25 : memref<!tpu.dma_semaphore, #tpu.memory_space<semaphore_mem>>) src(%dma_wait3A_150 : memref<128x32xf32, #tpu.memory_space<vmem>>) dst(%dma_wait3A_146 : memref<128x32xf32, #tpu.memory_space<hbm>>)
    %dma_wait3A_151 = arith.constant 1 : i32
    %dma_wait3A_152 = arith.constant 0 : i32
    %dma_wait3A_153 = arith.constant 0 : i32
    %dma_wait3A_154 = tpu.memref_slice %arg16[%dma_wait3A_151, %dma_wait3A_152, %dma_wait3A_153] : memref<5x128x64xf32, #tpu.memory_space<vmem>> -> memref<1x128x64xf32, #tpu.memory_space<vmem>>
    %dma_wait3A_155 = tpu.memref_squeeze %dma_wait3A_154 : memref<1x128x64xf32, #tpu.memory_space<vmem>> -> memref<128x64xf32, #tpu.memory_space<vmem>>
    %dma_wait3A_156 = arith.constant 0 : i32
    %dma_wait3A_157 = arith.constant 0 : i32
    %dma_wait3A_158 = tpu.memref_slice %arg10[%dma_wait3A_156, %dma_wait3A_157] : memref<204800x128xf32, #tpu.memory_space<hbm>> -> memref<128x64xf32, #tpu.memory_space<hbm>>
    %dma_wait3A_159 = arith.constant 0 : i32
    %dma_wait3A_160 = arith.constant 0 : i32
    %dma_wait3A_161 = tpu.memref_slice %arg10[%dma_wait3A_159, %dma_wait3A_160] : memref<204800x128xf32, #tpu.memory_space<hbm>> -> memref<128x64xf32, #tpu.memory_space<hbm>>
    %dma_wait3A_162 = arith.constant 0 : i32
    %dma_wait3A_163 = arith.constant 0 : i32
    %dma_wait3A_164 = tpu.memref_slice %arg16[%dma_wait3A_151, %dma_wait3A_162, %dma_wait3A_163] : memref<5x128x64xf32, #tpu.memory_space<vmem>> -> memref<1x128x64xf32, #tpu.memory_space<vmem>>
    %dma_wait3A_165 = tpu.memref_squeeze %dma_wait3A_164 : memref<1x128x64xf32, #tpu.memory_space<vmem>> -> memref<128x64xf32, #tpu.memory_space<vmem>>
    tpu.wait_dma2 semaphore(%arg26 : memref<!tpu.dma_semaphore, #tpu.memory_space<semaphore_mem>>) src(%dma_wait3A_165 : memref<128x64xf32, #tpu.memory_space<vmem>>) dst(%dma_wait3A_161 : memref<128x64xf32, #tpu.memory_space<hbm>>)
    %dma_wait3A_166 = arith.constant 1 : i32
    %dma_wait3A_167 = arith.constant 0 : i32
    %dma_wait3A_168 = arith.constant 0 : i32
    %dma_wait3A_169 = tpu.memref_slice %arg17[%dma_wait3A_166, %dma_wait3A_167, %dma_wait3A_168] : memref<5x128x32xf32, #tpu.memory_space<vmem>> -> memref<1x128x32xf32, #tpu.memory_space<vmem>>
    %dma_wait3A_170 = tpu.memref_squeeze %dma_wait3A_169 : memref<1x128x32xf32, #tpu.memory_space<vmem>> -> memref<128x32xf32, #tpu.memory_space<vmem>>
    %dma_wait3A_171 = arith.constant 0 : i32
    %dma_wait3A_172 = arith.constant 64 : i32
    %dma_wait3A_173 = tpu.memref_slice %arg10[%dma_wait3A_171, %dma_wait3A_172] : memref<204800x128xf32, #tpu.memory_space<hbm>> -> memref<128x32xf32, #tpu.memory_space<hbm>>
    %dma_wait3A_174 = arith.constant 0 : i32
    %dma_wait3A_175 = arith.constant 64 : i32
    %dma_wait3A_176 = tpu.memref_slice %arg10[%dma_wait3A_174, %dma_wait3A_175] : memref<204800x128xf32, #tpu.memory_space<hbm>> -> memref<128x32xf32, #tpu.memory_space<hbm>>
    %dma_wait3A_177 = arith.constant 0 : i32
    %dma_wait3A_178 = arith.constant 0 : i32
    %dma_wait3A_179 = tpu.memref_slice %arg17[%dma_wait3A_166, %dma_wait3A_177, %dma_wait3A_178] : memref<5x128x32xf32, #tpu.memory_space<vmem>> -> memref<1x128x32xf32, #tpu.memory_space<vmem>>
    %dma_wait3A_180 = tpu.memref_squeeze %dma_wait3A_179 : memref<1x128x32xf32, #tpu.memory_space<vmem>> -> memref<128x32xf32, #tpu.memory_space<vmem>>
    tpu.wait_dma2 semaphore(%arg26 : memref<!tpu.dma_semaphore, #tpu.memory_space<semaphore_mem>>) src(%dma_wait3A_180 : memref<128x32xf32, #tpu.memory_space<vmem>>) dst(%dma_wait3A_176 : memref<128x32xf32, #tpu.memory_space<hbm>>)
    %dma_wait3A_181 = arith.constant 1 : i32
    %dma_wait3A_182 = arith.constant 0 : i32
    %dma_wait3A_183 = arith.constant 0 : i32
    %dma_wait3A_184 = tpu.memref_slice %arg18[%dma_wait3A_181, %dma_wait3A_182, %dma_wait3A_183] : memref<5x128x32xf32, #tpu.memory_space<vmem>> -> memref<1x128x32xf32, #tpu.memory_space<vmem>>
    %dma_wait3A_185 = tpu.memref_squeeze %dma_wait3A_184 : memref<1x128x32xf32, #tpu.memory_space<vmem>> -> memref<128x32xf32, #tpu.memory_space<vmem>>
    %dma_wait3A_186 = arith.constant 0 : i32
    %dma_wait3A_187 = arith.constant 96 : i32
    %dma_wait3A_188 = tpu.memref_slice %arg10[%dma_wait3A_186, %dma_wait3A_187] : memref<204800x128xf32, #tpu.memory_space<hbm>> -> memref<128x32xf32, #tpu.memory_space<hbm>>
    %dma_wait3A_189 = arith.constant 0 : i32
    %dma_wait3A_190 = arith.constant 96 : i32
    %dma_wait3A_191 = tpu.memref_slice %arg10[%dma_wait3A_189, %dma_wait3A_190] : memref<204800x128xf32, #tpu.memory_space<hbm>> -> memref<128x32xf32, #tpu.memory_space<hbm>>
    %dma_wait3A_192 = arith.constant 0 : i32
    %dma_wait3A_193 = arith.constant 0 : i32
    %dma_wait3A_194 = tpu.memref_slice %arg18[%dma_wait3A_181, %dma_wait3A_192, %dma_wait3A_193] : memref<5x128x32xf32, #tpu.memory_space<vmem>> -> memref<1x128x32xf32, #tpu.memory_space<vmem>>
    %dma_wait3A_195 = tpu.memref_squeeze %dma_wait3A_194 : memref<1x128x32xf32, #tpu.memory_space<vmem>> -> memref<128x32xf32, #tpu.memory_space<vmem>>
    tpu.wait_dma2 semaphore(%arg26 : memref<!tpu.dma_semaphore, #tpu.memory_space<semaphore_mem>>) src(%dma_wait3A_195 : memref<128x32xf32, #tpu.memory_space<vmem>>) dst(%dma_wait3A_191 : memref<128x32xf32, #tpu.memory_space<hbm>>)
    %dma_wait3A_196 = arith.constant 2 : i32
    %dma_wait3A_197 = arith.constant 0 : i32
    %dma_wait3A_198 = arith.constant 0 : i32
    %dma_wait3A_199 = tpu.memref_slice %arg16[%dma_wait3A_196, %dma_wait3A_197, %dma_wait3A_198] : memref<5x128x64xf32, #tpu.memory_space<vmem>> -> memref<1x128x64xf32, #tpu.memory_space<vmem>>
    %dma_wait3A_200 = tpu.memref_squeeze %dma_wait3A_199 : memref<1x128x64xf32, #tpu.memory_space<vmem>> -> memref<128x64xf32, #tpu.memory_space<vmem>>
    %dma_wait3A_201 = arith.constant 0 : i32
    %dma_wait3A_202 = arith.constant 0 : i32
    %dma_wait3A_203 = tpu.memref_slice %arg10[%dma_wait3A_201, %dma_wait3A_202] : memref<204800x128xf32, #tpu.memory_space<hbm>> -> memref<128x64xf32, #tpu.memory_space<hbm>>
    %dma_wait3A_204 = arith.constant 0 : i32
    %dma_wait3A_205 = arith.constant 0 : i32
    %dma_wait3A_206 = tpu.memref_slice %arg10[%dma_wait3A_204, %dma_wait3A_205] : memref<204800x128xf32, #tpu.memory_space<hbm>> -> memref<128x64xf32, #tpu.memory_space<hbm>>
    %dma_wait3A_207 = arith.constant 0 : i32
    %dma_wait3A_208 = arith.constant 0 : i32
    %dma_wait3A_209 = tpu.memref_slice %arg16[%dma_wait3A_196, %dma_wait3A_207, %dma_wait3A_208] : memref<5x128x64xf32, #tpu.memory_space<vmem>> -> memref<1x128x64xf32, #tpu.memory_space<vmem>>
    %dma_wait3A_210 = tpu.memref_squeeze %dma_wait3A_209 : memref<1x128x64xf32, #tpu.memory_space<vmem>> -> memref<128x64xf32, #tpu.memory_space<vmem>>
    tpu.wait_dma2 semaphore(%arg27 : memref<!tpu.dma_semaphore, #tpu.memory_space<semaphore_mem>>) src(%dma_wait3A_210 : memref<128x64xf32, #tpu.memory_space<vmem>>) dst(%dma_wait3A_206 : memref<128x64xf32, #tpu.memory_space<hbm>>)
    %dma_wait3A_211 = arith.constant 2 : i32
    %dma_wait3A_212 = arith.constant 0 : i32
    %dma_wait3A_213 = arith.constant 0 : i32
    %dma_wait3A_214 = tpu.memref_slice %arg17[%dma_wait3A_211, %dma_wait3A_212, %dma_wait3A_213] : memref<5x128x32xf32, #tpu.memory_space<vmem>> -> memref<1x128x32xf32, #tpu.memory_space<vmem>>
    %dma_wait3A_215 = tpu.memref_squeeze %dma_wait3A_214 : memref<1x128x32xf32, #tpu.memory_space<vmem>> -> memref<128x32xf32, #tpu.memory_space<vmem>>
    %dma_wait3A_216 = arith.constant 0 : i32
    %dma_wait3A_217 = arith.constant 64 : i32
    %dma_wait3A_218 = tpu.memref_slice %arg10[%dma_wait3A_216, %dma_wait3A_217] : memref<204800x128xf32, #tpu.memory_space<hbm>> -> memref<128x32xf32, #tpu.memory_space<hbm>>
    %dma_wait3A_219 = arith.constant 0 : i32
    %dma_wait3A_220 = arith.constant 64 : i32
    %dma_wait3A_221 = tpu.memref_slice %arg10[%dma_wait3A_219, %dma_wait3A_220] : memref<204800x128xf32, #tpu.memory_space<hbm>> -> memref<128x32xf32, #tpu.memory_space<hbm>>
    %dma_wait3A_222 = arith.constant 0 : i32
    %dma_wait3A_223 = arith.constant 0 : i32
    %dma_wait3A_224 = tpu.memref_slice %arg17[%dma_wait3A_211, %dma_wait3A_222, %dma_wait3A_223] : memref<5x128x32xf32, #tpu.memory_space<vmem>> -> memref<1x128x32xf32, #tpu.memory_space<vmem>>
    %dma_wait3A_225 = tpu.memref_squeeze %dma_wait3A_224 : memref<1x128x32xf32, #tpu.memory_space<vmem>> -> memref<128x32xf32, #tpu.memory_space<vmem>>
    tpu.wait_dma2 semaphore(%arg27 : memref<!tpu.dma_semaphore, #tpu.memory_space<semaphore_mem>>) src(%dma_wait3A_225 : memref<128x32xf32, #tpu.memory_space<vmem>>) dst(%dma_wait3A_221 : memref<128x32xf32, #tpu.memory_space<hbm>>)
    %dma_wait3A_226 = arith.constant 2 : i32
    %dma_wait3A_227 = arith.constant 0 : i32
    %dma_wait3A_228 = arith.constant 0 : i32
    %dma_wait3A_229 = tpu.memref_slice %arg18[%dma_wait3A_226, %dma_wait3A_227, %dma_wait3A_228] : memref<5x128x32xf32, #tpu.memory_space<vmem>> -> memref<1x128x32xf32, #tpu.memory_space<vmem>>
    %dma_wait3A_230 = tpu.memref_squeeze %dma_wait3A_229 : memref<1x128x32xf32, #tpu.memory_space<vmem>> -> memref<128x32xf32, #tpu.memory_space<vmem>>
    %dma_wait3A_231 = arith.constant 0 : i32
    %dma_wait3A_232 = arith.constant 96 : i32
    %dma_wait3A_233 = tpu.memref_slice %arg10[%dma_wait3A_231, %dma_wait3A_232] : memref<204800x128xf32, #tpu.memory_space<hbm>> -> memref<128x32xf32, #tpu.memory_space<hbm>>
    %dma_wait3A_234 = arith.constant 0 : i32
    %dma_wait3A_235 = arith.constant 96 : i32
    %dma_wait3A_236 = tpu.memref_slice %arg10[%dma_wait3A_234, %dma_wait3A_235] : memref<204800x128xf32, #tpu.memory_space<hbm>> -> memref<128x32xf32, #tpu.memory_space<hbm>>
    %dma_wait3A_237 = arith.constant 0 : i32
    %dma_wait3A_238 = arith.constant 0 : i32
    %dma_wait3A_239 = tpu.memref_slice %arg18[%dma_wait3A_226, %dma_wait3A_237, %dma_wait3A_238] : memref<5x128x32xf32, #tpu.memory_space<vmem>> -> memref<1x128x32xf32, #tpu.memory_space<vmem>>
    %dma_wait3A_240 = tpu.memref_squeeze %dma_wait3A_239 : memref<1x128x32xf32, #tpu.memory_space<vmem>> -> memref<128x32xf32, #tpu.memory_space<vmem>>
    tpu.wait_dma2 semaphore(%arg27 : memref<!tpu.dma_semaphore, #tpu.memory_space<semaphore_mem>>) src(%dma_wait3A_240 : memref<128x32xf32, #tpu.memory_space<vmem>>) dst(%dma_wait3A_236 : memref<128x32xf32, #tpu.memory_space<hbm>>)
    %dma_wait3A_241 = arith.constant 3 : i32
    %dma_wait3A_242 = arith.constant 0 : i32
    %dma_wait3A_243 = arith.constant 0 : i32
    %dma_wait3A_244 = tpu.memref_slice %arg16[%dma_wait3A_241, %dma_wait3A_242, %dma_wait3A_243] : memref<5x128x64xf32, #tpu.memory_space<vmem>> -> memref<1x128x64xf32, #tpu.memory_space<vmem>>
    %dma_wait3A_245 = tpu.memref_squeeze %dma_wait3A_244 : memref<1x128x64xf32, #tpu.memory_space<vmem>> -> memref<128x64xf32, #tpu.memory_space<vmem>>
    %dma_wait3A_246 = arith.constant 0 : i32
    %dma_wait3A_247 = arith.constant 0 : i32
    %dma_wait3A_248 = tpu.memref_slice %arg10[%dma_wait3A_246, %dma_wait3A_247] : memref<204800x128xf32, #tpu.memory_space<hbm>> -> memref<128x64xf32, #tpu.memory_space<hbm>>
    %dma_wait3A_249 = arith.constant 0 : i32
    %dma_wait3A_250 = arith.constant 0 : i32
    %dma_wait3A_251 = tpu.memref_slice %arg10[%dma_wait3A_249, %dma_wait3A_250] : memref<204800x128xf32, #tpu.memory_space<hbm>> -> memref<128x64xf32, #tpu.memory_space<hbm>>
    %dma_wait3A_252 = arith.constant 0 : i32
    %dma_wait3A_253 = arith.constant 0 : i32
    %dma_wait3A_254 = tpu.memref_slice %arg16[%dma_wait3A_241, %dma_wait3A_252, %dma_wait3A_253] : memref<5x128x64xf32, #tpu.memory_space<vmem>> -> memref<1x128x64xf32, #tpu.memory_space<vmem>>
    %dma_wait3A_255 = tpu.memref_squeeze %dma_wait3A_254 : memref<1x128x64xf32, #tpu.memory_space<vmem>> -> memref<128x64xf32, #tpu.memory_space<vmem>>
    tpu.wait_dma2 semaphore(%arg28 : memref<!tpu.dma_semaphore, #tpu.memory_space<semaphore_mem>>) src(%dma_wait3A_255 : memref<128x64xf32, #tpu.memory_space<vmem>>) dst(%dma_wait3A_251 : memref<128x64xf32, #tpu.memory_space<hbm>>)
    %dma_wait3A_256 = arith.constant 3 : i32
    %dma_wait3A_257 = arith.constant 0 : i32
    %dma_wait3A_258 = arith.constant 0 : i32
    %dma_wait3A_259 = tpu.memref_slice %arg17[%dma_wait3A_256, %dma_wait3A_257, %dma_wait3A_258] : memref<5x128x32xf32, #tpu.memory_space<vmem>> -> memref<1x128x32xf32, #tpu.memory_space<vmem>>
    %dma_wait3A_260 = tpu.memref_squeeze %dma_wait3A_259 : memref<1x128x32xf32, #tpu.memory_space<vmem>> -> memref<128x32xf32, #tpu.memory_space<vmem>>
    %dma_wait3A_261 = arith.constant 0 : i32
    %dma_wait3A_262 = arith.constant 64 : i32
    %dma_wait3A_263 = tpu.memref_slice %arg10[%dma_wait3A_261, %dma_wait3A_262] : memref<204800x128xf32, #tpu.memory_space<hbm>> -> memref<128x32xf32, #tpu.memory_space<hbm>>
    %dma_wait3A_264 = arith.constant 0 : i32
    %dma_wait3A_265 = arith.constant 64 : i32
    %dma_wait3A_266 = tpu.memref_slice %arg10[%dma_wait3A_264, %dma_wait3A_265] : memref<204800x128xf32, #tpu.memory_space<hbm>> -> memref<128x32xf32, #tpu.memory_space<hbm>>
    %dma_wait3A_267 = arith.constant 0 : i32
    %dma_wait3A_268 = arith.constant 0 : i32
    %dma_wait3A_269 = tpu.memref_slice %arg17[%dma_wait3A_256, %dma_wait3A_267, %dma_wait3A_268] : memref<5x128x32xf32, #tpu.memory_space<vmem>> -> memref<1x128x32xf32, #tpu.memory_space<vmem>>
    %dma_wait3A_270 = tpu.memref_squeeze %dma_wait3A_269 : memref<1x128x32xf32, #tpu.memory_space<vmem>> -> memref<128x32xf32, #tpu.memory_space<vmem>>
    tpu.wait_dma2 semaphore(%arg28 : memref<!tpu.dma_semaphore, #tpu.memory_space<semaphore_mem>>) src(%dma_wait3A_270 : memref<128x32xf32, #tpu.memory_space<vmem>>) dst(%dma_wait3A_266 : memref<128x32xf32, #tpu.memory_space<hbm>>)
    %dma_wait3A_271 = arith.constant 3 : i32
    %dma_wait3A_272 = arith.constant 0 : i32
    %dma_wait3A_273 = arith.constant 0 : i32
    %dma_wait3A_274 = tpu.memref_slice %arg18[%dma_wait3A_271, %dma_wait3A_272, %dma_wait3A_273] : memref<5x128x32xf32, #tpu.memory_space<vmem>> -> memref<1x128x32xf32, #tpu.memory_space<vmem>>
    %dma_wait3A_275 = tpu.memref_squeeze %dma_wait3A_274 : memref<1x128x32xf32, #tpu.memory_space<vmem>> -> memref<128x32xf32, #tpu.memory_space<vmem>>
    %dma_wait3A_276 = arith.constant 0 : i32
    %dma_wait3A_277 = arith.constant 96 : i32
    %dma_wait3A_278 = tpu.memref_slice %arg10[%dma_wait3A_276, %dma_wait3A_277] : memref<204800x128xf32, #tpu.memory_space<hbm>> -> memref<128x32xf32, #tpu.memory_space<hbm>>
    %dma_wait3A_279 = arith.constant 0 : i32
    %dma_wait3A_280 = arith.constant 96 : i32
    %dma_wait3A_281 = tpu.memref_slice %arg10[%dma_wait3A_279, %dma_wait3A_280] : memref<204800x128xf32, #tpu.memory_space<hbm>> -> memref<128x32xf32, #tpu.memory_space<hbm>>
    %dma_wait3A_282 = arith.constant 0 : i32
    %dma_wait3A_283 = arith.constant 0 : i32
    %dma_wait3A_284 = tpu.memref_slice %arg18[%dma_wait3A_271, %dma_wait3A_282, %dma_wait3A_283] : memref<5x128x32xf32, #tpu.memory_space<vmem>> -> memref<1x128x32xf32, #tpu.memory_space<vmem>>
    %dma_wait3A_285 = tpu.memref_squeeze %dma_wait3A_284 : memref<1x128x32xf32, #tpu.memory_space<vmem>> -> memref<128x32xf32, #tpu.memory_space<vmem>>
    tpu.wait_dma2 semaphore(%arg28 : memref<!tpu.dma_semaphore, #tpu.memory_space<semaphore_mem>>) src(%dma_wait3A_285 : memref<128x32xf32, #tpu.memory_space<vmem>>) dst(%dma_wait3A_281 : memref<128x32xf32, #tpu.memory_space<hbm>>)
    %dma_wait3A_286 = arith.constant 4 : i32
    %dma_wait3A_287 = arith.constant 0 : i32
    %dma_wait3A_288 = arith.constant 0 : i32
    %dma_wait3A_289 = tpu.memref_slice %arg16[%dma_wait3A_286, %dma_wait3A_287, %dma_wait3A_288] : memref<5x128x64xf32, #tpu.memory_space<vmem>> -> memref<1x128x64xf32, #tpu.memory_space<vmem>>
    %dma_wait3A_290 = tpu.memref_squeeze %dma_wait3A_289 : memref<1x128x64xf32, #tpu.memory_space<vmem>> -> memref<128x64xf32, #tpu.memory_space<vmem>>
    %dma_wait3A_291 = arith.constant 0 : i32
    %dma_wait3A_292 = arith.constant 0 : i32
    %dma_wait3A_293 = tpu.memref_slice %arg10[%dma_wait3A_291, %dma_wait3A_292] : memref<204800x128xf32, #tpu.memory_space<hbm>> -> memref<128x64xf32, #tpu.memory_space<hbm>>
    %dma_wait3A_294 = arith.constant 0 : i32
    %dma_wait3A_295 = arith.constant 0 : i32
    %dma_wait3A_296 = tpu.memref_slice %arg10[%dma_wait3A_294, %dma_wait3A_295] : memref<204800x128xf32, #tpu.memory_space<hbm>> -> memref<128x64xf32, #tpu.memory_space<hbm>>
    %dma_wait3A_297 = arith.constant 0 : i32
    %dma_wait3A_298 = arith.constant 0 : i32
    %dma_wait3A_299 = tpu.memref_slice %arg16[%dma_wait3A_286, %dma_wait3A_297, %dma_wait3A_298] : memref<5x128x64xf32, #tpu.memory_space<vmem>> -> memref<1x128x64xf32, #tpu.memory_space<vmem>>
    %dma_wait3A_300 = tpu.memref_squeeze %dma_wait3A_299 : memref<1x128x64xf32, #tpu.memory_space<vmem>> -> memref<128x64xf32, #tpu.memory_space<vmem>>
    tpu.wait_dma2 semaphore(%arg29 : memref<!tpu.dma_semaphore, #tpu.memory_space<semaphore_mem>>) src(%dma_wait3A_300 : memref<128x64xf32, #tpu.memory_space<vmem>>) dst(%dma_wait3A_296 : memref<128x64xf32, #tpu.memory_space<hbm>>)
    %dma_wait3A_301 = arith.constant 4 : i32
    %dma_wait3A_302 = arith.constant 0 : i32
    %dma_wait3A_303 = arith.constant 0 : i32
    %dma_wait3A_304 = tpu.memref_slice %arg17[%dma_wait3A_301, %dma_wait3A_302, %dma_wait3A_303] : memref<5x128x32xf32, #tpu.memory_space<vmem>> -> memref<1x128x32xf32, #tpu.memory_space<vmem>>
    %dma_wait3A_305 = tpu.memref_squeeze %dma_wait3A_304 : memref<1x128x32xf32, #tpu.memory_space<vmem>> -> memref<128x32xf32, #tpu.memory_space<vmem>>
    %dma_wait3A_306 = arith.constant 0 : i32
    %dma_wait3A_307 = arith.constant 64 : i32
    %dma_wait3A_308 = tpu.memref_slice %arg10[%dma_wait3A_306, %dma_wait3A_307] : memref<204800x128xf32, #tpu.memory_space<hbm>> -> memref<128x32xf32, #tpu.memory_space<hbm>>
    %dma_wait3A_309 = arith.constant 0 : i32
    %dma_wait3A_310 = arith.constant 64 : i32
    %dma_wait3A_311 = tpu.memref_slice %arg10[%dma_wait3A_309, %dma_wait3A_310] : memref<204800x128xf32, #tpu.memory_space<hbm>> -> memref<128x32xf32, #tpu.memory_space<hbm>>
    %dma_wait3A_312 = arith.constant 0 : i32
    %dma_wait3A_313 = arith.constant 0 : i32
    %dma_wait3A_314 = tpu.memref_slice %arg17[%dma_wait3A_301, %dma_wait3A_312, %dma_wait3A_313] : memref<5x128x32xf32, #tpu.memory_space<vmem>> -> memref<1x128x32xf32, #tpu.memory_space<vmem>>
    %dma_wait3A_315 = tpu.memref_squeeze %dma_wait3A_314 : memref<1x128x32xf32, #tpu.memory_space<vmem>> -> memref<128x32xf32, #tpu.memory_space<vmem>>
    tpu.wait_dma2 semaphore(%arg29 : memref<!tpu.dma_semaphore, #tpu.memory_space<semaphore_mem>>) src(%dma_wait3A_315 : memref<128x32xf32, #tpu.memory_space<vmem>>) dst(%dma_wait3A_311 : memref<128x32xf32, #tpu.memory_space<hbm>>)
    %dma_wait3A_316 = arith.constant 4 : i32
    %dma_wait3A_317 = arith.constant 0 : i32
    %dma_wait3A_318 = arith.constant 0 : i32
    %dma_wait3A_319 = tpu.memref_slice %arg18[%dma_wait3A_316, %dma_wait3A_317, %dma_wait3A_318] : memref<5x128x32xf32, #tpu.memory_space<vmem>> -> memref<1x128x32xf32, #tpu.memory_space<vmem>>
    %dma_wait3A_320 = tpu.memref_squeeze %dma_wait3A_319 : memref<1x128x32xf32, #tpu.memory_space<vmem>> -> memref<128x32xf32, #tpu.memory_space<vmem>>
    %dma_wait3A_321 = arith.constant 0 : i32
    %dma_wait3A_322 = arith.constant 96 : i32
    %dma_wait3A_323 = tpu.memref_slice %arg10[%dma_wait3A_321, %dma_wait3A_322] : memref<204800x128xf32, #tpu.memory_space<hbm>> -> memref<128x32xf32, #tpu.memory_space<hbm>>
    %dma_wait3A_324 = arith.constant 0 : i32
    %dma_wait3A_325 = arith.constant 96 : i32
    %dma_wait3A_326 = tpu.memref_slice %arg10[%dma_wait3A_324, %dma_wait3A_325] : memref<204800x128xf32, #tpu.memory_space<hbm>> -> memref<128x32xf32, #tpu.memory_space<hbm>>
    %dma_wait3A_327 = arith.constant 0 : i32
    %dma_wait3A_328 = arith.constant 0 : i32
    %dma_wait3A_329 = tpu.memref_slice %arg18[%dma_wait3A_316, %dma_wait3A_327, %dma_wait3A_328] : memref<5x128x32xf32, #tpu.memory_space<vmem>> -> memref<1x128x32xf32, #tpu.memory_space<vmem>>
    %dma_wait3A_330 = tpu.memref_squeeze %dma_wait3A_329 : memref<1x128x32xf32, #tpu.memory_space<vmem>> -> memref<128x32xf32, #tpu.memory_space<vmem>>
    tpu.wait_dma2 semaphore(%arg29 : memref<!tpu.dma_semaphore, #tpu.memory_space<semaphore_mem>>) src(%dma_wait3A_330 : memref<128x32xf32, #tpu.memory_space<vmem>>) dst(%dma_wait3A_326 : memref<128x32xf32, #tpu.memory_space<hbm>>)
    %dma_start3A_331 = arith.constant 0 : i32
    %dma_start3A_332 = arith.constant 0 : i32
    %dma_start3A_333 = arith.constant 0 : i32
    %dma_start3A_334 = tpu.memref_slice %arg19[%dma_start3A_331, %dma_start3A_332, %dma_start3A_333] : memref<5x32x128xf32, #tpu.memory_space<vmem>> -> memref<1x32x128xf32, #tpu.memory_space<vmem>>
    %dma_start3A_335 = tpu.memref_squeeze %dma_start3A_334 : memref<1x32x128xf32, #tpu.memory_space<vmem>> -> memref<32x128xf32, #tpu.memory_space<vmem>>
    %dma_start3A_336 = arith.constant 0 : i32
    %dma_start3A_337 = tpu.memref_slice %arg15[%dma_start3A_336] : memref<1600xi32, #tpu.memory_space<vmem>> -> memref<32xi32, #tpu.memory_space<vmem>>
    %dma_start3A_338 = arith.constant 0 : i32
    %dma_start3A_339 = arith.constant 0 : i32
    %dma_start3A_340 = tpu.memref_slice %arg9[%dma_start3A_338, %dma_start3A_339] : memref<50x128xf32, #tpu.memory_space<hbm>> -> memref<50x128xf32, #tpu.memory_space<hbm>>
    tpu.enqueue_indirect_dma source(%dma_start3A_340 : memref<50x128xf32, #tpu.memory_space<hbm>>) target(%dma_start3A_335 : memref<32x128xf32, #tpu.memory_space<vmem>>) offsets(%dma_start3A_337 : memref<32xi32, #tpu.memory_space<vmem>>) semaphore(%arg30 : memref<!tpu.dma_semaphore, #tpu.memory_space<semaphore_mem>>)
    %dma_start3A_341 = arith.constant 1 : i32
    %dma_start3A_342 = arith.constant 0 : i32
    %dma_start3A_343 = arith.constant 0 : i32
    %dma_start3A_344 = tpu.memref_slice %arg19[%dma_start3A_341, %dma_start3A_342, %dma_start3A_343] : memref<5x32x128xf32, #tpu.memory_space<vmem>> -> memref<1x32x128xf32, #tpu.memory_space<vmem>>
    %dma_start3A_345 = tpu.memref_squeeze %dma_start3A_344 : memref<1x32x128xf32, #tpu.memory_space<vmem>> -> memref<32x128xf32, #tpu.memory_space<vmem>>
    %dma_start3A_346 = arith.constant 32 : i32
    %dma_start3A_347 = tpu.memref_slice %arg15[%dma_start3A_346] : memref<1600xi32, #tpu.memory_space<vmem>> -> memref<32xi32, #tpu.memory_space<vmem>>
    %dma_start3A_348 = arith.constant 0 : i32
    %dma_start3A_349 = arith.constant 0 : i32
    %dma_start3A_350 = tpu.memref_slice %arg9[%dma_start3A_348, %dma_start3A_349] : memref<50x128xf32, #tpu.memory_space<hbm>> -> memref<50x128xf32, #tpu.memory_space<hbm>>
    tpu.enqueue_indirect_dma source(%dma_start3A_350 : memref<50x128xf32, #tpu.memory_space<hbm>>) target(%dma_start3A_345 : memref<32x128xf32, #tpu.memory_space<vmem>>) offsets(%dma_start3A_347 : memref<32xi32, #tpu.memory_space<vmem>>) semaphore(%arg31 : memref<!tpu.dma_semaphore, #tpu.memory_space<semaphore_mem>>)
    %dma_start3A_351 = arith.constant 2 : i32
    %dma_start3A_352 = arith.constant 0 : i32
    %dma_start3A_353 = arith.constant 0 : i32
    %dma_start3A_354 = tpu.memref_slice %arg19[%dma_start3A_351, %dma_start3A_352, %dma_start3A_353] : memref<5x32x128xf32, #tpu.memory_space<vmem>> -> memref<1x32x128xf32, #tpu.memory_space<vmem>>
    %dma_start3A_355 = tpu.memref_squeeze %dma_start3A_354 : memref<1x32x128xf32, #tpu.memory_space<vmem>> -> memref<32x128xf32, #tpu.memory_space<vmem>>
    %dma_start3A_356 = arith.constant 64 : i32
    %dma_start3A_357 = tpu.memref_slice %arg15[%dma_start3A_356] : memref<1600xi32, #tpu.memory_space<vmem>> -> memref<32xi32, #tpu.memory_space<vmem>>
    %dma_start3A_358 = arith.constant 0 : i32
    %dma_start3A_359 = arith.constant 0 : i32
    %dma_start3A_360 = tpu.memref_slice %arg9[%dma_start3A_358, %dma_start3A_359] : memref<50x128xf32, #tpu.memory_space<hbm>> -> memref<50x128xf32, #tpu.memory_space<hbm>>
    tpu.enqueue_indirect_dma source(%dma_start3A_360 : memref<50x128xf32, #tpu.memory_space<hbm>>) target(%dma_start3A_355 : memref<32x128xf32, #tpu.memory_space<vmem>>) offsets(%dma_start3A_357 : memref<32xi32, #tpu.memory_space<vmem>>) semaphore(%arg32 : memref<!tpu.dma_semaphore, #tpu.memory_space<semaphore_mem>>)
    %scan3A_361 = arith.constant 0 : i32
    %scan3A_362 = arith.constant 0 : i32
    %scan3A_363 = arith.constant 10 : i32
    %scan3A_364 = arith.addi %scan3A_362, %scan3A_363 : i32
    %scan3A_365 = arith.constant 1 : i32
    scf.for %scan3A_442 = %scan3A_362 to %scan3A_364 step %scan3A_365  : i32 {
      %mul3A_443 = arith.constant 5 : i32
      %mul3A_444 = arith.muli %scan3A_442, %mul3A_443 : i32
      %add3A_445 = arith.constant 0 : i32
      %add3A_446 = arith.addi %mul3A_444, %add3A_445 : i32
      %dma_wait3A_447 = arith.constant 0 : i32
      %dma_wait3A_448 = arith.constant 0 : i32
      %dma_wait3A_449 = arith.constant 0 : i32
      %dma_wait3A_450 = tpu.memref_slice %arg19[%dma_wait3A_447, %dma_wait3A_448, %dma_wait3A_449] : memref<5x32x128xf32, #tpu.memory_space<vmem>> -> memref<1x32x128xf32, #tpu.memory_space<vmem>>
      %dma_wait3A_451 = tpu.memref_squeeze %dma_wait3A_450 : memref<1x32x128xf32, #tpu.memory_space<vmem>> -> memref<32x128xf32, #tpu.memory_space<vmem>>
      %dma_wait3A_452 = arith.constant 0 : i32
      %dma_wait3A_453 = arith.constant 0 : i32
      %dma_wait3A_454 = tpu.memref_slice %arg11[%dma_wait3A_452, %dma_wait3A_453] : memref<51200x128xf32, #tpu.memory_space<hbm>> -> memref<32x128xf32, #tpu.memory_space<hbm>>
      %dma_wait3A_455 = arith.constant 0 : i32
      %dma_wait3A_456 = arith.constant 0 : i32
      %dma_wait3A_457 = tpu.memref_slice %arg19[%dma_wait3A_447, %dma_wait3A_455, %dma_wait3A_456] : memref<5x32x128xf32, #tpu.memory_space<vmem>> -> memref<1x32x128xf32, #tpu.memory_space<vmem>>
      %dma_wait3A_458 = tpu.memref_squeeze %dma_wait3A_457 : memref<1x32x128xf32, #tpu.memory_space<vmem>> -> memref<32x128xf32, #tpu.memory_space<vmem>>
      %dma_wait3A_459 = arith.constant 0 : i32
      %dma_wait3A_460 = arith.constant 0 : i32
      %dma_wait3A_461 = tpu.memref_slice %arg11[%dma_wait3A_459, %dma_wait3A_460] : memref<51200x128xf32, #tpu.memory_space<hbm>> -> memref<32x128xf32, #tpu.memory_space<hbm>>
      tpu.wait_dma2 semaphore(%arg30 : memref<!tpu.dma_semaphore, #tpu.memory_space<semaphore_mem>>) src(%dma_wait3A_461 : memref<32x128xf32, #tpu.memory_space<hbm>>) dst(%dma_wait3A_458 : memref<32x128xf32, #tpu.memory_space<vmem>>)
      %mul3A_462 = arith.constant 32 : i32
      %mul3A_463 = arith.muli %add3A_446, %mul3A_462 : i32
      %add3A_464 = arith.addi %mul3A_12, %mul3A_463 : i32
      %dma_start3A_465 = arith.constant 0 : i32
      %dma_start3A_466 = arith.constant 0 : i32
      %dma_start3A_467 = arith.constant 0 : i32
      %dma_start3A_468 = tpu.memref_slice %arg19[%dma_start3A_465, %dma_start3A_466, %dma_start3A_467] : memref<5x32x128xf32, #tpu.memory_space<vmem>> -> memref<1x32x128xf32, #tpu.memory_space<vmem>>
      %dma_start3A_469 = tpu.memref_squeeze %dma_start3A_468 : memref<1x32x128xf32, #tpu.memory_space<vmem>> -> memref<32x128xf32, #tpu.memory_space<vmem>>
      %dma_start3A_470 = arith.constant 0 : i32
      %dma_start3A_471 = tpu.memref_slice %arg11[%add3A_464, %dma_start3A_470] : memref<51200x128xf32, #tpu.memory_space<hbm>> -> memref<32x128xf32, #tpu.memory_space<hbm>>
      %dma_start3A_472 = arith.constant 0 : i32
      %dma_start3A_473 = tpu.memref_slice %arg11[%add3A_464, %dma_start3A_472] : memref<51200x128xf32, #tpu.memory_space<hbm>> -> memref<32x128xf32, #tpu.memory_space<hbm>>
      %dma_start3A_474 = arith.constant 0 : i32
      %dma_start3A_475 = arith.constant 0 : i32
      %dma_start3A_476 = tpu.memref_slice %arg19[%dma_start3A_465, %dma_start3A_474, %dma_start3A_475] : memref<5x32x128xf32, #tpu.memory_space<vmem>> -> memref<1x32x128xf32, #tpu.memory_space<vmem>>
      %dma_start3A_477 = tpu.memref_squeeze %dma_start3A_476 : memref<1x32x128xf32, #tpu.memory_space<vmem>> -> memref<32x128xf32, #tpu.memory_space<vmem>>
      tpu.enqueue_dma source(%dma_start3A_477 : memref<32x128xf32, #tpu.memory_space<vmem>>) target(%dma_start3A_473 : memref<32x128xf32, #tpu.memory_space<hbm>>) target_semaphore(%arg35 : memref<!tpu.dma_semaphore, #tpu.memory_space<semaphore_mem>>)
      %add3A_478 = arith.constant 3 : i32
      %add3A_479 = arith.addi %add3A_446, %add3A_478 : i32
      %lt3A = arith.constant 50 : i32
      %lt3A_480 = arith.cmpi slt, %add3A_479, %lt3A : i32
      %convert_element_type3A = arith.extui %lt3A_480 : i1 to i32
      %cond3A = arith.constant 0 : i32
      %cond3A_481 = arith.cmpi ne, %convert_element_type3A, %cond3A : i32
      scf.if %cond3A_481 {
        %ge3A = arith.constant 5 : i32
        %ge3A_642 = arith.cmpi sge, %add3A_479, %ge3A : i32
        %convert_element_type3A_643 = arith.extui %ge3A_642 : i1 to i32
        %cond3A_644 = arith.constant 0 : i32
        %cond3A_645 = arith.cmpi ne, %convert_element_type3A_643, %cond3A_644 : i32
        scf.if %cond3A_645 {
          %dma_wait3A_657 = arith.constant 3 : i32
          %dma_wait3A_658 = arith.constant 0 : i32
          %dma_wait3A_659 = arith.constant 0 : i32
          %dma_wait3A_660 = tpu.memref_slice %arg19[%dma_wait3A_657, %dma_wait3A_658, %dma_wait3A_659] : memref<5x32x128xf32, #tpu.memory_space<vmem>> -> memref<1x32x128xf32, #tpu.memory_space<vmem>>
          %dma_wait3A_661 = tpu.memref_squeeze %dma_wait3A_660 : memref<1x32x128xf32, #tpu.memory_space<vmem>> -> memref<32x128xf32, #tpu.memory_space<vmem>>
          %dma_wait3A_662 = arith.constant 0 : i32
          %dma_wait3A_663 = arith.constant 0 : i32
          %dma_wait3A_664 = tpu.memref_slice %arg11[%dma_wait3A_662, %dma_wait3A_663] : memref<51200x128xf32, #tpu.memory_space<hbm>> -> memref<32x128xf32, #tpu.memory_space<hbm>>
          %dma_wait3A_665 = arith.constant 0 : i32
          %dma_wait3A_666 = arith.constant 0 : i32
          %dma_wait3A_667 = tpu.memref_slice %arg11[%dma_wait3A_665, %dma_wait3A_666] : memref<51200x128xf32, #tpu.memory_space<hbm>> -> memref<32x128xf32, #tpu.memory_space<hbm>>
          %dma_wait3A_668 = arith.constant 0 : i32
          %dma_wait3A_669 = arith.constant 0 : i32
          %dma_wait3A_670 = tpu.memref_slice %arg19[%dma_wait3A_657, %dma_wait3A_668, %dma_wait3A_669] : memref<5x32x128xf32, #tpu.memory_space<vmem>> -> memref<1x32x128xf32, #tpu.memory_space<vmem>>
          %dma_wait3A_671 = tpu.memref_squeeze %dma_wait3A_670 : memref<1x32x128xf32, #tpu.memory_space<vmem>> -> memref<32x128xf32, #tpu.memory_space<vmem>>
          tpu.wait_dma2 semaphore(%arg38 : memref<!tpu.dma_semaphore, #tpu.memory_space<semaphore_mem>>) src(%dma_wait3A_671 : memref<32x128xf32, #tpu.memory_space<vmem>>) dst(%dma_wait3A_667 : memref<32x128xf32, #tpu.memory_space<hbm>>)
        } else {
        }
        %mul3A_646 = arith.constant 32 : i32
        %mul3A_647 = arith.muli %add3A_479, %mul3A_646 : i32
        %dma_start3A_648 = arith.constant 3 : i32
        %dma_start3A_649 = arith.constant 0 : i32
        %dma_start3A_650 = arith.constant 0 : i32
        %dma_start3A_651 = tpu.memref_slice %arg19[%dma_start3A_648, %dma_start3A_649, %dma_start3A_650] : memref<5x32x128xf32, #tpu.memory_space<vmem>> -> memref<1x32x128xf32, #tpu.memory_space<vmem>>
        %dma_start3A_652 = tpu.memref_squeeze %dma_start3A_651 : memref<1x32x128xf32, #tpu.memory_space<vmem>> -> memref<32x128xf32, #tpu.memory_space<vmem>>
        %dma_start3A_653 = tpu.memref_slice %arg15[%mul3A_647] : memref<1600xi32, #tpu.memory_space<vmem>> -> memref<32xi32, #tpu.memory_space<vmem>>
        %dma_start3A_654 = arith.constant 0 : i32
        %dma_start3A_655 = arith.constant 0 : i32
        %dma_start3A_656 = tpu.memref_slice %arg9[%dma_start3A_654, %dma_start3A_655] : memref<50x128xf32, #tpu.memory_space<hbm>> -> memref<50x128xf32, #tpu.memory_space<hbm>>
        tpu.enqueue_indirect_dma source(%dma_start3A_656 : memref<50x128xf32, #tpu.memory_space<hbm>>) target(%dma_start3A_652 : memref<32x128xf32, #tpu.memory_space<vmem>>) offsets(%dma_start3A_653 : memref<32xi32, #tpu.memory_space<vmem>>) semaphore(%arg33 : memref<!tpu.dma_semaphore, #tpu.memory_space<semaphore_mem>>)
      } else {
      }
      %add3A_482 = arith.constant 1 : i32
      %add3A_483 = arith.addi %mul3A_444, %add3A_482 : i32
      %dma_wait3A_484 = arith.constant 1 : i32
      %dma_wait3A_485 = arith.constant 0 : i32
      %dma_wait3A_486 = arith.constant 0 : i32
      %dma_wait3A_487 = tpu.memref_slice %arg19[%dma_wait3A_484, %dma_wait3A_485, %dma_wait3A_486] : memref<5x32x128xf32, #tpu.memory_space<vmem>> -> memref<1x32x128xf32, #tpu.memory_space<vmem>>
      %dma_wait3A_488 = tpu.memref_squeeze %dma_wait3A_487 : memref<1x32x128xf32, #tpu.memory_space<vmem>> -> memref<32x128xf32, #tpu.memory_space<vmem>>
      %dma_wait3A_489 = arith.constant 0 : i32
      %dma_wait3A_490 = arith.constant 0 : i32
      %dma_wait3A_491 = tpu.memref_slice %arg11[%dma_wait3A_489, %dma_wait3A_490] : memref<51200x128xf32, #tpu.memory_space<hbm>> -> memref<32x128xf32, #tpu.memory_space<hbm>>
      %dma_wait3A_492 = arith.constant 0 : i32
      %dma_wait3A_493 = arith.constant 0 : i32
      %dma_wait3A_494 = tpu.memref_slice %arg19[%dma_wait3A_484, %dma_wait3A_492, %dma_wait3A_493] : memref<5x32x128xf32, #tpu.memory_space<vmem>> -> memref<1x32x128xf32, #tpu.memory_space<vmem>>
      %dma_wait3A_495 = tpu.memref_squeeze %dma_wait3A_494 : memref<1x32x128xf32, #tpu.memory_space<vmem>> -> memref<32x128xf32, #tpu.memory_space<vmem>>
      %dma_wait3A_496 = arith.constant 0 : i32
      %dma_wait3A_497 = arith.constant 0 : i32
      %dma_wait3A_498 = tpu.memref_slice %arg11[%dma_wait3A_496, %dma_wait3A_497] : memref<51200x128xf32, #tpu.memory_space<hbm>> -> memref<32x128xf32, #tpu.memory_space<hbm>>
      tpu.wait_dma2 semaphore(%arg31 : memref<!tpu.dma_semaphore, #tpu.memory_space<semaphore_mem>>) src(%dma_wait3A_498 : memref<32x128xf32, #tpu.memory_space<hbm>>) dst(%dma_wait3A_495 : memref<32x128xf32, #tpu.memory_space<vmem>>)
      %mul3A_499 = arith.constant 32 : i32
      %mul3A_500 = arith.muli %add3A_483, %mul3A_499 : i32
      %add3A_501 = arith.addi %mul3A_12, %mul3A_500 : i32
      %dma_start3A_502 = arith.constant 1 : i32
      %dma_start3A_503 = arith.constant 0 : i32
      %dma_start3A_504 = arith.constant 0 : i32
      %dma_start3A_505 = tpu.memref_slice %arg19[%dma_start3A_502, %dma_start3A_503, %dma_start3A_504] : memref<5x32x128xf32, #tpu.memory_space<vmem>> -> memref<1x32x128xf32, #tpu.memory_space<vmem>>
      %dma_start3A_506 = tpu.memref_squeeze %dma_start3A_505 : memref<1x32x128xf32, #tpu.memory_space<vmem>> -> memref<32x128xf32, #tpu.memory_space<vmem>>
      %dma_start3A_507 = arith.constant 0 : i32
      %dma_start3A_508 = tpu.memref_slice %arg11[%add3A_501, %dma_start3A_507] : memref<51200x128xf32, #tpu.memory_space<hbm>> -> memref<32x128xf32, #tpu.memory_space<hbm>>
      %dma_start3A_509 = arith.constant 0 : i32
      %dma_start3A_510 = tpu.memref_slice %arg11[%add3A_501, %dma_start3A_509] : memref<51200x128xf32, #tpu.memory_space<hbm>> -> memref<32x128xf32, #tpu.memory_space<hbm>>
      %dma_start3A_511 = arith.constant 0 : i32
      %dma_start3A_512 = arith.constant 0 : i32
      %dma_start3A_513 = tpu.memref_slice %arg19[%dma_start3A_502, %dma_start3A_511, %dma_start3A_512] : memref<5x32x128xf32, #tpu.memory_space<vmem>> -> memref<1x32x128xf32, #tpu.memory_space<vmem>>
      %dma_start3A_514 = tpu.memref_squeeze %dma_start3A_513 : memref<1x32x128xf32, #tpu.memory_space<vmem>> -> memref<32x128xf32, #tpu.memory_space<vmem>>
      tpu.enqueue_dma source(%dma_start3A_514 : memref<32x128xf32, #tpu.memory_space<vmem>>) target(%dma_start3A_510 : memref<32x128xf32, #tpu.memory_space<hbm>>) target_semaphore(%arg36 : memref<!tpu.dma_semaphore, #tpu.memory_space<semaphore_mem>>)
      %add3A_515 = arith.constant 3 : i32
      %add3A_516 = arith.addi %add3A_483, %add3A_515 : i32
      %lt3A_517 = arith.constant 50 : i32
      %lt3A_518 = arith.cmpi slt, %add3A_516, %lt3A_517 : i32
      %convert_element_type3A_519 = arith.extui %lt3A_518 : i1 to i32
      %cond3A_520 = arith.constant 0 : i32
      %cond3A_521 = arith.cmpi ne, %convert_element_type3A_519, %cond3A_520 : i32
      scf.if %cond3A_521 {
        %ge3A = arith.constant 5 : i32
        %ge3A_642 = arith.cmpi sge, %add3A_516, %ge3A : i32
        %convert_element_type3A_643 = arith.extui %ge3A_642 : i1 to i32
        %cond3A_644 = arith.constant 0 : i32
        %cond3A_645 = arith.cmpi ne, %convert_element_type3A_643, %cond3A_644 : i32
        scf.if %cond3A_645 {
          %dma_wait3A_657 = arith.constant 4 : i32
          %dma_wait3A_658 = arith.constant 0 : i32
          %dma_wait3A_659 = arith.constant 0 : i32
          %dma_wait3A_660 = tpu.memref_slice %arg19[%dma_wait3A_657, %dma_wait3A_658, %dma_wait3A_659] : memref<5x32x128xf32, #tpu.memory_space<vmem>> -> memref<1x32x128xf32, #tpu.memory_space<vmem>>
          %dma_wait3A_661 = tpu.memref_squeeze %dma_wait3A_660 : memref<1x32x128xf32, #tpu.memory_space<vmem>> -> memref<32x128xf32, #tpu.memory_space<vmem>>
          %dma_wait3A_662 = arith.constant 0 : i32
          %dma_wait3A_663 = arith.constant 0 : i32
          %dma_wait3A_664 = tpu.memref_slice %arg11[%dma_wait3A_662, %dma_wait3A_663] : memref<51200x128xf32, #tpu.memory_space<hbm>> -> memref<32x128xf32, #tpu.memory_space<hbm>>
          %dma_wait3A_665 = arith.constant 0 : i32
          %dma_wait3A_666 = arith.constant 0 : i32
          %dma_wait3A_667 = tpu.memref_slice %arg11[%dma_wait3A_665, %dma_wait3A_666] : memref<51200x128xf32, #tpu.memory_space<hbm>> -> memref<32x128xf32, #tpu.memory_space<hbm>>
          %dma_wait3A_668 = arith.constant 0 : i32
          %dma_wait3A_669 = arith.constant 0 : i32
          %dma_wait3A_670 = tpu.memref_slice %arg19[%dma_wait3A_657, %dma_wait3A_668, %dma_wait3A_669] : memref<5x32x128xf32, #tpu.memory_space<vmem>> -> memref<1x32x128xf32, #tpu.memory_space<vmem>>
          %dma_wait3A_671 = tpu.memref_squeeze %dma_wait3A_670 : memref<1x32x128xf32, #tpu.memory_space<vmem>> -> memref<32x128xf32, #tpu.memory_space<vmem>>
          tpu.wait_dma2 semaphore(%arg39 : memref<!tpu.dma_semaphore, #tpu.memory_space<semaphore_mem>>) src(%dma_wait3A_671 : memref<32x128xf32, #tpu.memory_space<vmem>>) dst(%dma_wait3A_667 : memref<32x128xf32, #tpu.memory_space<hbm>>)
        } else {
        }
        %mul3A_646 = arith.constant 32 : i32
        %mul3A_647 = arith.muli %add3A_516, %mul3A_646 : i32
        %dma_start3A_648 = arith.constant 4 : i32
        %dma_start3A_649 = arith.constant 0 : i32
        %dma_start3A_650 = arith.constant 0 : i32
        %dma_start3A_651 = tpu.memref_slice %arg19[%dma_start3A_648, %dma_start3A_649, %dma_start3A_650] : memref<5x32x128xf32, #tpu.memory_space<vmem>> -> memref<1x32x128xf32, #tpu.memory_space<vmem>>
        %dma_start3A_652 = tpu.memref_squeeze %dma_start3A_651 : memref<1x32x128xf32, #tpu.memory_space<vmem>> -> memref<32x128xf32, #tpu.memory_space<vmem>>
        %dma_start3A_653 = tpu.memref_slice %arg15[%mul3A_647] : memref<1600xi32, #tpu.memory_space<vmem>> -> memref<32xi32, #tpu.memory_space<vmem>>
        %dma_start3A_654 = arith.constant 0 : i32
        %dma_start3A_655 = arith.constant 0 : i32
        %dma_start3A_656 = tpu.memref_slice %arg9[%dma_start3A_654, %dma_start3A_655] : memref<50x128xf32, #tpu.memory_space<hbm>> -> memref<50x128xf32, #tpu.memory_space<hbm>>
        tpu.enqueue_indirect_dma source(%dma_start3A_656 : memref<50x128xf32, #tpu.memory_space<hbm>>) target(%dma_start3A_652 : memref<32x128xf32, #tpu.memory_space<vmem>>) offsets(%dma_start3A_653 : memref<32xi32, #tpu.memory_space<vmem>>) semaphore(%arg34 : memref<!tpu.dma_semaphore, #tpu.memory_space<semaphore_mem>>)
      } else {
      }
      %add3A_522 = arith.constant 2 : i32
      %add3A_523 = arith.addi %mul3A_444, %add3A_522 : i32
      %dma_wait3A_524 = arith.constant 2 : i32
      %dma_wait3A_525 = arith.constant 0 : i32
      %dma_wait3A_526 = arith.constant 0 : i32
      %dma_wait3A_527 = tpu.memref_slice %arg19[%dma_wait3A_524, %dma_wait3A_525, %dma_wait3A_526] : memref<5x32x128xf32, #tpu.memory_space<vmem>> -> memref<1x32x128xf32, #tpu.memory_space<vmem>>
      %dma_wait3A_528 = tpu.memref_squeeze %dma_wait3A_527 : memref<1x32x128xf32, #tpu.memory_space<vmem>> -> memref<32x128xf32, #tpu.memory_space<vmem>>
      %dma_wait3A_529 = arith.constant 0 : i32
      %dma_wait3A_530 = arith.constant 0 : i32
      %dma_wait3A_531 = tpu.memref_slice %arg11[%dma_wait3A_529, %dma_wait3A_530] : memref<51200x128xf32, #tpu.memory_space<hbm>> -> memref<32x128xf32, #tpu.memory_space<hbm>>
      %dma_wait3A_532 = arith.constant 0 : i32
      %dma_wait3A_533 = arith.constant 0 : i32
      %dma_wait3A_534 = tpu.memref_slice %arg19[%dma_wait3A_524, %dma_wait3A_532, %dma_wait3A_533] : memref<5x32x128xf32, #tpu.memory_space<vmem>> -> memref<1x32x128xf32, #tpu.memory_space<vmem>>
      %dma_wait3A_535 = tpu.memref_squeeze %dma_wait3A_534 : memref<1x32x128xf32, #tpu.memory_space<vmem>> -> memref<32x128xf32, #tpu.memory_space<vmem>>
      %dma_wait3A_536 = arith.constant 0 : i32
      %dma_wait3A_537 = arith.constant 0 : i32
      %dma_wait3A_538 = tpu.memref_slice %arg11[%dma_wait3A_536, %dma_wait3A_537] : memref<51200x128xf32, #tpu.memory_space<hbm>> -> memref<32x128xf32, #tpu.memory_space<hbm>>
      tpu.wait_dma2 semaphore(%arg32 : memref<!tpu.dma_semaphore, #tpu.memory_space<semaphore_mem>>) src(%dma_wait3A_538 : memref<32x128xf32, #tpu.memory_space<hbm>>) dst(%dma_wait3A_535 : memref<32x128xf32, #tpu.memory_space<vmem>>)
      %mul3A_539 = arith.constant 32 : i32
      %mul3A_540 = arith.muli %add3A_523, %mul3A_539 : i32
      %add3A_541 = arith.addi %mul3A_12, %mul3A_540 : i32
      %dma_start3A_542 = arith.constant 2 : i32
      %dma_start3A_543 = arith.constant 0 : i32
      %dma_start3A_544 = arith.constant 0 : i32
      %dma_start3A_545 = tpu.memref_slice %arg19[%dma_start3A_542, %dma_start3A_543, %dma_start3A_544] : memref<5x32x128xf32, #tpu.memory_space<vmem>> -> memref<1x32x128xf32, #tpu.memory_space<vmem>>
      %dma_start3A_546 = tpu.memref_squeeze %dma_start3A_545 : memref<1x32x128xf32, #tpu.memory_space<vmem>> -> memref<32x128xf32, #tpu.memory_space<vmem>>
      %dma_start3A_547 = arith.constant 0 : i32
      %dma_start3A_548 = tpu.memref_slice %arg11[%add3A_541, %dma_start3A_547] : memref<51200x128xf32, #tpu.memory_space<hbm>> -> memref<32x128xf32, #tpu.memory_space<hbm>>
      %dma_start3A_549 = arith.constant 0 : i32
      %dma_start3A_550 = tpu.memref_slice %arg11[%add3A_541, %dma_start3A_549] : memref<51200x128xf32, #tpu.memory_space<hbm>> -> memref<32x128xf32, #tpu.memory_space<hbm>>
      %dma_start3A_551 = arith.constant 0 : i32
      %dma_start3A_552 = arith.constant 0 : i32
      %dma_start3A_553 = tpu.memref_slice %arg19[%dma_start3A_542, %dma_start3A_551, %dma_start3A_552] : memref<5x32x128xf32, #tpu.memory_space<vmem>> -> memref<1x32x128xf32, #tpu.memory_space<vmem>>
      %dma_start3A_554 = tpu.memref_squeeze %dma_start3A_553 : memref<1x32x128xf32, #tpu.memory_space<vmem>> -> memref<32x128xf32, #tpu.memory_space<vmem>>
      tpu.enqueue_dma source(%dma_start3A_554 : memref<32x128xf32, #tpu.memory_space<vmem>>) target(%dma_start3A_550 : memref<32x128xf32, #tpu.memory_space<hbm>>) target_semaphore(%arg37 : memref<!tpu.dma_semaphore, #tpu.memory_space<semaphore_mem>>)
      %add3A_555 = arith.constant 3 : i32
      %add3A_556 = arith.addi %add3A_523, %add3A_555 : i32
      %lt3A_557 = arith.constant 50 : i32
      %lt3A_558 = arith.cmpi slt, %add3A_556, %lt3A_557 : i32
      %convert_element_type3A_559 = arith.extui %lt3A_558 : i1 to i32
      %cond3A_560 = arith.constant 0 : i32
      %cond3A_561 = arith.cmpi ne, %convert_element_type3A_559, %cond3A_560 : i32
      scf.if %cond3A_561 {
        %ge3A = arith.constant 5 : i32
        %ge3A_642 = arith.cmpi sge, %add3A_556, %ge3A : i32
        %convert_element_type3A_643 = arith.extui %ge3A_642 : i1 to i32
        %cond3A_644 = arith.constant 0 : i32
        %cond3A_645 = arith.cmpi ne, %convert_element_type3A_643, %cond3A_644 : i32
        scf.if %cond3A_645 {
          %dma_wait3A_657 = arith.constant 0 : i32
          %dma_wait3A_658 = arith.constant 0 : i32
          %dma_wait3A_659 = arith.constant 0 : i32
          %dma_wait3A_660 = tpu.memref_slice %arg19[%dma_wait3A_657, %dma_wait3A_658, %dma_wait3A_659] : memref<5x32x128xf32, #tpu.memory_space<vmem>> -> memref<1x32x128xf32, #tpu.memory_space<vmem>>
          %dma_wait3A_661 = tpu.memref_squeeze %dma_wait3A_660 : memref<1x32x128xf32, #tpu.memory_space<vmem>> -> memref<32x128xf32, #tpu.memory_space<vmem>>
          %dma_wait3A_662 = arith.constant 0 : i32
          %dma_wait3A_663 = arith.constant 0 : i32
          %dma_wait3A_664 = tpu.memref_slice %arg11[%dma_wait3A_662, %dma_wait3A_663] : memref<51200x128xf32, #tpu.memory_space<hbm>> -> memref<32x128xf32, #tpu.memory_space<hbm>>
          %dma_wait3A_665 = arith.constant 0 : i32
          %dma_wait3A_666 = arith.constant 0 : i32
          %dma_wait3A_667 = tpu.memref_slice %arg11[%dma_wait3A_665, %dma_wait3A_666] : memref<51200x128xf32, #tpu.memory_space<hbm>> -> memref<32x128xf32, #tpu.memory_space<hbm>>
          %dma_wait3A_668 = arith.constant 0 : i32
          %dma_wait3A_669 = arith.constant 0 : i32
          %dma_wait3A_670 = tpu.memref_slice %arg19[%dma_wait3A_657, %dma_wait3A_668, %dma_wait3A_669] : memref<5x32x128xf32, #tpu.memory_space<vmem>> -> memref<1x32x128xf32, #tpu.memory_space<vmem>>
          %dma_wait3A_671 = tpu.memref_squeeze %dma_wait3A_670 : memref<1x32x128xf32, #tpu.memory_space<vmem>> -> memref<32x128xf32, #tpu.memory_space<vmem>>
          tpu.wait_dma2 semaphore(%arg35 : memref<!tpu.dma_semaphore, #tpu.memory_space<semaphore_mem>>) src(%dma_wait3A_671 : memref<32x128xf32, #tpu.memory_space<vmem>>) dst(%dma_wait3A_667 : memref<32x128xf32, #tpu.memory_space<hbm>>)
        } else {
        }
        %mul3A_646 = arith.constant 32 : i32
        %mul3A_647 = arith.muli %add3A_556, %mul3A_646 : i32
        %dma_start3A_648 = arith.constant 0 : i32
        %dma_start3A_649 = arith.constant 0 : i32
        %dma_start3A_650 = arith.constant 0 : i32
        %dma_start3A_651 = tpu.memref_slice %arg19[%dma_start3A_648, %dma_start3A_649, %dma_start3A_650] : memref<5x32x128xf32, #tpu.memory_space<vmem>> -> memref<1x32x128xf32, #tpu.memory_space<vmem>>
        %dma_start3A_652 = tpu.memref_squeeze %dma_start3A_651 : memref<1x32x128xf32, #tpu.memory_space<vmem>> -> memref<32x128xf32, #tpu.memory_space<vmem>>
        %dma_start3A_653 = tpu.memref_slice %arg15[%mul3A_647] : memref<1600xi32, #tpu.memory_space<vmem>> -> memref<32xi32, #tpu.memory_space<vmem>>
        %dma_start3A_654 = arith.constant 0 : i32
        %dma_start3A_655 = arith.constant 0 : i32
        %dma_start3A_656 = tpu.memref_slice %arg9[%dma_start3A_654, %dma_start3A_655] : memref<50x128xf32, #tpu.memory_space<hbm>> -> memref<50x128xf32, #tpu.memory_space<hbm>>
        tpu.enqueue_indirect_dma source(%dma_start3A_656 : memref<50x128xf32, #tpu.memory_space<hbm>>) target(%dma_start3A_652 : memref<32x128xf32, #tpu.memory_space<vmem>>) offsets(%dma_start3A_653 : memref<32xi32, #tpu.memory_space<vmem>>) semaphore(%arg30 : memref<!tpu.dma_semaphore, #tpu.memory_space<semaphore_mem>>)
      } else {
      }
      %add3A_562 = arith.constant 3 : i32
      %add3A_563 = arith.addi %mul3A_444, %add3A_562 : i32
      %dma_wait3A_564 = arith.constant 3 : i32
      %dma_wait3A_565 = arith.constant 0 : i32
      %dma_wait3A_566 = arith.constant 0 : i32
      %dma_wait3A_567 = tpu.memref_slice %arg19[%dma_wait3A_564, %dma_wait3A_565, %dma_wait3A_566] : memref<5x32x128xf32, #tpu.memory_space<vmem>> -> memref<1x32x128xf32, #tpu.memory_space<vmem>>
      %dma_wait3A_568 = tpu.memref_squeeze %dma_wait3A_567 : memref<1x32x128xf32, #tpu.memory_space<vmem>> -> memref<32x128xf32, #tpu.memory_space<vmem>>
      %dma_wait3A_569 = arith.constant 0 : i32
      %dma_wait3A_570 = arith.constant 0 : i32
      %dma_wait3A_571 = tpu.memref_slice %arg11[%dma_wait3A_569, %dma_wait3A_570] : memref<51200x128xf32, #tpu.memory_space<hbm>> -> memref<32x128xf32, #tpu.memory_space<hbm>>
      %dma_wait3A_572 = arith.constant 0 : i32
      %dma_wait3A_573 = arith.constant 0 : i32
      %dma_wait3A_574 = tpu.memref_slice %arg19[%dma_wait3A_564, %dma_wait3A_572, %dma_wait3A_573] : memref<5x32x128xf32, #tpu.memory_space<vmem>> -> memref<1x32x128xf32, #tpu.memory_space<vmem>>
      %dma_wait3A_575 = tpu.memref_squeeze %dma_wait3A_574 : memref<1x32x128xf32, #tpu.memory_space<vmem>> -> memref<32x128xf32, #tpu.memory_space<vmem>>
      %dma_wait3A_576 = arith.constant 0 : i32
      %dma_wait3A_577 = arith.constant 0 : i32
      %dma_wait3A_578 = tpu.memref_slice %arg11[%dma_wait3A_576, %dma_wait3A_577] : memref<51200x128xf32, #tpu.memory_space<hbm>> -> memref<32x128xf32, #tpu.memory_space<hbm>>
      tpu.wait_dma2 semaphore(%arg33 : memref<!tpu.dma_semaphore, #tpu.memory_space<semaphore_mem>>) src(%dma_wait3A_578 : memref<32x128xf32, #tpu.memory_space<hbm>>) dst(%dma_wait3A_575 : memref<32x128xf32, #tpu.memory_space<vmem>>)
      %mul3A_579 = arith.constant 32 : i32
      %mul3A_580 = arith.muli %add3A_563, %mul3A_579 : i32
      %add3A_581 = arith.addi %mul3A_12, %mul3A_580 : i32
      %dma_start3A_582 = arith.constant 3 : i32
      %dma_start3A_583 = arith.constant 0 : i32
      %dma_start3A_584 = arith.constant 0 : i32
      %dma_start3A_585 = tpu.memref_slice %arg19[%dma_start3A_582, %dma_start3A_583, %dma_start3A_584] : memref<5x32x128xf32, #tpu.memory_space<vmem>> -> memref<1x32x128xf32, #tpu.memory_space<vmem>>
      %dma_start3A_586 = tpu.memref_squeeze %dma_start3A_585 : memref<1x32x128xf32, #tpu.memory_space<vmem>> -> memref<32x128xf32, #tpu.memory_space<vmem>>
      %dma_start3A_587 = arith.constant 0 : i32
      %dma_start3A_588 = tpu.memref_slice %arg11[%add3A_581, %dma_start3A_587] : memref<51200x128xf32, #tpu.memory_space<hbm>> -> memref<32x128xf32, #tpu.memory_space<hbm>>
      %dma_start3A_589 = arith.constant 0 : i32
      %dma_start3A_590 = tpu.memref_slice %arg11[%add3A_581, %dma_start3A_589] : memref<51200x128xf32, #tpu.memory_space<hbm>> -> memref<32x128xf32, #tpu.memory_space<hbm>>
      %dma_start3A_591 = arith.constant 0 : i32
      %dma_start3A_592 = arith.constant 0 : i32
      %dma_start3A_593 = tpu.memref_slice %arg19[%dma_start3A_582, %dma_start3A_591, %dma_start3A_592] : memref<5x32x128xf32, #tpu.memory_space<vmem>> -> memref<1x32x128xf32, #tpu.memory_space<vmem>>
      %dma_start3A_594 = tpu.memref_squeeze %dma_start3A_593 : memref<1x32x128xf32, #tpu.memory_space<vmem>> -> memref<32x128xf32, #tpu.memory_space<vmem>>
      tpu.enqueue_dma source(%dma_start3A_594 : memref<32x128xf32, #tpu.memory_space<vmem>>) target(%dma_start3A_590 : memref<32x128xf32, #tpu.memory_space<hbm>>) target_semaphore(%arg38 : memref<!tpu.dma_semaphore, #tpu.memory_space<semaphore_mem>>)
      %add3A_595 = arith.constant 3 : i32
      %add3A_596 = arith.addi %add3A_563, %add3A_595 : i32
      %lt3A_597 = arith.constant 50 : i32
      %lt3A_598 = arith.cmpi slt, %add3A_596, %lt3A_597 : i32
      %convert_element_type3A_599 = arith.extui %lt3A_598 : i1 to i32
      %cond3A_600 = arith.constant 0 : i32
      %cond3A_601 = arith.cmpi ne, %convert_element_type3A_599, %cond3A_600 : i32
      scf.if %cond3A_601 {
        %ge3A = arith.constant 5 : i32
        %ge3A_642 = arith.cmpi sge, %add3A_596, %ge3A : i32
        %convert_element_type3A_643 = arith.extui %ge3A_642 : i1 to i32
        %cond3A_644 = arith.constant 0 : i32
        %cond3A_645 = arith.cmpi ne, %convert_element_type3A_643, %cond3A_644 : i32
        scf.if %cond3A_645 {
          %dma_wait3A_657 = arith.constant 1 : i32
          %dma_wait3A_658 = arith.constant 0 : i32
          %dma_wait3A_659 = arith.constant 0 : i32
          %dma_wait3A_660 = tpu.memref_slice %arg19[%dma_wait3A_657, %dma_wait3A_658, %dma_wait3A_659] : memref<5x32x128xf32, #tpu.memory_space<vmem>> -> memref<1x32x128xf32, #tpu.memory_space<vmem>>
          %dma_wait3A_661 = tpu.memref_squeeze %dma_wait3A_660 : memref<1x32x128xf32, #tpu.memory_space<vmem>> -> memref<32x128xf32, #tpu.memory_space<vmem>>
          %dma_wait3A_662 = arith.constant 0 : i32
          %dma_wait3A_663 = arith.constant 0 : i32
          %dma_wait3A_664 = tpu.memref_slice %arg11[%dma_wait3A_662, %dma_wait3A_663] : memref<51200x128xf32, #tpu.memory_space<hbm>> -> memref<32x128xf32, #tpu.memory_space<hbm>>
          %dma_wait3A_665 = arith.constant 0 : i32
          %dma_wait3A_666 = arith.constant 0 : i32
          %dma_wait3A_667 = tpu.memref_slice %arg11[%dma_wait3A_665, %dma_wait3A_666] : memref<51200x128xf32, #tpu.memory_space<hbm>> -> memref<32x128xf32, #tpu.memory_space<hbm>>
          %dma_wait3A_668 = arith.constant 0 : i32
          %dma_wait3A_669 = arith.constant 0 : i32
          %dma_wait3A_670 = tpu.memref_slice %arg19[%dma_wait3A_657, %dma_wait3A_668, %dma_wait3A_669] : memref<5x32x128xf32, #tpu.memory_space<vmem>> -> memref<1x32x128xf32, #tpu.memory_space<vmem>>
          %dma_wait3A_671 = tpu.memref_squeeze %dma_wait3A_670 : memref<1x32x128xf32, #tpu.memory_space<vmem>> -> memref<32x128xf32, #tpu.memory_space<vmem>>
          tpu.wait_dma2 semaphore(%arg36 : memref<!tpu.dma_semaphore, #tpu.memory_space<semaphore_mem>>) src(%dma_wait3A_671 : memref<32x128xf32, #tpu.memory_space<vmem>>) dst(%dma_wait3A_667 : memref<32x128xf32, #tpu.memory_space<hbm>>)
        } else {
        }
        %mul3A_646 = arith.constant 32 : i32
        %mul3A_647 = arith.muli %add3A_596, %mul3A_646 : i32
        %dma_start3A_648 = arith.constant 1 : i32
        %dma_start3A_649 = arith.constant 0 : i32
        %dma_start3A_650 = arith.constant 0 : i32
        %dma_start3A_651 = tpu.memref_slice %arg19[%dma_start3A_648, %dma_start3A_649, %dma_start3A_650] : memref<5x32x128xf32, #tpu.memory_space<vmem>> -> memref<1x32x128xf32, #tpu.memory_space<vmem>>
        %dma_start3A_652 = tpu.memref_squeeze %dma_start3A_651 : memref<1x32x128xf32, #tpu.memory_space<vmem>> -> memref<32x128xf32, #tpu.memory_space<vmem>>
        %dma_start3A_653 = tpu.memref_slice %arg15[%mul3A_647] : memref<1600xi32, #tpu.memory_space<vmem>> -> memref<32xi32, #tpu.memory_space<vmem>>
        %dma_start3A_654 = arith.constant 0 : i32
        %dma_start3A_655 = arith.constant 0 : i32
        %dma_start3A_656 = tpu.memref_slice %arg9[%dma_start3A_654, %dma_start3A_655] : memref<50x128xf32, #tpu.memory_space<hbm>> -> memref<50x128xf32, #tpu.memory_space<hbm>>
        tpu.enqueue_indirect_dma source(%dma_start3A_656 : memref<50x128xf32, #tpu.memory_space<hbm>>) target(%dma_start3A_652 : memref<32x128xf32, #tpu.memory_space<vmem>>) offsets(%dma_start3A_653 : memref<32xi32, #tpu.memory_space<vmem>>) semaphore(%arg31 : memref<!tpu.dma_semaphore, #tpu.memory_space<semaphore_mem>>)
      } else {
      }
      %add3A_602 = arith.constant 4 : i32
      %add3A_603 = arith.addi %mul3A_444, %add3A_602 : i32
      %dma_wait3A_604 = arith.constant 4 : i32
      %dma_wait3A_605 = arith.constant 0 : i32
      %dma_wait3A_606 = arith.constant 0 : i32
      %dma_wait3A_607 = tpu.memref_slice %arg19[%dma_wait3A_604, %dma_wait3A_605, %dma_wait3A_606] : memref<5x32x128xf32, #tpu.memory_space<vmem>> -> memref<1x32x128xf32, #tpu.memory_space<vmem>>
      %dma_wait3A_608 = tpu.memref_squeeze %dma_wait3A_607 : memref<1x32x128xf32, #tpu.memory_space<vmem>> -> memref<32x128xf32, #tpu.memory_space<vmem>>
      %dma_wait3A_609 = arith.constant 0 : i32
      %dma_wait3A_610 = arith.constant 0 : i32
      %dma_wait3A_611 = tpu.memref_slice %arg11[%dma_wait3A_609, %dma_wait3A_610] : memref<51200x128xf32, #tpu.memory_space<hbm>> -> memref<32x128xf32, #tpu.memory_space<hbm>>
      %dma_wait3A_612 = arith.constant 0 : i32
      %dma_wait3A_613 = arith.constant 0 : i32
      %dma_wait3A_614 = tpu.memref_slice %arg19[%dma_wait3A_604, %dma_wait3A_612, %dma_wait3A_613] : memref<5x32x128xf32, #tpu.memory_space<vmem>> -> memref<1x32x128xf32, #tpu.memory_space<vmem>>
      %dma_wait3A_615 = tpu.memref_squeeze %dma_wait3A_614 : memref<1x32x128xf32, #tpu.memory_space<vmem>> -> memref<32x128xf32, #tpu.memory_space<vmem>>
      %dma_wait3A_616 = arith.constant 0 : i32
      %dma_wait3A_617 = arith.constant 0 : i32
      %dma_wait3A_618 = tpu.memref_slice %arg11[%dma_wait3A_616, %dma_wait3A_617] : memref<51200x128xf32, #tpu.memory_space<hbm>> -> memref<32x128xf32, #tpu.memory_space<hbm>>
      tpu.wait_dma2 semaphore(%arg34 : memref<!tpu.dma_semaphore, #tpu.memory_space<semaphore_mem>>) src(%dma_wait3A_618 : memref<32x128xf32, #tpu.memory_space<hbm>>) dst(%dma_wait3A_615 : memref<32x128xf32, #tpu.memory_space<vmem>>)
      %mul3A_619 = arith.constant 32 : i32
      %mul3A_620 = arith.muli %add3A_603, %mul3A_619 : i32
      %add3A_621 = arith.addi %mul3A_12, %mul3A_620 : i32
      %dma_start3A_622 = arith.constant 4 : i32
      %dma_start3A_623 = arith.constant 0 : i32
      %dma_start3A_624 = arith.constant 0 : i32
      %dma_start3A_625 = tpu.memref_slice %arg19[%dma_start3A_622, %dma_start3A_623, %dma_start3A_624] : memref<5x32x128xf32, #tpu.memory_space<vmem>> -> memref<1x32x128xf32, #tpu.memory_space<vmem>>
      %dma_start3A_626 = tpu.memref_squeeze %dma_start3A_625 : memref<1x32x128xf32, #tpu.memory_space<vmem>> -> memref<32x128xf32, #tpu.memory_space<vmem>>
      %dma_start3A_627 = arith.constant 0 : i32
      %dma_start3A_628 = tpu.memref_slice %arg11[%add3A_621, %dma_start3A_627] : memref<51200x128xf32, #tpu.memory_space<hbm>> -> memref<32x128xf32, #tpu.memory_space<hbm>>
      %dma_start3A_629 = arith.constant 0 : i32
      %dma_start3A_630 = tpu.memref_slice %arg11[%add3A_621, %dma_start3A_629] : memref<51200x128xf32, #tpu.memory_space<hbm>> -> memref<32x128xf32, #tpu.memory_space<hbm>>
      %dma_start3A_631 = arith.constant 0 : i32
      %dma_start3A_632 = arith.constant 0 : i32
      %dma_start3A_633 = tpu.memref_slice %arg19[%dma_start3A_622, %dma_start3A_631, %dma_start3A_632] : memref<5x32x128xf32, #tpu.memory_space<vmem>> -> memref<1x32x128xf32, #tpu.memory_space<vmem>>
      %dma_start3A_634 = tpu.memref_squeeze %dma_start3A_633 : memref<1x32x128xf32, #tpu.memory_space<vmem>> -> memref<32x128xf32, #tpu.memory_space<vmem>>
      tpu.enqueue_dma source(%dma_start3A_634 : memref<32x128xf32, #tpu.memory_space<vmem>>) target(%dma_start3A_630 : memref<32x128xf32, #tpu.memory_space<hbm>>) target_semaphore(%arg39 : memref<!tpu.dma_semaphore, #tpu.memory_space<semaphore_mem>>)
      %add3A_635 = arith.constant 3 : i32
      %add3A_636 = arith.addi %add3A_603, %add3A_635 : i32
      %lt3A_637 = arith.constant 50 : i32
      %lt3A_638 = arith.cmpi slt, %add3A_636, %lt3A_637 : i32
      %convert_element_type3A_639 = arith.extui %lt3A_638 : i1 to i32
      %cond3A_640 = arith.constant 0 : i32
      %cond3A_641 = arith.cmpi ne, %convert_element_type3A_639, %cond3A_640 : i32
      scf.if %cond3A_641 {
        %ge3A = arith.constant 5 : i32
        %ge3A_642 = arith.cmpi sge, %add3A_636, %ge3A : i32
        %convert_element_type3A_643 = arith.extui %ge3A_642 : i1 to i32
        %cond3A_644 = arith.constant 0 : i32
        %cond3A_645 = arith.cmpi ne, %convert_element_type3A_643, %cond3A_644 : i32
        scf.if %cond3A_645 {
          %dma_wait3A_657 = arith.constant 2 : i32
          %dma_wait3A_658 = arith.constant 0 : i32
          %dma_wait3A_659 = arith.constant 0 : i32
          %dma_wait3A_660 = tpu.memref_slice %arg19[%dma_wait3A_657, %dma_wait3A_658, %dma_wait3A_659] : memref<5x32x128xf32, #tpu.memory_space<vmem>> -> memref<1x32x128xf32, #tpu.memory_space<vmem>>
          %dma_wait3A_661 = tpu.memref_squeeze %dma_wait3A_660 : memref<1x32x128xf32, #tpu.memory_space<vmem>> -> memref<32x128xf32, #tpu.memory_space<vmem>>
          %dma_wait3A_662 = arith.constant 0 : i32
          %dma_wait3A_663 = arith.constant 0 : i32
          %dma_wait3A_664 = tpu.memref_slice %arg11[%dma_wait3A_662, %dma_wait3A_663] : memref<51200x128xf32, #tpu.memory_space<hbm>> -> memref<32x128xf32, #tpu.memory_space<hbm>>
          %dma_wait3A_665 = arith.constant 0 : i32
          %dma_wait3A_666 = arith.constant 0 : i32
          %dma_wait3A_667 = tpu.memref_slice %arg11[%dma_wait3A_665, %dma_wait3A_666] : memref<51200x128xf32, #tpu.memory_space<hbm>> -> memref<32x128xf32, #tpu.memory_space<hbm>>
          %dma_wait3A_668 = arith.constant 0 : i32
          %dma_wait3A_669 = arith.constant 0 : i32
          %dma_wait3A_670 = tpu.memref_slice %arg19[%dma_wait3A_657, %dma_wait3A_668, %dma_wait3A_669] : memref<5x32x128xf32, #tpu.memory_space<vmem>> -> memref<1x32x128xf32, #tpu.memory_space<vmem>>
          %dma_wait3A_671 = tpu.memref_squeeze %dma_wait3A_670 : memref<1x32x128xf32, #tpu.memory_space<vmem>> -> memref<32x128xf32, #tpu.memory_space<vmem>>
          tpu.wait_dma2 semaphore(%arg37 : memref<!tpu.dma_semaphore, #tpu.memory_space<semaphore_mem>>) src(%dma_wait3A_671 : memref<32x128xf32, #tpu.memory_space<vmem>>) dst(%dma_wait3A_667 : memref<32x128xf32, #tpu.memory_space<hbm>>)
        } else {
        }
        %mul3A_646 = arith.constant 32 : i32
        %mul3A_647 = arith.muli %add3A_636, %mul3A_646 : i32
        %dma_start3A_648 = arith.constant 2 : i32
        %dma_start3A_649 = arith.constant 0 : i32
        %dma_start3A_650 = arith.constant 0 : i32
        %dma_start3A_651 = tpu.memref_slice %arg19[%dma_start3A_648, %dma_start3A_649, %dma_start3A_650] : memref<5x32x128xf32, #tpu.memory_space<vmem>> -> memref<1x32x128xf32, #tpu.memory_space<vmem>>
        %dma_start3A_652 = tpu.memref_squeeze %dma_start3A_651 : memref<1x32x128xf32, #tpu.memory_space<vmem>> -> memref<32x128xf32, #tpu.memory_space<vmem>>
        %dma_start3A_653 = tpu.memref_slice %arg15[%mul3A_647] : memref<1600xi32, #tpu.memory_space<vmem>> -> memref<32xi32, #tpu.memory_space<vmem>>
        %dma_start3A_654 = arith.constant 0 : i32
        %dma_start3A_655 = arith.constant 0 : i32
        %dma_start3A_656 = tpu.memref_slice %arg9[%dma_start3A_654, %dma_start3A_655] : memref<50x128xf32, #tpu.memory_space<hbm>> -> memref<50x128xf32, #tpu.memory_space<hbm>>
        tpu.enqueue_indirect_dma source(%dma_start3A_656 : memref<50x128xf32, #tpu.memory_space<hbm>>) target(%dma_start3A_652 : memref<32x128xf32, #tpu.memory_space<vmem>>) offsets(%dma_start3A_653 : memref<32xi32, #tpu.memory_space<vmem>>) semaphore(%arg32 : memref<!tpu.dma_semaphore, #tpu.memory_space<semaphore_mem>>)
      } else {
      }
    }
    %scan3A_366 = arith.constant 10 : i32
    %dma_wait3A_367 = arith.constant 0 : i32
    %dma_wait3A_368 = arith.constant 0 : i32
    %dma_wait3A_369 = arith.constant 0 : i32
    %dma_wait3A_370 = tpu.memref_slice %arg19[%dma_wait3A_367, %dma_wait3A_368, %dma_wait3A_369] : memref<5x32x128xf32, #tpu.memory_space<vmem>> -> memref<1x32x128xf32, #tpu.memory_space<vmem>>
    %dma_wait3A_371 = tpu.memref_squeeze %dma_wait3A_370 : memref<1x32x128xf32, #tpu.memory_space<vmem>> -> memref<32x128xf32, #tpu.memory_space<vmem>>
    %dma_wait3A_372 = arith.constant 0 : i32
    %dma_wait3A_373 = arith.constant 0 : i32
    %dma_wait3A_374 = tpu.memref_slice %arg11[%dma_wait3A_372, %dma_wait3A_373] : memref<51200x128xf32, #tpu.memory_space<hbm>> -> memref<32x128xf32, #tpu.memory_space<hbm>>
    %dma_wait3A_375 = arith.constant 0 : i32
    %dma_wait3A_376 = arith.constant 0 : i32
    %dma_wait3A_377 = tpu.memref_slice %arg11[%dma_wait3A_375, %dma_wait3A_376] : memref<51200x128xf32, #tpu.memory_space<hbm>> -> memref<32x128xf32, #tpu.memory_space<hbm>>
    %dma_wait3A_378 = arith.constant 0 : i32
    %dma_wait3A_379 = arith.constant 0 : i32
    %dma_wait3A_380 = tpu.memref_slice %arg19[%dma_wait3A_367, %dma_wait3A_378, %dma_wait3A_379] : memref<5x32x128xf32, #tpu.memory_space<vmem>> -> memref<1x32x128xf32, #tpu.memory_space<vmem>>
    %dma_wait3A_381 = tpu.memref_squeeze %dma_wait3A_380 : memref<1x32x128xf32, #tpu.memory_space<vmem>> -> memref<32x128xf32, #tpu.memory_space<vmem>>
    tpu.wait_dma2 semaphore(%arg35 : memref<!tpu.dma_semaphore, #tpu.memory_space<semaphore_mem>>) src(%dma_wait3A_381 : memref<32x128xf32, #tpu.memory_space<vmem>>) dst(%dma_wait3A_377 : memref<32x128xf32, #tpu.memory_space<hbm>>)
    %dma_wait3A_382 = arith.constant 1 : i32
    %dma_wait3A_383 = arith.constant 0 : i32
    %dma_wait3A_384 = arith.constant 0 : i32
    %dma_wait3A_385 = tpu.memref_slice %arg19[%dma_wait3A_382, %dma_wait3A_383, %dma_wait3A_384] : memref<5x32x128xf32, #tpu.memory_space<vmem>> -> memref<1x32x128xf32, #tpu.memory_space<vmem>>
    %dma_wait3A_386 = tpu.memref_squeeze %dma_wait3A_385 : memref<1x32x128xf32, #tpu.memory_space<vmem>> -> memref<32x128xf32, #tpu.memory_space<vmem>>
    %dma_wait3A_387 = arith.constant 0 : i32
    %dma_wait3A_388 = arith.constant 0 : i32
    %dma_wait3A_389 = tpu.memref_slice %arg11[%dma_wait3A_387, %dma_wait3A_388] : memref<51200x128xf32, #tpu.memory_space<hbm>> -> memref<32x128xf32, #tpu.memory_space<hbm>>
    %dma_wait3A_390 = arith.constant 0 : i32
    %dma_wait3A_391 = arith.constant 0 : i32
    %dma_wait3A_392 = tpu.memref_slice %arg11[%dma_wait3A_390, %dma_wait3A_391] : memref<51200x128xf32, #tpu.memory_space<hbm>> -> memref<32x128xf32, #tpu.memory_space<hbm>>
    %dma_wait3A_393 = arith.constant 0 : i32
    %dma_wait3A_394 = arith.constant 0 : i32
    %dma_wait3A_395 = tpu.memref_slice %arg19[%dma_wait3A_382, %dma_wait3A_393, %dma_wait3A_394] : memref<5x32x128xf32, #tpu.memory_space<vmem>> -> memref<1x32x128xf32, #tpu.memory_space<vmem>>
    %dma_wait3A_396 = tpu.memref_squeeze %dma_wait3A_395 : memref<1x32x128xf32, #tpu.memory_space<vmem>> -> memref<32x128xf32, #tpu.memory_space<vmem>>
    tpu.wait_dma2 semaphore(%arg36 : memref<!tpu.dma_semaphore, #tpu.memory_space<semaphore_mem>>) src(%dma_wait3A_396 : memref<32x128xf32, #tpu.memory_space<vmem>>) dst(%dma_wait3A_392 : memref<32x128xf32, #tpu.memory_space<hbm>>)
    %dma_wait3A_397 = arith.constant 2 : i32
    %dma_wait3A_398 = arith.constant 0 : i32
    %dma_wait3A_399 = arith.constant 0 : i32
    %dma_wait3A_400 = tpu.memref_slice %arg19[%dma_wait3A_397, %dma_wait3A_398, %dma_wait3A_399] : memref<5x32x128xf32, #tpu.memory_space<vmem>> -> memref<1x32x128xf32, #tpu.memory_space<vmem>>
    %dma_wait3A_401 = tpu.memref_squeeze %dma_wait3A_400 : memref<1x32x128xf32, #tpu.memory_space<vmem>> -> memref<32x128xf32, #tpu.memory_space<vmem>>
    %dma_wait3A_402 = arith.constant 0 : i32
    %dma_wait3A_403 = arith.constant 0 : i32
    %dma_wait3A_404 = tpu.memref_slice %arg11[%dma_wait3A_402, %dma_wait3A_403] : memref<51200x128xf32, #tpu.memory_space<hbm>> -> memref<32x128xf32, #tpu.memory_space<hbm>>
    %dma_wait3A_405 = arith.constant 0 : i32
    %dma_wait3A_406 = arith.constant 0 : i32
    %dma_wait3A_407 = tpu.memref_slice %arg11[%dma_wait3A_405, %dma_wait3A_406] : memref<51200x128xf32, #tpu.memory_space<hbm>> -> memref<32x128xf32, #tpu.memory_space<hbm>>
    %dma_wait3A_408 = arith.constant 0 : i32
    %dma_wait3A_409 = arith.constant 0 : i32
    %dma_wait3A_410 = tpu.memref_slice %arg19[%dma_wait3A_397, %dma_wait3A_408, %dma_wait3A_409] : memref<5x32x128xf32, #tpu.memory_space<vmem>> -> memref<1x32x128xf32, #tpu.memory_space<vmem>>
    %dma_wait3A_411 = tpu.memref_squeeze %dma_wait3A_410 : memref<1x32x128xf32, #tpu.memory_space<vmem>> -> memref<32x128xf32, #tpu.memory_space<vmem>>
    tpu.wait_dma2 semaphore(%arg37 : memref<!tpu.dma_semaphore, #tpu.memory_space<semaphore_mem>>) src(%dma_wait3A_411 : memref<32x128xf32, #tpu.memory_space<vmem>>) dst(%dma_wait3A_407 : memref<32x128xf32, #tpu.memory_space<hbm>>)
    %dma_wait3A_412 = arith.constant 3 : i32
    %dma_wait3A_413 = arith.constant 0 : i32
    %dma_wait3A_414 = arith.constant 0 : i32
    %dma_wait3A_415 = tpu.memref_slice %arg19[%dma_wait3A_412, %dma_wait3A_413, %dma_wait3A_414] : memref<5x32x128xf32, #tpu.memory_space<vmem>> -> memref<1x32x128xf32, #tpu.memory_space<vmem>>
    %dma_wait3A_416 = tpu.memref_squeeze %dma_wait3A_415 : memref<1x32x128xf32, #tpu.memory_space<vmem>> -> memref<32x128xf32, #tpu.memory_space<vmem>>
    %dma_wait3A_417 = arith.constant 0 : i32
    %dma_wait3A_418 = arith.constant 0 : i32
    %dma_wait3A_419 = tpu.memref_slice %arg11[%dma_wait3A_417, %dma_wait3A_418] : memref<51200x128xf32, #tpu.memory_space<hbm>> -> memref<32x128xf32, #tpu.memory_space<hbm>>
    %dma_wait3A_420 = arith.constant 0 : i32
    %dma_wait3A_421 = arith.constant 0 : i32
    %dma_wait3A_422 = tpu.memref_slice %arg11[%dma_wait3A_420, %dma_wait3A_421] : memref<51200x128xf32, #tpu.memory_space<hbm>> -> memref<32x128xf32, #tpu.memory_space<hbm>>
    %dma_wait3A_423 = arith.constant 0 : i32
    %dma_wait3A_424 = arith.constant 0 : i32
    %dma_wait3A_425 = tpu.memref_slice %arg19[%dma_wait3A_412, %dma_wait3A_423, %dma_wait3A_424] : memref<5x32x128xf32, #tpu.memory_space<vmem>> -> memref<1x32x128xf32, #tpu.memory_space<vmem>>
    %dma_wait3A_426 = tpu.memref_squeeze %dma_wait3A_425 : memref<1x32x128xf32, #tpu.memory_space<vmem>> -> memref<32x128xf32, #tpu.memory_space<vmem>>
    tpu.wait_dma2 semaphore(%arg38 : memref<!tpu.dma_semaphore, #tpu.memory_space<semaphore_mem>>) src(%dma_wait3A_426 : memref<32x128xf32, #tpu.memory_space<vmem>>) dst(%dma_wait3A_422 : memref<32x128xf32, #tpu.memory_space<hbm>>)
    %dma_wait3A_427 = arith.constant 4 : i32
    %dma_wait3A_428 = arith.constant 0 : i32
    %dma_wait3A_429 = arith.constant 0 : i32
    %dma_wait3A_430 = tpu.memref_slice %arg19[%dma_wait3A_427, %dma_wait3A_428, %dma_wait3A_429] : memref<5x32x128xf32, #tpu.memory_space<vmem>> -> memref<1x32x128xf32, #tpu.memory_space<vmem>>
    %dma_wait3A_431 = tpu.memref_squeeze %dma_wait3A_430 : memref<1x32x128xf32, #tpu.memory_space<vmem>> -> memref<32x128xf32, #tpu.memory_space<vmem>>
    %dma_wait3A_432 = arith.constant 0 : i32
    %dma_wait3A_433 = arith.constant 0 : i32
    %dma_wait3A_434 = tpu.memref_slice %arg11[%dma_wait3A_432, %dma_wait3A_433] : memref<51200x128xf32, #tpu.memory_space<hbm>> -> memref<32x128xf32, #tpu.memory_space<hbm>>
    %dma_wait3A_435 = arith.constant 0 : i32
    %dma_wait3A_436 = arith.constant 0 : i32
    %dma_wait3A_437 = tpu.memref_slice %arg11[%dma_wait3A_435, %dma_wait3A_436] : memref<51200x128xf32, #tpu.memory_space<hbm>> -> memref<32x128xf32, #tpu.memory_space<hbm>>
    %dma_wait3A_438 = arith.constant 0 : i32
    %dma_wait3A_439 = arith.constant 0 : i32
    %dma_wait3A_440 = tpu.memref_slice %arg19[%dma_wait3A_427, %dma_wait3A_438, %dma_wait3A_439] : memref<5x32x128xf32, #tpu.memory_space<vmem>> -> memref<1x32x128xf32, #tpu.memory_space<vmem>>
    %dma_wait3A_441 = tpu.memref_squeeze %dma_wait3A_440 : memref<1x32x128xf32, #tpu.memory_space<vmem>> -> memref<32x128xf32, #tpu.memory_space<vmem>>
    tpu.wait_dma2 semaphore(%arg39 : memref<!tpu.dma_semaphore, #tpu.memory_space<semaphore_mem>>) src(%dma_wait3A_441 : memref<32x128xf32, #tpu.memory_space<vmem>>) dst(%dma_wait3A_437 : memref<32x128xf32, #tpu.memory_space<hbm>>)
    return
  }
}

</mosaic_0001>

<sc_bundles>
// kernel: kernel.3.cloned.1.call-start
scs
__scs_entry_jumppad:
0x0: {  	(pc) =	sbr.rel $0x88, $3  }
0x1: {  	(tag) =	ssettag $0x0;
	lr =	simm.s32 $0x1  }
0x2: {  	[smem:$0x3F9B] =	sst lr;
	_ =	strace $0xD0000000  }
0x3: {  	_ = 	snop  }
0x4: {  	_ = 	snop  }
0x5: {  	_ = 	snop  }
0x6: {  	_ = 	snop  }
0x7: {  	_ = 	snop  }
__scs_overlays_trampoline_lowered:
0x8: {  	[smem:$0x3FAA] =	sst s0  }
0x9: {  	[smem:$0x3FAB] =	sst s1  }
0xa: {  	[smem:$0x3FAC] =	sst s2  }
0xb: {  	[smem:$0x3FAD] =	sst s3  }
0xc: {  	[smem:$0x3FAE] =	sst s4  }
0xd: {  	[smem:$0x3FAF] =	sst s5  }
0xe: {  	[smem:$0x3FB0] =	sst s6  }
0xf: {  	[smem:$0x3FB1] =	sst s7  }
0x10: {  	[smem:$0x3FB2] =	sst s8  }
0x11: {  	[smem:$0x3FB3] =	sst s9;
	s0 =	simm.s32 @!p0 $0x0  }
0x12: {  	s1 =	sld [smem:$0x3F99];
	s0 =	simm.s32 @p0 $0x1  }
0x13: {  	[smem:$0x3FB4] =	sst s0;
	s0 =	simm.s32 @!p1 $0x0  }
0x14: {  	s2 =	sld [smem:$0x3F98];
	s0 =	simm.s32 @p1 $0x1  }
0x15: {  	[smem:$0x3FB5] =	sst s0;
	s0 =	simm.s32 @!p2 $0x0  }
0x16: {  	s3 =	sld [smem:$0x3FDB];
	s0 =	simm.s32 @p2 $0x1  }
0x17: {  	s4 =	simm.s32 $0x1BF5;
	[smem:$0x3FB7] =	sst s0  }
0x18: {  	s0 =	sld [smem:$0x3F9A];
	_ =	swait.ge [sflag:s4], $0x0  }
0x19: {  	s7 =	sld [smem:$0x3F9B]  }
0x1a: {  	s8 =	sadd.s32 $0xFFFFE003, lr  }
0x1b: {  	s9 =	sadd.s32 $0xFFFFFEF7, lr;
	s5 =	simm.s32 $0xFFFFFFFF;
	p2 =	slt.u32 s8, $0xFFFFF086  }
0x1c: {  	p1 =	slt.u32 s9, $0xF7A;
	s5 =	simm.s32 @!p2 $0x0  }
0x1d: {  	s5 =	simm.s32 @p1 $0x1;
	p0 =	seq.s32 s7, s2  }
0x1e: {  	s7 =	smul.u32 @!p0 $0xF7A, s2;
	p2 =	seq.s32 @!p0 s5, $0x0  }
0x1f: {  	s9 =	smul.u32 $0xF7A, s1;
	s8 =	simm.s32 @!p0 $0x1BF5;
	p2 =	por !p2, p0  }
0x20: {  	[sflag:s8] =	ssyncset.s32 @!p0 $0xFFFFF086;
	s6 =	sadd.s32 @!p0 s3, s7;
	s7 =	simm.s32 @!p0 $0x108  }
0x21: {  	s3 =	sadd.s32 s3, s9;
	s6 =	sadd.s32 @!p0 $0x88, s6;
	s7 =	simm.s32 @p2 $0x1082  }
0x22: {  	[simem:s7], [sflag:s8] =	dma.local @!p0 [hbm:s6], $0xF7A  }
0x23: {  	s9 =	sor.u32 $0xD0000000, s2;
	s6 =	simm.s32 $0x108;
	_ =	swait.ge @!p0 [sflag:s8], $0x0  }
0x24: {  	s3 =	sadd.s32 $0x88, s3;
	s6 =	simm.s32 @!p1 $0x1082;
	[sflag:s4] =	ssyncset.s32 $0xFFFFF086  }
0x25: {  	[simem:s6], [sflag:s4] =	dma.local [hbm:s3], $0xF7A  }
0x26: {  	[smem:$0x3F9B] =	sst s1;
	(tag) =	ssettag s2;
	_ =	strace s9  }
0x27: {  	s1 =	sld [smem:$0x3FAB]  }
0x28: {  	s2 =	sld [smem:$0x3FAC]  }
0x29: {  	s4 =	sld [smem:$0x3FAE]  }
0x2a: {  	p0 =	seq.s32 s5, $0x0;
	s5 =	sld [smem:$0x3FAF]  }
0x2b: {  	s6 =	sld [smem:$0x3FB0]  }
0x2c: {  	s7 =	sld [smem:$0x3FB1]  }
0x2d: {  	s3 =	simm.s32 $0x108;
	s8 =	sld [smem:$0x3FB2]  }
0x2e: {  	s3 =	simm.s32 @!p0 $0x1082;
	s9 =	sld [smem:$0x3FB3]  }
0x2f: {  	lr =	sadd.s32 s0, s3;
	s0 =	sld [smem:$0x3FAA]  }
0x30: {  	s3 =	sld [smem:$0x3FAD]  }
0x31: {  	[smem:$0x3FB6] =	sst s10  }
0x32: {  	s10 =	sld [smem:$0x3FB4];
	_ =	sdelay $0x3  }
0x33: {  	p0 =	seq.s32 s10, $0x1;
	s10 =	sld [smem:$0x3FB6];
	_ =	sdelay $0x3  }
0x34: {  	[smem:$0x3FB6] =	sst s10  }
0x35: {  	s10 =	sld [smem:$0x3FB5];
	_ =	sdelay $0x3  }
0x36: {  	p1 =	seq.s32 s10, $0x1;
	s10 =	sld [smem:$0x3FB6];
	_ =	sdelay $0x3  }
0x37: {  	[smem:$0x3FB6] =	sst s10  }
0x38: {  	s10 =	sld [smem:$0x3FB7]  }
0x39: {  	_ = 	snop;
	(pc) =	sbr.ind lr, $3  }
0x3a: {  	_ = 	snop  }
0x3b: {  	_ = 	snop  }
0x3c: {  	p2 =	seq.s32 s10, $0x1;
	s10 =	sld [smem:$0x3FB6]  }
0x3d: {  	_ =	shalt  }
0x3e: {  	_ =	shalt  }
0x3f: {  	_ =	shalt  }
0x40: {  	_ =	shalt  }
0x41: {  	_ =	shalt  }
0x42: {  	_ =	shalt  }
0x43: {  	_ =	shalt  }
0x44: {  	_ =	shalt  }
0x45: {  	_ =	shalt  }
0x46: {  	_ =	shalt  }
0x47: {  	_ =	shalt  }
0x48: {  	_ =	shalt  }
0x49: {  	_ =	shalt  }
0x4a: {  	_ =	shalt  }
0x4b: {  	_ =	shalt  }
0x4c: {  	_ =	shalt  }
0x4d: {  	_ =	shalt  }
0x4e: {  	_ =	shalt  }
0x4f: {  	_ =	shalt  }
0x50: {  	_ =	shalt  }
0x51: {  	_ =	shalt  }
0x52: {  	_ =	shalt  }
0x53: {  	_ =	shalt  }
0x54: {  	_ =	shalt  }
0x55: {  	_ =	shalt  }
0x56: {  	_ =	shalt  }
0x57: {  	_ =	shalt  }
0x58: {  	_ =	shalt  }
0x59: {  	_ =	shalt  }
0x5a: {  	_ =	shalt  }
0x5b: {  	_ =	shalt  }
0x5c: {  	_ =	shalt  }
0x5d: {  	_ =	shalt  }
0x5e: {  	_ =	shalt  }
0x5f: {  	_ =	shalt  }
0x60: {  	_ =	shalt  }
0x61: {  	_ =	shalt  }
0x62: {  	_ =	shalt  }
0x63: {  	_ =	shalt  }
0x64: {  	_ =	shalt  }
0x65: {  	_ =	shalt  }
0x66: {  	_ =	shalt  }
0x67: {  	_ =	shalt  }
0x68: {  	_ =	shalt  }
0x69: {  	_ =	shalt  }
0x6a: {  	_ =	shalt  }
0x6b: {  	_ =	shalt  }
0x6c: {  	_ =	shalt  }
0x6d: {  	_ =	shalt  }
0x6e: {  	_ =	shalt  }
0x6f: {  	_ =	shalt  }
0x70: {  	_ =	shalt  }
0x71: {  	_ =	shalt  }
0x72: {  	_ =	shalt  }
0x73: {  	_ =	shalt  }
0x74: {  	_ =	shalt  }
0x75: {  	_ =	shalt  }
0x76: {  	_ =	shalt  }
0x77: {  	_ =	shalt  }
0x78: {  	_ =	shalt  }
0x79: {  	_ =	shalt  }
0x7a: {  	_ =	shalt  }
0x7b: {  	_ =	shalt  }
0x7c: {  	_ =	shalt  }
0x7d: {  	_ =	shalt  }
0x7e: {  	_ =	shalt  }
0x7f: {  	_ =	shalt  }
0x80: {  	_ =	shalt  }
0x81: {  	_ =	shalt  }
0x82: {  	_ =	shalt  }
0x83: {  	_ =	shalt  }
0x84: {  	_ =	shalt  }
0x85: {  	_ =	shalt  }
0x86: {  	_ =	shalt  }
0x87: {  	_ =	shalt  }
.Lfunc_end0:
.L_simem_size_0:
called_computation_lowered:
.L_overlay_start_0:
0x88: {  	s2 =	sld [smem:$0x3FD9]  }
0x89: {  	s3 =	sld [smem:$0x3FFE];
	_ =	sdelay $0x1  }
0x8a: {  	s1 =	srdreg.scid  }
0x8b: {  	s0 =	sand.u32 $0x1, s1  }
0x8c: {  	s14 =	sshll.u32 s0, $0xA;
	s2 =	sadd.s32 s3, s2  }
0x8d: {  	s2 =	sadd.s32 s2, s14  }
0x8e: {  	[smem:$0x3FC2] =	sst s2  }
0x8f: {  	_ = 	snop  }
0x90: {  	s2 =	sld [smem:$0x3FD0];
	_ =	sdelay $0x2  }
0x91: {  	s4 =	simm.s32 $0xA;
	s5 =	simm.s32 $0x10;
	s15 =	sld [smem:$0x3FC4]  }
0x92: {  	[smem:s5], [sflag:s4] =	dma.local [hbm:s2], $0x1  }
0x93: {  	_ =	swait.eq [sflag:s4], $0x1  }
0x94: {  	[sflag:s4] =	ssyncset.done $0x0  }
0x95: {  	s16 =	sld [smem:$0x10];
	[sflag:s4] =	ssyncadd.s32 $0xFFFFFFFF  }
0x96: {  	s17 =	sld [smem:$0x11];
	(tm) =	ssettm $0x1  }
0x97: {  	s18 =	sld [smem:$0x3FFB];
	_ =	sdelay $0x3  }
0x98: {  	_ =	strace s18  }
0x99: {  	s5 =	sld [smem:$0x3FFC];
	_ =	sdelay $0x3  }
0x9a: {  	_ =	strace s5  }
0x9b: {  	s5 =	sld [smem:$0x3FFD];
	_ =	sdelay $0x3  }
0x9c: {  	_ =	strace s5  }
0x9d: {  	_ =	strace $0x8FFFFFFF  }
0x9e: {  	s19 =	sld [smem:$0x3FDB];
	_ =	sdelay $0x1  }
0x9f: {  	s6 =	simm.s32 $_scs_section_size  }
0xa0: {  	s7 =	simm.s32 $_size__tile_overlayer_lowered;
	s8 =	simm.s32 $_tile_overlayer_lowered  }
0xa1: {  	s22 =	simm.s32 $0x1BFF;
	s21 =	sshll.u32 s8, $0x1;
	s5 =	sadd.s32 s6, s19  }
0xa2: {  	s9 =	simm.s32 $0x0;
	s20 =	sshll.u32 s7, $0x1;
	s7 =	sadd.s32 s21, s5  }
0xa3: {  	[timem:s9], [sflag:s22] =	dma.local [hbm:s7], s20  }
0xa4: {  	_ =	swait.ge [sflag:s22], s20  }
0xa5: {  	s6 =	ssub.s32 $0x0, s20;
	[sflag:s22] =	ssyncset.done $0x0  }
0xa6: {  	[sflag:s22] =	ssyncadd.s32 s6;
	_ =	sdelay $0x1  }
0xa7: {  	s23 =	simm.s32 $0x1B8B  }
0xa8: {  	_ =	swait.ge [sflag:s23], $0x1  }
0xa9: {  	[sflag:s23] =	ssyncset.done $0x0  }
0xaa: {  	s25 =	simm.s32 $0x1B8E;
	s24 =	sld [smem:$0x3FFE];
	[sflag:s23] =	ssyncadd.s32 $0xFFFFFFFF  }
0xab: {  	s26 =	simm.s32 $execute0_lowered;
	[smem:$0x3FD2] =	sst s25  }
0xac: {  	s7 =	sshll.u32 s26, $0x1;
	_ =	strace $0x80000046;
	[dreg:$0x1] =	wrdreg $0xFFFFFFFF  }
0xad: {  	s28 =	simm.s32 $_size_execute0_lowered;
	s5 =	sadd.s32 s5, s7;
	[dreg:$0x0] =	wrdreg $0x0  }
0xae: {  	s7 =	sshll.u32 s28, $0x1;
	[dreg:$0x2] =	wrdreg s5  }
0xaf: {  	[dreg:$0x3] =	wrdreg s7  }
0xb0: {  	[dreg:$0x4] =	wrdreg $0xC0  }
0xb1: {  	_ =	task [dreg:s9], $0x5FFFF  }
0xb2: {  	[dreg:$0x1] =	wrdreg $0xFFFFFFFF  }
0xb3: {  	[dreg:$0x0] =	wrdreg $0x60  }
0xb4: {  	[dreg:$0x2] =	wrdreg s24  }
0xb5: {  	[dreg:$0x3] =	wrdreg s15  }
0xb6: {  	[dreg:$0x4] =	wrdreg s16  }
0xb7: {  	[dreg:$0x5] =	wrdreg s17  }
0xb8: {  	[dreg:$0x6] =	wrdreg $0x9  }
0xb9: {  	_ =	task.clear_ibuf [dreg:s9], $0x7FFFF;
	_ =	strace $0x90000046  }
0xba: {  	s29 =	simm.s32 $0x9;
	_ =	strace $0x80000048  }
0xbb: {  	_ =	swait.ge [sflag:s29], $0x1  }
0xbc: {  	[sflag:s29] =	ssyncadd.s32 $0xFFFFFFFF  }
0xbd: {  	_ =	strace $0x90000048  }
0xbe: {  	_ =	sfence  }
0xbf: {  	s30 =	sld [smem:$0x0];
	_ =	sdelay $0x2  }
0xc0: {  	s31 =	sshll.u32 s1, $0xD;
	s1 =	sshrl.u32 s1, $0x2  }
0xc1: {  	s3 =	sand.u32 $0x4000, s31;
	s1 =	sadd.s32 s1, s30  }
0xc2: {  	s0 =	sor.u32 s3, s0;
	s1 =	sshll.u32 s1, $0x11  }
0xc3: {  	s0 =	sor.u32 s1, s0  }
0xc4: {  	s0 =	sadd.s32 $0x8F2B, s0  }
0xc5: {  	[sflag:s0] =	ssyncadd.remote.s32 $0x1  }
0xc6: {  	_ =	sfence.sel $0xFFFF  }
0xc7: {  	[dreg:$0x0] =	wrdreg $0xFFFFFFFF;
	(pc) =	sbr.abs _section_cstart, $3  }
0xc8: {  	[dreg:$0x1] =	wrdreg $0xFFFFFFFF  }
0xc9: {  	_ =	task.clear_ibuf [dreg:s9], $0x2FFFF;
	_ =	strace $0x9FFFFFFF  }
0xca: {  	(tm) =	ssettm $0x7FFFFFFF  }
0xcb: {  	_ =	shalt  }
tec
execute0_lowered:
.L_overlay_start_1:
0x0: {  	(tag) =	ssettag $0x1  }
0x1: {  	s15 =	stileid.u32  }
0x2: {  	s12 =	smul.u32 $0x32000, s15  }
0x3: {  	s14 =	smul.u32 $0x190000, s15  }
0x4: {  	s0 =	srdreg.scid;
	s17 =	smul.u32 $0xC80, s15  }
0x5: {  	s0 =	sand.u32 $0x1, s0;
	s23 =	smul.u32 $0x64000, s15  }
0x6: {  	s28 =	smul.u32 $0xC8000, s0  }
0x7: {  	s1 =	rddreg [dreg:$0x0];
	s31 =	smul.u32 $0x19000, s0  }
0x8: {  	s2 =	rddreg [dreg:$0x1];
	s19 =	smul.u32 $0x640, s0  }
0x9: {  	s7 =	rddreg [dreg:$0x2];
	s3 =	sshll.u32 s15, $0x1;
	s24 =	smul.u32 $0x32000, s0  }
0xa: {  	s3 =	sor.u32 s0, s3;
	s11 =	ssub.s32 $0x2, s0;
	s0 =	smul.u32 $0x6400, s0  }
0xb: {  	s8 =	rddreg [dreg:$0x3];
	s4 =	smul.u32 $0x1900, s3  }
0xc: {  	s6 =	sadd.s32 $0xD800, s1;
	s5 =	smul.u32 $0x640, s3;
	s3 =	simm.s32 $0x0  }
0xd: {  	s13 =	sshrl.u32 s11, $0x1;
	s20 =	sadd.s32 s12, s7;
	[smem:$0x7FF] =	sst s3  }
0xe: {  	s26 =	ssub.s32 s11, s13;
	s16 =	sadd.s32 s28, s14;
	s12 =	sadd.s32 s31, s20  }
0xf: {  	s22 =	sadd.s32 s19, s17;
	s28 =	sadd.s32 s24, s23;
	s24 =	simm.s32 $0x80  }
0x10: {  	s23 =	simm.s32 $0x9140;
	s4 =	sshrl.u32 s4, $0x3;
	s5 =	sshrl.u32 s5, $0x3  }
0x11: {  	s17 =	simm.s32 $0x16140;
	s9 =	sadd.s32 s4, s1;
	s10 =	sadd.s32 s5, s1  }
0x12: {  	s4 =	sadd.s32 $0xF51C00, s1;
	s5 =	sadd.s32 $0xE800, s1;
	s1 =	smax.u32 s26, $0x1  }
0x13: {  	_ =	strace $0x80000047;
	s29 =	sadd.s32 $0xF800, s9;
	[dreg:$0x9] =	wrdreg s1  }
0x14: {  	s19 =	simm.s32 $0x4;
	s30 =	sadd.s32 $0x7400, s9;
	[dreg:$0x5] =	wrdreg s29  }
0x15: {  	s20 =	simm.s32 $0x5;
	s9 =	sadd.s32 $0x1000, s9;
	[dreg:$0x6] =	wrdreg s30  }
0x16: {  	s18 =	sadd.s32 $0x10000, s16;
	s10 =	sadd.s32 $0x15C00, s10;
	[dreg:$0x7] =	wrdreg s9  }
0x17: {  	s26 =	smul.u32 $0xC800, s15;
	s1 =	sshll.u32 s22, $0x4;
	[dreg:$0x8] =	wrdreg s10  }
0x18: {  	s10 =	sshrl.u32 s18, $0x3;
	s9 =	sadd.s32 $0xC000, s16;
	s1 =	sadd.s32 s1, s8  }
0x19: {  	s29 =	sadd.s32 $0x4000, s28;
	s18 =	simm.s32 $0x3;
	s21 =	sadd.s32 s10, s7  }
0x1a: {  	s9 =	sshrl.u32 s9, $0x3;
	s25 =	sadd.s32 $0x400, s1;
	[dreg:$0xb] =	wrdreg s21  }
0x1b: {  	s1 =	sadd.s32 $0x200, s1;
	s30 =	sshrl.u32 s29, $0x3;
	[dreg:$0xd] =	wrdreg s25  }
0x1c: {  	s10 =	simm.s32 $0x20;
	s7 =	sadd.s32 s9, s7;
	[dreg:$0xe] =	wrdreg s1  }
0x1d: {  	s1 =	sadd.s32 $0x3000, s28;
	[dreg:$0xc] =	wrdreg s7;
	s7 =	sadd.s32 s26, s8  }
.Ltmp0:
0x1e: {  	s1 =	sshrl.u32 s1, $0x3;
	s0 =	sadd.s32 s0, s7;
	(pc) =	sbr.rel .LBB2_1-.Ltmp0, $4  }
0x1f: {  	s9 =	simm.s32 $0x40;
	s31 =	sadd.s32 s1, s8;
	[dreg:$0xf] =	wrdreg s0  }
0x20: {  	s21 =	simm.s32 $0x2;
	s1 =	smov.u32 s12;
	[dreg:$0x11] =	wrdreg s31  }
0x21: {  	s25 =	simm.s32 $0x8;
	s0 =	sadd.s32 s30, s8;
	[dreg:$0xa] =	wrdreg s1  }
0x22: {  	s7 =	simm.s32 $0x0;
	s8 =	simm.s32 $0x1;
	[dreg:$0x10] =	wrdreg s0  }
.LBB2_7:
0x23: {  	s0 =	simm.s32 $0x10  }
0x24: {  	_ =	swait.ge [sflag:s0], $0x1000  }
0x25: {  	[sflag:s0] =	ssyncset.done $0x0  }
0x26: {  	s28 =	simm.s32 $0x11;
	[sflag:s0] =	ssyncadd.s32 $0xFFFFF000  }
0x27: {  	_ =	swait.ge [sflag:s28], $0x1000  }
0x28: {  	[sflag:s28] =	ssyncset.done $0x0  }
0x29: {  	s29 =	simm.s32 $0x12;
	[sflag:s28] =	ssyncadd.s32 $0xFFFFF000  }
0x2a: {  	_ =	swait.ge [sflag:s29], $0x1000  }
0x2b: {  	[sflag:s29] =	ssyncset.done $0x0  }
0x2c: {  	s30 =	simm.s32 $0x13;
	[sflag:s29] =	ssyncadd.s32 $0xFFFFF000  }
0x2d: {  	_ =	swait.ge [sflag:s30], $0x1000  }
0x2e: {  	[sflag:s30] =	ssyncset.done $0x0  }
0x2f: {  	s1 =	simm.s32 $0x14;
	[sflag:s30] =	ssyncadd.s32 $0xFFFFF000  }
0x30: {  	_ =	swait.ge [sflag:s1], $0x1000  }
0x31: {  	s7 =	rddreg [dreg:$0x12]  }
0x32: {  	s31 =	rddreg [dreg:$0x9];
	s7 =	sadd.s32 $0x1, s7  }
0x33: {  	p0 =	sne.s32 s7, s31  }
.Ltmp1:
0x34: {  	_ = 	snop;
	(pc) =	sbr.rel @!p0 .LBB2_8-.Ltmp1, $3  }
0x35: {  	_ =	sdelay $0x1  }
0x36: {  	s23 =	simm.s32 $0x9140;
	[sflag:s1] =	ssyncset.done $0x0  }
0x37: {  	s17 =	simm.s32 $0x16140;
	[sflag:s1] =	ssyncadd.s32 $0xFFFFF000;
	s1 =	rddreg [dreg:$0xa]  }
.LBB2_1:
0x38: {  	[dreg:$0x12] =	wrdreg s7  }
0x39: {  	s0 =	rddreg [dreg:$0x5];
	s22 =	simm.s32 $0x15  }
0x3a: {  	[tilespmem:s3], [sflag:$0x15] =	stream.linear.gather [hbm4b:s0+s3], $0x1900, $0x38;
	[tilespmem:$0x1E140] =	vst v63  }
0x3b: {  	_ =	swait.ge [sflag:s22], $0x1900  }
0x3c: {  	[sflag:s22] =	ssyncset.done $0x0  }
0x3d: {  	s11 =	simm.s32 $0x1900;
	s26 =	rddreg [dreg:$0x6];
	[sflag:s22] =	ssyncadd.s32 $0xFFFFE700  }
0x3e: {  	[tilespmem:s11], [sflag:$0x15] =	stream.linear.gather [hbm4b:s26+s3], $0x1900, $0x38;
	[tilespmem:$0x1E140] =	vst v63  }
0x3f: {  	_ =	swait.ge [sflag:s22], $0x1900  }
0x40: {  	[sflag:s22] =	ssyncset.done $0x0  }
0x41: {  	s15 =	simm.s32 $0x3200;
	s28 =	rddreg [dreg:$0x7];
	[sflag:s22] =	ssyncadd.s32 $0xFFFFE700  }
0x42: {  	[tilespmem:s15], [sflag:$0x15] =	stream.linear.gather [hbm4b:s28+s3], $0x1900, $0x38;
	[tilespmem:$0x1E140] =	vst v63  }
0x43: {  	_ =	swait.ge [sflag:s22], $0x1900  }
0x44: {  	[sflag:s22] =	ssyncset.done $0x0  }
0x45: {  	s16 =	simm.s32 $0x4B00;
	s29 =	rddreg [dreg:$0x8];
	[sflag:s22] =	ssyncadd.s32 $0xFFFFE700  }
0x46: {  	[tilespmem:s16], [sflag:$0x15] =	stream.linear.gather [hbm4b:s29+s3], $0x640, $0x38;
	[tilespmem:$0x1E140] =	vst v63  }
0x47: {  	_ =	swait.ge [sflag:s22], $0x640  }
0x48: {  	[sflag:s22] =	ssyncset.done $0x0  }
0x49: {  	s31 =	simm.s32 $0x5140;
	[sflag:s22] =	ssyncadd.s32 $0xFFFFF9C0  }
0x4a: {  	[tilespmem:s31], [sflag:$0x1] =	stream.indirect.gather [hbm4b:s4+s24], $0x40, s3, s24, $0xb8;
	[tilespmem:$0x1E140] =	vst v63  }
0x4b: {  	s0 =	simm.s32 $0xF140  }
0x4c: {  	[tilespmem:s0], [sflag:$0x1] =	stream.indirect.gather [hbm4b:s5+s24], $0x20, s11, s24, $0xb8;
	[tilespmem:$0x1E140] =	vst v63  }
0x4d: {  	s12 =	simm.s32 $0x14140  }
0x4e: {  	[tilespmem:s12], [sflag:$0x1] =	stream.indirect.gather [hbm4b:s6+s24], $0x20, s15, s24, $0xb8;
	[tilespmem:$0x1E140] =	vst v63  }
0x4f: {  	s13 =	simm.s32 $0x7140  }
0x50: {  	[tilespmem:s13], [sflag:$0x2] =	stream.indirect.gather [hbm4b:s4+s24], $0x40, s24, s24, $0xb8;
	[tilespmem:$0x1E140] =	vst v63  }
0x51: {  	s14 =	simm.s32 $0x1980;
	s15 =	simm.s32 $0x10140  }
0x52: {  	[tilespmem:s15], [sflag:$0x2] =	stream.indirect.gather [hbm4b:s5+s24], $0x20, s14, s24, $0xb8;
	[tilespmem:$0x1E140] =	vst v63  }
0x53: {  	s16 =	simm.s32 $0x3280;
	s22 =	simm.s32 $0x15140  }
0x54: {  	[tilespmem:s22], [sflag:$0x2] =	stream.indirect.gather [hbm4b:s6+s24], $0x20, s16, s24, $0xb8;
	[tilespmem:$0x1E140] =	vst v63  }
0x55: {  	s26 =	simm.s32 $0x100  }
0x56: {  	[tilespmem:s23], [sflag:$0x3] =	stream.indirect.gather [hbm4b:s4+s24], $0x40, s26, s24, $0xb8;
	[tilespmem:$0x1E140] =	vst v63  }
0x57: {  	s30 =	simm.s32 $0x0;
	s28 =	simm.s32 $0x1A00;
	s29 =	simm.s32 $0x11140  }
0x58: {  	[tilespmem:s29], [sflag:$0x3] =	stream.indirect.gather [hbm4b:s5+s24], $0x20, s28, s24, $0xb8;
	[tilespmem:$0x1E140] =	vst v63  }
0x59: {  	s7 =	simm.s32 $0x0;
	s31 =	simm.s32 $0x3300;
	s0 =	simm.s32 $0x11140  }
0x5a: {  	[tilespmem:s17], [sflag:$0x3] =	stream.indirect.gather [hbm4b:s6+s24], $0x20, s31, s24, $0xb8;
	[tilespmem:$0x1E140] =	vst v63  }
.LBB2_2:
0x5b: {  	_ =	swait.ge [sflag:s8], $0x2000  }
0x5c: {  	[sflag:s8] =	ssyncset.done $0x0  }
0x5d: {  	[sflag:s8] =	ssyncadd.s32 $0xFFFFE000  }
0x5e: {  	_ =	swait.ge [sflag:s8], $0x1000  }
0x5f: {  	[sflag:s8] =	ssyncset.done $0x0  }
0x60: {  	[sflag:s8] =	ssyncadd.s32 $0xFFFFF000  }
0x61: {  	_ =	swait.ge [sflag:s8], $0x1000  }
0x62: {  	[sflag:s8] =	ssyncset.done $0x0  }
0x63: {  	s15 =	sadd.s32 s7, s1;
	s11 =	simm.s32 $0x5140;
	[sflag:s8] =	ssyncadd.s32 $0xFFFFF000  }
0x64: {  	[hbm4b:s15+s9] =	stream.strided.scatter [tilespmem:s11], [sflag:$0x6], $0x2000, s24, s9, $0x38;
	[tilespmem:$0x1E140] =	vst v63  }
0x65: {  	s16 =	simm.s32 $0xF140;
	p0 =	seq.s32 s7, $0x0;
	s29 =	sadd.s32 $0x8, s15  }
0x66: {  	[hbm4b:s29+s10] =	stream.strided.scatter [tilespmem:s16], [sflag:$0x6], $0x1000, s24, s10, $0x38;
	[tilespmem:$0x1E140] =	vst v63  }
0x67: {  	s12 =	simm.s32 $0x14140;
	s31 =	sadd.s32 $0xC, s15;
	s16 =	simm.s32 @!p0 $0x9  }
0x68: {  	[hbm4b:s31+s10] =	stream.strided.scatter [tilespmem:s12], [sflag:$0x6], $0x1000, s24, s10, $0x38;
	[tilespmem:$0x1E140] =	vst v63  }
0x69: {  	_ =	swait.ge @!p0 [sflag:s16], $0x2000  }
0x6a: {  	[sflag:s16] =	ssyncset.done @!p0 $0x0  }
0x6b: {  	[sflag:s16] =	ssyncadd.s32 @!p0 $0xFFFFE000  }
0x6c: {  	_ =	swait.ge @!p0 [sflag:s16], $0x1000  }
0x6d: {  	[sflag:s16] =	ssyncset.done @!p0 $0x0  }
0x6e: {  	[sflag:s16] =	ssyncadd.s32 @!p0 $0xFFFFF000  }
0x6f: {  	_ =	swait.ge @!p0 [sflag:s16], $0x1000  }
0x70: {  	s11 =	sshra.s32 s30, $0x2;
	[sflag:s16] =	ssyncset.done @!p0 $0x0  }
0x71: {  	s13 =	sadd.s32 $0x180, s11;
	s29 =	simm.s32 $0xB140;
	[sflag:s16] =	ssyncadd.s32 @!p0 $0xFFFFF000  }
0x72: {  	[tilespmem:s29], [sflag:$0x4] =	stream.indirect.gather [hbm4b:s4+s24], $0x40, s13, s24, $0xb8;
	[tilespmem:$0x1E140] =	vst v63  }
0x73: {  	s14 =	sadd.s32 $0x1A80, s11;
	s31 =	simm.s32 $0x12140  }
0x74: {  	[tilespmem:s31], [sflag:$0x4] =	stream.indirect.gather [hbm4b:s5+s24], $0x20, s14, s24, $0xb8;
	[tilespmem:$0x1E140] =	vst v63  }
0x75: {  	s26 =	simm.s32 $0x17140;
	s22 =	sadd.s32 $0x3380, s11  }
0x76: {  	[tilespmem:s26], [sflag:$0x4] =	stream.indirect.gather [hbm4b:s6+s24], $0x20, s22, s24, $0xb8;
	[tilespmem:$0x1E140] =	vst v63  }
0x77: {  	_ =	swait.ge [sflag:s21], $0x2000  }
0x78: {  	[sflag:s21] =	ssyncset.done $0x0  }
0x79: {  	[sflag:s21] =	ssyncadd.s32 $0xFFFFE000  }
0x7a: {  	_ =	swait.ge [sflag:s21], $0x1000  }
0x7b: {  	[sflag:s21] =	ssyncset.done $0x0  }
0x7c: {  	[sflag:s21] =	ssyncadd.s32 $0xFFFFF000  }
0x7d: {  	_ =	swait.ge [sflag:s21], $0x1000  }
0x7e: {  	[sflag:s21] =	ssyncset.done $0x0  }
0x7f: {  	s12 =	sadd.s32 $0x800, s15;
	s22 =	simm.s32 $0x7140;
	[sflag:s21] =	ssyncadd.s32 $0xFFFFF000  }
0x80: {  	[hbm4b:s12+s9] =	stream.strided.scatter [tilespmem:s22], [sflag:$0x7], $0x2000, s24, s9, $0x38;
	[tilespmem:$0x1E140] =	vst v63  }
0x81: {  	s13 =	sadd.s32 $0x808, s15;
	s14 =	simm.s32 $0x10140  }
0x82: {  	[hbm4b:s13+s10] =	stream.strided.scatter [tilespmem:s14], [sflag:$0x7], $0x1000, s24, s10, $0x38;
	[tilespmem:$0x1E140] =	vst v63  }
0x83: {  	s16 =	simm.s32 @!p0 $0xA;
	s22 =	sadd.s32 $0x80C, s15;
	s12 =	simm.s32 $0x15140  }
0x84: {  	[hbm4b:s22+s10] =	stream.strided.scatter [tilespmem:s12], [sflag:$0x7], $0x1000, s24, s10, $0x38;
	[tilespmem:$0x1E140] =	vst v63  }
0x85: {  	_ =	swait.ge @!p0 [sflag:s16], $0x2000  }
0x86: {  	[sflag:s16] =	ssyncset.done @!p0 $0x0  }
0x87: {  	[sflag:s16] =	ssyncadd.s32 @!p0 $0xFFFFE000  }
0x88: {  	_ =	swait.ge @!p0 [sflag:s16], $0x1000  }
0x89: {  	[sflag:s16] =	ssyncset.done @!p0 $0x0  }
0x8a: {  	[sflag:s16] =	ssyncadd.s32 @!p0 $0xFFFFF000  }
0x8b: {  	_ =	swait.ge @!p0 [sflag:s16], $0x1000  }
0x8c: {  	[sflag:s16] =	ssyncset.done @!p0 $0x0  }
0x8d: {  	s13 =	sadd.s32 $0x200, s11;
	s12 =	simm.s32 $0xD140;
	[sflag:s16] =	ssyncadd.s32 @!p0 $0xFFFFF000  }
0x8e: {  	[tilespmem:s12], [sflag:$0x5] =	stream.indirect.gather [hbm4b:s4+s24], $0x40, s13, s24, $0xb8;
	[tilespmem:$0x1E140] =	vst v63  }
0x8f: {  	s14 =	sadd.s32 $0x1B00, s11;
	s13 =	simm.s32 $0x13140  }
0x90: {  	[tilespmem:s13], [sflag:$0x5] =	stream.indirect.gather [hbm4b:s5+s24], $0x20, s14, s24, $0xb8;
	[tilespmem:$0x1E140] =	vst v63  }
0x91: {  	s22 =	sadd.s32 $0x3400, s11;
	s14 =	simm.s32 $0x18140  }
0x92: {  	[tilespmem:s14], [sflag:$0x5] =	stream.indirect.gather [hbm4b:s6+s24], $0x20, s22, s24, $0xb8;
	[tilespmem:$0x1E140] =	vst v63  }
0x93: {  	_ =	swait.ge [sflag:s18], $0x2000  }
0x94: {  	[sflag:s18] =	ssyncset.done $0x0  }
0x95: {  	[sflag:s18] =	ssyncadd.s32 $0xFFFFE000  }
0x96: {  	_ =	swait.ge [sflag:s18], $0x1000  }
0x97: {  	[sflag:s18] =	ssyncset.done $0x0  }
0x98: {  	[sflag:s18] =	ssyncadd.s32 $0xFFFFF000  }
0x99: {  	_ =	swait.ge [sflag:s18], $0x1000  }
0x9a: {  	[sflag:s18] =	ssyncset.done $0x0  }
0x9b: {  	s22 =	sadd.s32 $0x1000, s15;
	[sflag:s18] =	ssyncadd.s32 $0xFFFFF000  }
0x9c: {  	[hbm4b:s22+s9] =	stream.strided.scatter [tilespmem:s23], [sflag:$0x8], $0x2000, s24, s9, $0x38;
	[tilespmem:$0x1E140] =	vst v63  }
0x9d: {  	s22 =	sadd.s32 $0x1008, s15  }
0x9e: {  	[hbm4b:s22+s10] =	stream.strided.scatter [tilespmem:s0], [sflag:$0x8], $0x1000, s24, s10, $0x38;
	[tilespmem:$0x1E140] =	vst v63  }
0x9f: {  	p0 =	seq.s32 s7, $0x16800;
	s15 =	sadd.s32 $0x100C, s15  }
0xa0: {  	[hbm4b:s15+s10] =	stream.strided.scatter [tilespmem:s17], [sflag:$0x8], $0x1000, s24, s10, $0x38;
	[tilespmem:$0x1E140] =	vst v63  }
0xa1: {  	s15 =	simm.s32 @!p0 $0x6  }
0xa2: {  	_ =	swait.ge @!p0 [sflag:s15], $0x2000  }
0xa3: {  	[sflag:s15] =	ssyncset.done @!p0 $0x0  }
0xa4: {  	[sflag:s15] =	ssyncadd.s32 @!p0 $0xFFFFE000  }
0xa5: {  	_ =	swait.ge @!p0 [sflag:s15], $0x1000  }
0xa6: {  	[sflag:s15] =	ssyncset.done @!p0 $0x0  }
0xa7: {  	[sflag:s15] =	ssyncadd.s32 @!p0 $0xFFFFF000  }
0xa8: {  	_ =	swait.ge @!p0 [sflag:s15], $0x1000  }
0xa9: {  	[sflag:s15] =	ssyncset.done @!p0 $0x0  }
0xaa: {  	[sflag:s15] =	ssyncadd.s32 @!p0 $0xFFFFF000;
	s15 =	sshra.s32 @!p0 s30, $0x2  }
0xab: {  	s23 =	simm.s32 @!p0 $0x5140;
	s22 =	simm.s32 @!p0 $0x80;
	s16 =	sadd.s32 @!p0 $0x280, s15  }
0xac: {  	[tilespmem:s23], [sflag:$0x1] =	stream.indirect.gather @!p0 [hbm4b:s4+s22], $0x40, s16, s22, $0xb8;
	[tilespmem:$0x1E140] =	vst v63  }
0xad: {  	s16 =	sadd.s32 @!p0 $0x1B80, s15;
	s23 =	simm.s32 @!p0 $0xF140  }
0xae: {  	[tilespmem:s23], [sflag:$0x1] =	stream.indirect.gather @!p0 [hbm4b:s5+s22], $0x20, s16, s22, $0xb8;
	[tilespmem:$0x1E140] =	vst v63  }
0xaf: {  	s16 =	sadd.s32 @!p0 $0x3480, s15;
	s23 =	simm.s32 @!p0 $0x14140  }
0xb0: {  	[tilespmem:s23], [sflag:$0x1] =	stream.indirect.gather @!p0 [hbm4b:s6+s22], $0x20, s16, s22, $0xb8;
	[tilespmem:$0x1E140] =	vst v63  }
0xb1: {  	_ =	swait.ge [sflag:s19], $0x2000  }
0xb2: {  	[sflag:s19] =	ssyncset.done $0x0  }
0xb3: {  	[sflag:s19] =	ssyncadd.s32 $0xFFFFE000  }
0xb4: {  	_ =	swait.ge [sflag:s19], $0x1000  }
0xb5: {  	[sflag:s19] =	ssyncset.done $0x0  }
0xb6: {  	[sflag:s19] =	ssyncadd.s32 $0xFFFFF000  }
0xb7: {  	_ =	swait.ge [sflag:s19], $0x1000  }
0xb8: {  	[sflag:s19] =	ssyncset.done $0x0;
	s23 =	rddreg [dreg:$0xc]  }
0xb9: {  	[sflag:s19] =	ssyncadd.s32 $0xFFFFF000;
	s16 =	sadd.s32 s7, s23  }
0xba: {  	[hbm4b:s16+s9] =	stream.strided.scatter [tilespmem:s29], [sflag:$0x9], $0x2000, s24, s9, $0x38;
	[tilespmem:$0x1E140] =	vst v63  }
0xbb: {  	s29 =	sadd.s32 $0x8, s16  }
0xbc: {  	[hbm4b:s29+s10] =	stream.strided.scatter [tilespmem:s31], [sflag:$0x9], $0x1000, s24, s10, $0x38;
	[tilespmem:$0x1E140] =	vst v63  }
0xbd: {  	s16 =	sadd.s32 $0xC, s16  }
0xbe: {  	[hbm4b:s16+s10] =	stream.strided.scatter [tilespmem:s26], [sflag:$0x9], $0x1000, s24, s10, $0x38;
	[tilespmem:$0x1E140] =	vst v63  }
0xbf: {  	s16 =	simm.s32 @!p0 $0x7  }
0xc0: {  	_ =	swait.ge @!p0 [sflag:s16], $0x2000  }
0xc1: {  	[sflag:s16] =	ssyncset.done @!p0 $0x0  }
0xc2: {  	[sflag:s16] =	ssyncadd.s32 @!p0 $0xFFFFE000  }
0xc3: {  	_ =	swait.ge @!p0 [sflag:s16], $0x1000  }
0xc4: {  	[sflag:s16] =	ssyncset.done @!p0 $0x0  }
0xc5: {  	[sflag:s16] =	ssyncadd.s32 @!p0 $0xFFFFF000  }
0xc6: {  	_ =	swait.ge @!p0 [sflag:s16], $0x1000  }
0xc7: {  	[sflag:s16] =	ssyncset.done @!p0 $0x0  }
0xc8: {  	s23 =	simm.s32 @!p0 $0x7140;
	[sflag:s16] =	ssyncadd.s32 @!p0 $0xFFFFF000;
	s16 =	sadd.s32 @!p0 $0x300, s15  }
0xc9: {  	[tilespmem:s23], [sflag:$0x2] =	stream.indirect.gather @!p0 [hbm4b:s4+s22], $0x40, s16, s22, $0xb8;
	[tilespmem:$0x1E140] =	vst v63  }
0xca: {  	s16 =	sadd.s32 @!p0 $0x1C00, s15;
	s23 =	simm.s32 @!p0 $0x10140  }
0xcb: {  	[tilespmem:s23], [sflag:$0x2] =	stream.indirect.gather @!p0 [hbm4b:s5+s22], $0x20, s16, s22, $0xb8;
	[tilespmem:$0x1E140] =	vst v63  }
0xcc: {  	s15 =	sadd.s32 @!p0 $0x3500, s15;
	s16 =	simm.s32 @!p0 $0x15140  }
0xcd: {  	[tilespmem:s16], [sflag:$0x2] =	stream.indirect.gather @!p0 [hbm4b:s6+s22], $0x20, s15, s22, $0xb8;
	[tilespmem:$0x1E140] =	vst v63  }
0xce: {  	_ =	swait.ge [sflag:s20], $0x2000  }
0xcf: {  	[sflag:s20] =	ssyncset.done $0x0  }
0xd0: {  	[sflag:s20] =	ssyncadd.s32 $0xFFFFE000  }
0xd1: {  	_ =	swait.ge [sflag:s20], $0x1000  }
0xd2: {  	[sflag:s20] =	ssyncset.done $0x0  }
0xd3: {  	[sflag:s20] =	ssyncadd.s32 $0xFFFFF000  }
0xd4: {  	_ =	swait.ge [sflag:s20], $0x1000  }
0xd5: {  	[sflag:s20] =	ssyncset.done $0x0;
	s29 =	rddreg [dreg:$0xb]  }
0xd6: {  	[sflag:s20] =	ssyncadd.s32 $0xFFFFF000;
	s15 =	sadd.s32 s7, s29  }
0xd7: {  	[hbm4b:s15+s9] =	stream.strided.scatter [tilespmem:s12], [sflag:$0xA], $0x2000, s24, s9, $0x38;
	[tilespmem:$0x1E140] =	vst v63  }
.Ltmp2:
0xd8: {  	_ = 	snop;
	(pc) =	sbr.rel @p0 .LBB2_4-.Ltmp2, $4  }
0xd9: {  	s28 =	simm.s32 $0x16140;
	s31 =	sadd.s32 $0x8, s15  }
0xda: {  	[hbm4b:s31+s10] =	stream.strided.scatter [tilespmem:s13], [sflag:$0xA], $0x1000, s24, s10, $0x38;
	[tilespmem:$0x1E140] =	vst v63  }
0xdb: {  	s0 =	simm.s32 $0x9140;
	s17 =	simm.s32 $0x11140;
	s15 =	sadd.s32 $0xC, s15  }
0xdc: {  	[hbm4b:s15+s10] =	stream.strided.scatter [tilespmem:s14], [sflag:$0xA], $0x1000, s24, s10, $0x38;
	[tilespmem:$0x1E140] =	vst v63  }
0xdd: {  	_ =	swait.ge [sflag:s25], $0x2000  }
0xde: {  	[sflag:s25] =	ssyncset.done $0x0  }
0xdf: {  	[sflag:s25] =	ssyncadd.s32 $0xFFFFE000  }
0xe0: {  	_ =	swait.ge [sflag:s25], $0x1000  }
0xe1: {  	[sflag:s25] =	ssyncset.done $0x0  }
0xe2: {  	[sflag:s25] =	ssyncadd.s32 $0xFFFFF000  }
0xe3: {  	_ =	swait.ge [sflag:s25], $0x1000  }
0xe4: {  	[sflag:s25] =	ssyncset.done $0x0  }
0xe5: {  	s15 =	sadd.s32 $0x380, s11;
	[sflag:s25] =	ssyncadd.s32 $0xFFFFF000  }
0xe6: {  	[tilespmem:s0], [sflag:$0x3] =	stream.indirect.gather [hbm4b:s4+s24], $0x40, s15, s24, $0xb8;
	[tilespmem:$0x1E140] =	vst v63  }
.Ltmp3:
0xe7: {  	s29 =	sadd.s32 $0x1C80, s11;
	(pc) =	sbr.rel .LBB2_2-.Ltmp3, $4  }
0xe8: {  	s31 =	sadd.s32 $0x3580, s11;
	s7 =	sadd.s32 $0x2800, s7;
	s30 =	sadd.s32 $0xA00, s30  }
0xe9: {  	[tilespmem:s17], [sflag:$0x3] =	stream.indirect.gather [hbm4b:s5+s24], $0x20, s29, s24, $0xb8;
	[tilespmem:$0x1E140] =	vst v63  }
0xea: {  	s23 =	simm.s32 $0x9140;
	s0 =	simm.s32 $0x11140;
	s17 =	simm.s32 $0x16140  }
0xeb: {  	[tilespmem:s28], [sflag:$0x3] =	stream.indirect.gather [hbm4b:s6+s24], $0x20, s31, s24, $0xb8;
	[tilespmem:$0x1E140] =	vst v63  }
.LBB2_4:
0xec: {  	s0 =	simm.s32 $0x6  }
0xed: {  	_ =	swait.ge [sflag:s0], $0x2000  }
0xee: {  	[sflag:s0] =	ssyncset.done $0x0  }
0xef: {  	[sflag:s0] =	ssyncadd.s32 $0xFFFFE000  }
0xf0: {  	_ =	swait.ge [sflag:s0], $0x1000  }
0xf1: {  	[sflag:s0] =	ssyncset.done $0x0  }
0xf2: {  	[sflag:s0] =	ssyncadd.s32 $0xFFFFF000  }
0xf3: {  	_ =	swait.ge [sflag:s0], $0x1000  }
0xf4: {  	[sflag:s0] =	ssyncset.done $0x0  }
0xf5: {  	s17 =	simm.s32 $0x7;
	[sflag:s0] =	ssyncadd.s32 $0xFFFFF000  }
0xf6: {  	_ =	swait.ge [sflag:s17], $0x2000  }
0xf7: {  	[sflag:s17] =	ssyncset.done $0x0  }
0xf8: {  	[sflag:s17] =	ssyncadd.s32 $0xFFFFE000  }
0xf9: {  	_ =	swait.ge [sflag:s17], $0x1000  }
0xfa: {  	[sflag:s17] =	ssyncset.done $0x0  }
0xfb: {  	[sflag:s17] =	ssyncadd.s32 $0xFFFFF000  }
0xfc: {  	_ =	swait.ge [sflag:s17], $0x1000  }
0xfd: {  	[sflag:s17] =	ssyncset.done $0x0  }
0xfe: {  	[sflag:s17] =	ssyncadd.s32 $0xFFFFF000  }
0xff: {  	_ =	swait.ge [sflag:s25], $0x2000  }
0x100: {  	[sflag:s25] =	ssyncset.done $0x0  }
0x101: {  	[sflag:s25] =	ssyncadd.s32 $0xFFFFE000  }
0x102: {  	_ =	swait.ge [sflag:s25], $0x1000  }
0x103: {  	[sflag:s25] =	ssyncset.done $0x0  }
0x104: {  	[sflag:s25] =	ssyncadd.s32 $0xFFFFF000  }
0x105: {  	_ =	swait.ge [sflag:s25], $0x1000  }
0x106: {  	[sflag:s25] =	ssyncset.done $0x0  }
0x107: {  	s22 =	simm.s32 $0x9;
	[sflag:s25] =	ssyncadd.s32 $0xFFFFF000  }
0x108: {  	_ =	swait.ge [sflag:s22], $0x2000  }
0x109: {  	[sflag:s22] =	ssyncset.done $0x0  }
0x10a: {  	[sflag:s22] =	ssyncadd.s32 $0xFFFFE000  }
0x10b: {  	_ =	swait.ge [sflag:s22], $0x1000  }
0x10c: {  	[sflag:s22] =	ssyncset.done $0x0  }
0x10d: {  	[sflag:s22] =	ssyncadd.s32 $0xFFFFF000  }
0x10e: {  	_ =	swait.ge [sflag:s22], $0x1000  }
0x10f: {  	[sflag:s22] =	ssyncset.done $0x0  }
0x110: {  	s23 =	simm.s32 $0xA;
	[sflag:s22] =	ssyncadd.s32 $0xFFFFF000  }
0x111: {  	_ =	swait.ge [sflag:s23], $0x2000  }
0x112: {  	[sflag:s23] =	ssyncset.done $0x0  }
0x113: {  	[sflag:s23] =	ssyncadd.s32 $0xFFFFE000  }
0x114: {  	_ =	swait.ge [sflag:s23], $0x1000  }
0x115: {  	[sflag:s23] =	ssyncset.done $0x0  }
0x116: {  	[sflag:s23] =	ssyncadd.s32 $0xFFFFF000  }
0x117: {  	s26 =	simm.s32 $0x4B00;
	_ =	swait.ge [sflag:s23], $0x1000  }
0x118: {  	s12 =	simm.s32 $0x19140;
	s28 =	simm.s32 $0x4B20;
	s11 =	rddreg [dreg:$0x11]  }
0x119: {  	s13 =	simm.s32 $0x1A140;
	[sflag:s23] =	ssyncset.done $0x0;
	s30 =	rddreg [dreg:$0x10]  }
0x11a: {  	s29 =	simm.s32 $0x4B40;
	s15 =	rddreg [dreg:$0xf];
	[sflag:s23] =	ssyncadd.s32 $0xFFFFF000  }
0x11b: {  	[tilespmem:s12], [sflag:$0xB] =	stream.indirect.gather [hbm4b:s2+s10], $0x80, s26, s10, $0xb8;
	[tilespmem:$0x1E140] =	vst v63  }
0x11c: {  	s14 =	simm.s32 $0x1B140;
	s7 =	simm.s32 $0x0;
	s16 =	rddreg [dreg:$0xe]  }
0x11d: {  	[tilespmem:s13], [sflag:$0xC] =	stream.indirect.gather [hbm4b:s2+s10], $0x80, s28, s10, $0xb8;
	[tilespmem:$0x1E140] =	vst v63  }
0x11e: {  	s31 =	simm.s32 $0x1C140;
	s22 =	rddreg [dreg:$0xd];
	s26 =	simm.s32 $0xB  }
0x11f: {  	[tilespmem:s14], [sflag:$0xD] =	stream.indirect.gather [hbm4b:s2+s10], $0x80, s29, s10, $0xb8;
	[tilespmem:$0x1E140] =	vst v63  }
.LBB2_5:
0x120: {  	_ =	swait.ge [sflag:s26], $0x1000  }
0x121: {  	p0 =	seq.s32 s7, $0x0;
	[sflag:s26] =	ssyncset.done $0x0  }
0x122: {  	s17 =	simm.s32 @!p0 $0x13;
	[sflag:s26] =	ssyncadd.s32 $0xFFFFF000  }
0x123: {  	[hbm4b:s15+s3] =	stream.linear.scatter [tilespmem:s12], [sflag:$0x10], $0x1000, $0x38;
	[tilespmem:$0x1E140] =	vst v63  }
0x124: {  	_ =	swait.ge @!p0 [sflag:s17], $0x1000  }
0x125: {  	s23 =	sshra.s32 s7, $0x2;
	[sflag:s17] =	ssyncset.done @!p0 $0x0  }
0x126: {  	s0 =	simm.s32 $0xC;
	s29 =	sadd.s32 $0x4B60, s23;
	[sflag:s17] =	ssyncadd.s32 @!p0 $0xFFFFF000  }
0x127: {  	[tilespmem:s31], [sflag:$0xE] =	stream.indirect.gather [hbm4b:s2+s10], $0x80, s29, s10, $0xb8;
	[tilespmem:$0x1E140] =	vst v63  }
0x128: {  	_ =	swait.ge [sflag:s0], $0x1000  }
0x129: {  	[sflag:s0] =	ssyncset.done $0x0  }
0x12a: {  	s17 =	simm.s32 @!p0 $0x14;
	[sflag:s0] =	ssyncadd.s32 $0xFFFFF000  }
0x12b: {  	[hbm4b:s16+s3] =	stream.linear.scatter [tilespmem:s13], [sflag:$0x11], $0x1000, $0x38;
	[tilespmem:$0x1E140] =	vst v63  }
0x12c: {  	_ =	swait.ge @!p0 [sflag:s17], $0x1000  }
0x12d: {  	s1 =	simm.s32 $0x1D140;
	[sflag:s17] =	ssyncset.done @!p0 $0x0  }
0x12e: {  	s28 =	simm.s32 $0xD;
	s0 =	sadd.s32 $0x4B80, s23;
	[sflag:s17] =	ssyncadd.s32 @!p0 $0xFFFFF000  }
0x12f: {  	[tilespmem:s1], [sflag:$0xF] =	stream.indirect.gather [hbm4b:s2+s10], $0x80, s0, s10, $0xb8;
	[tilespmem:$0x1E140] =	vst v63  }
0x130: {  	_ =	swait.ge [sflag:s28], $0x1000  }
0x131: {  	p0 =	seq.s32 s7, $0x1680;
	[sflag:s28] =	ssyncset.done $0x0  }
0x132: {  	s17 =	simm.s32 @!p0 $0x10;
	[sflag:s28] =	ssyncadd.s32 $0xFFFFF000  }
0x133: {  	[hbm4b:s22+s3] =	stream.linear.scatter [tilespmem:s14], [sflag:$0x12], $0x1000, $0x38;
	[tilespmem:$0x1E140] =	vst v63  }
0x134: {  	_ =	swait.ge @!p0 [sflag:s17], $0x1000  }
0x135: {  	[sflag:s17] =	ssyncset.done @!p0 $0x0  }
0x136: {  	[sflag:s17] =	ssyncadd.s32 @!p0 $0xFFFFF000;
	s17 =	sshra.s32 @!p0 s7, $0x2  }
0x137: {  	s0 =	simm.s32 @!p0 $0x20;
	s28 =	simm.s32 @!p0 $0x19140;
	s29 =	sadd.s32 @!p0 $0x4BA0, s17  }
0x138: {  	[tilespmem:s28], [sflag:$0xB] =	stream.indirect.gather @!p0 [hbm4b:s2+s0], $0x80, s29, s0, $0xb8;
	[tilespmem:$0x1E140] =	vst v63  }
0x139: {  	s29 =	simm.s32 $0xE  }
0x13a: {  	_ =	swait.ge [sflag:s29], $0x1000  }
0x13b: {  	[sflag:s29] =	ssyncset.done $0x0  }
0x13c: {  	s28 =	simm.s32 @!p0 $0x11;
	[sflag:s29] =	ssyncadd.s32 $0xFFFFF000  }
0x13d: {  	[hbm4b:s11+s3] =	stream.linear.scatter [tilespmem:s31], [sflag:$0x13], $0x1000, $0x38;
	[tilespmem:$0x1E140] =	vst v63  }
0x13e: {  	_ =	swait.ge @!p0 [sflag:s28], $0x1000  }
0x13f: {  	[sflag:s28] =	ssyncset.done @!p0 $0x0  }
0x140: {  	s17 =	sadd.s32 @!p0 $0x4BC0, s17;
	[sflag:s28] =	ssyncadd.s32 @!p0 $0xFFFFF000;
	s28 =	simm.s32 @!p0 $0x1A140  }
0x141: {  	[tilespmem:s28], [sflag:$0xC] =	stream.indirect.gather @!p0 [hbm4b:s2+s0], $0x80, s17, s0, $0xb8;
	[tilespmem:$0x1E140] =	vst v63  }
.Ltmp4:
0x142: {  	s29 =	simm.s32 $0xF;
	(pc) =	sbr.rel @p0 .LBB2_7-.Ltmp4, $4  }
0x143: {  	_ =	swait.ge [sflag:s29], $0x1000  }
0x144: {  	[sflag:s29] =	ssyncset.done $0x0  }
0x145: {  	[sflag:s29] =	ssyncadd.s32 $0xFFFFF000  }
0x146: {  	[hbm4b:s30+s3] =	stream.linear.scatter [tilespmem:s1], [sflag:$0x14], $0x1000, $0x38;
	[tilespmem:$0x1E140] =	vst v63  }
.Ltmp5:
0x147: {  	s0 =	simm.s32 $0x12;
	s29 =	sadd.s32 $0x4BE0, s23;
	(pc) =	sbr.rel .LBB2_5-.Ltmp5, $4  }
0x148: {  	s7 =	sadd.s32 $0x280, s7;
	s22 =	sadd.s32 $0xA00, s22;
	_ =	swait.ge [sflag:s0], $0x1000  }
0x149: {  	s16 =	sadd.s32 $0xA00, s16;
	s15 =	sadd.s32 $0xA00, s15;
	[sflag:s0] =	ssyncset.done $0x0  }
0x14a: {  	s30 =	sadd.s32 $0xA00, s30;
	s11 =	sadd.s32 $0xA00, s11;
	[sflag:s0] =	ssyncadd.s32 $0xFFFFF000  }
0x14b: {  	[tilespmem:s14], [sflag:$0xD] =	stream.indirect.gather [hbm4b:s2+s10], $0x80, s29, s10, $0xb8;
	[tilespmem:$0x1E140] =	vst v63  }
.LBB2_8:
0x14c: {  	_ =	sfence.sel $0x180000  }
0x14d: {  	[bflag:$0x0] =	sbarrier.arrive $0xFFFF  }
0x14e: {  	_ =	strace $0x90000047  }
0x14f: {  	s0 =	stileid.u32;
	[bflag:$0x2] =	sbarrier.arrive $0xFFFF  }
0x150: {  	p0 =	sne.s32 s0, $0x0;
	s0 =	rddreg [dreg:$0x4]  }
0x151: {  	s0 =	sadd.s32 @!p0 $0x100000, s0  }
0x152: {  	[sflag:s0] =	ssyncadd.tile.s32 @!p0 $0x1;
	_ =	shalt  }
.Lfunc_end2:
_tile_overlayer_lowered:
.L_overlay_start_2:
0x153: {  	(tag) =	ssettag $0x2  }
0x154: {  	s0 =	rddreg [dreg:$0x0];
	s2 =	stileid.u32  }
0x155: {  	s1 =	rddreg [dreg:$0x1];
	p0 =	sne.s32 s2, $0x0  }
0x156: {  	s3 =	rddreg [dreg:$0x2];
	[bflag:$0x3] =	sbarrier.arrive $0xFFFF;
	s2 =	simm.s32 @!p0 $0x1C15  }
0x157: {  	[timem:s3], [sflag:s2] =	dma.local @!p0 [hbm:s0], s1  }
0x158: {  	s0 =	simm.s32 @!p0 $0x15  }
0x159: {  	_ =	swait.ge @!p0 [sflag:s0], s1  }
0x15a: {  	s1 =	ssub.s32 @!p0 $0x0, s1;
	[sflag:s0] =	ssyncset.done @!p0 $0x0  }
0x15b: {  	[sflag:s0] =	ssyncadd.s32 @!p0 s1  }
0x15c: {  	[bflag:$0x3] =	sbarrier.arrive $0xFFFF  }
0x15d: {  	_ =	shalt  }

</sc_bundles>
